<compile_context>
chip_gen: v7x
topology: tpu7x:2x2x1
jax: 0.10.2.dev20260603
libtpu: 0.0.44.dev20260713+nightly
codegen_flags: <defaults>
</compile_context>

<pallas_src>
import functools

import jax
import jax.numpy as jnp
from jax import lax
from jax.experimental import pallas as pl
from jax.experimental.pallas import tpu as pltpu
from jax.experimental.pallas import tpu_sc as plsc

_NUM_SC_CORES = 2
_NUM_SC_SUBCORES = 16
_LANES = 16


def _sc_gather(gmf_emb, mlp_emb, i0, i1):
    B = i0.shape[0]
    D = gmf_emb.shape[1]
    nw = _NUM_SC_CORES * _NUM_SC_SUBCORES
    b_per_w = B // nw
    assert B % (8 * nw) == 0
    chunk = 64
    n_par = 3
    n_chunks = b_per_w // chunk
    assert n_chunks >= 2 and b_per_w % chunk == 0
    mesh = plsc.VectorSubcoreMesh(core_axis_name="c", subcore_axis_name="s")
    out_t = jax.ShapeDtypeStruct((B, D), jnp.float32)

    buf_t = pltpu.VMEM((chunk, D), jnp.float32)
    n_bufs = 5 * n_par

    @functools.partial(
        pl.kernel,
        mesh=mesh,
        out_type=[out_t, out_t, out_t],
        scratch_types=[
            pltpu.VMEM((b_per_w,), jnp.int32),
            pltpu.VMEM((b_per_w,), jnp.int32),
        ] + [buf_t] * n_bufs + [pltpu.SemaphoreType.DMA] * (2 * n_bufs),
    )
    def gather_kernel(gmf_hbm, mlp_hbm, i0_hbm, i1_hbm,
                      p_hbm, m0_hbm, m1_hbm,
                      idx0_v, idx1_v, *rest):
        bufs = rest[:n_bufs]
        g_sems = rest[n_bufs:2 * n_bufs]
        w_sems = rest[2 * n_bufs:]
        names = ("g0", "g1", "m0", "m1", "p")

        def bi(s, q):
            return names.index(s) * n_par + q

        wid = lax.axis_index("s") * _NUM_SC_CORES + lax.axis_index("c")
        base = wid * b_per_w
        pltpu.sync_copy(i0_hbm.at[pl.ds(base, b_per_w)], idx0_v)
        pltpu.sync_copy(i1_hbm.at[pl.ds(base, b_per_w)], idx1_v)

        gh = {}
        wh = {}

        def start_gathers(c):
            q = c % n_par
            off = c * chunk
            s0 = idx0_v.at[pl.ds(off, chunk)]
            s1 = idx1_v.at[pl.ds(off, chunk)]
            for s, tbl, idx in (("g0", gmf_hbm, s0), ("g1", gmf_hbm, s1),
                                ("m0", mlp_hbm, s0), ("m1", mlp_hbm, s1)):
                b = bi(s, q)
                gh[(s, c)] = pltpu.async_copy(tbl.at[idx], bufs[b],
                                              g_sems[b])

        for c in range(min(n_par, n_chunks)):
            start_gathers(c)
        for c in range(n_chunks):
            q = c % n_par
            off = c * chunk
            osl = pl.ds(base + off, chunk)
            gh[("g0", c)].wait()
            gh[("g1", c)].wait()
            pbuf = bufs[bi("p", q)]
            b0 = bufs[bi("g0", q)]
            b1 = bufs[bi("g1", q)]

            @pl.loop(0, chunk)
            def _(r):
                for l in range(0, D, _LANES):
                    slc = (pl.ds(r, 1), pl.ds(l, _LANES))
                    pbuf.at[slc][...] = b0.at[slc][...] * b1.at[slc][...]

            wh[("p", c)] = pltpu.async_copy(pbuf, p_hbm.at[osl],
                                            w_sems[bi("p", q)])
            gh[("m0", c)].wait()
            wh[("m0", c)] = pltpu.async_copy(bufs[bi("m0", q)],
                                             m0_hbm.at[osl],
                                             w_sems[bi("m0", q)])
            gh[("m1", c)].wait()
            wh[("m1", c)] = pltpu.async_copy(bufs[bi("m1", q)],
                                             m1_hbm.at[osl],
                                             w_sems[bi("m1", q)])
            if c + n_par < n_chunks:
                for s in ("p", "m0", "m1"):
                    wh[(s, c)].wait()
                start_gathers(c + n_par)
        for c in range(max(0, n_chunks - n_par), n_chunks):
            for s in ("p", "m0", "m1"):
                wh[(s, c)].wait()

    return gather_kernel(gmf_emb, mlp_emb, i0, i1)


def _tc_body(p_r, m0_r, m1_r, w1a_r, w1b_r, b1_r, w2_r, b2_r,
             w3_r, b3_r, wg_r, wm_r, bout_r, o_r):
    bf = jnp.bfloat16

    def mm(a, b):
        return jnp.dot(a.astype(bf), b.astype(bf),
                       preferred_element_type=jnp.float32)

    h = mm(m0_r[...], w1a_r[...]) + mm(m1_r[...], w1b_r[...])
    h = jnp.maximum(h + b1_r[...], 0.0)
    h = jnp.maximum(mm(h, w2_r[...]) + b2_r[...], 0.0)
    h = jnp.maximum(mm(h, w3_r[...]) + b3_r[...], 0.0)
    dn = (((1,), (1,)), ((), ()))
    s = (lax.dot_general(wg_r[...], p_r[...], dn,
                         preferred_element_type=jnp.float32)
         + lax.dot_general(wm_r[...], h, dn,
                           preferred_element_type=jnp.float32)
         + bout_r[...])
    o_r[...] = jax.nn.sigmoid(s)


def _tc_mlp(p, m0, m1, W1, b1, W2, b2, W3, b3, Wout, bout):
    B, D = p.shape
    blk = 2048
    w1a = W1[:D]
    w1b = W1[D:]
    wg = Wout[:D].reshape(1, D)
    wm = Wout[D:].reshape(1, -1)
    grid = (B // blk,)

    def batch_spec():
        return pl.BlockSpec((blk, D), lambda i: (i, 0))

    def full_spec(shape):
        return pl.BlockSpec(shape, lambda i: tuple(0 for _ in shape))

    return pl.pallas_call(
        _tc_body,
        grid=grid,
        in_specs=[
            batch_spec(), batch_spec(), batch_spec(),
            full_spec(w1a.shape), full_spec(w1b.shape),
            full_spec((1, b1.shape[0])),
            full_spec(W2.shape), full_spec((1, b2.shape[0])),
            full_spec(W3.shape), full_spec((1, b3.shape[0])),
            full_spec(wg.shape), full_spec(wm.shape),
            full_spec((1, 1)),
        ],
        out_specs=pl.BlockSpec((1, blk), lambda i: (0, i)),
        out_shape=jax.ShapeDtypeStruct((1, B), jnp.float32),
        compiler_params=pltpu.CompilerParams(
            dimension_semantics=("parallel",),
        ),
    )(p, m0, m1, w1a, w1b, b1.reshape(1, -1), W2, b2.reshape(1, -1),
      W3, b3.reshape(1, -1), wg, wm, bout.reshape(1, 1)).reshape(B, 1)


def kernel(x, gmf_emb, mlp_emb, W1, b1, W2, b2, W3, b3, Wout, bout):
    B = x.shape[0]
    i0 = x[:, 0]
    i1 = x[:, 1]
    n_rounds = 2
    h = B // n_rounds
    outs = []
    for r in range(n_rounds):
        sl = slice(r * h, (r + 1) * h)
        p, m0, m1 = _sc_gather(gmf_emb, mlp_emb, i0[sl], i1[sl])
        outs.append(_tc_mlp(p, m0, m1, W1, b1, W2, b2, W3, b3, Wout, bout))
    return jnp.concatenate(outs, axis=0)

# --- scband reference (transcript-rebuilt; emitter-appended) ---
"""Pipeline reference for scband-ncf-item-item-33758442947317 (READ-ONLY COPY).

The authoritative reference and input builder live on the scoring server;
editing this copy changes nothing except your own understanding.
"""

import jax, jax.numpy as jnp
import numpy as np

ITEM_NUM = 100000
PF = 64
BATCH = 16384

def setup_inputs(seed: int = 0) -> dict:
    key = jax.random.key(seed)
    ks = jax.random.split(key, 12)
    x = jax.random.randint(ks[0], (BATCH, 2), 0, ITEM_NUM, dtype=jnp.int64 if jax.config.jax_enable_x64 else jnp.int32).astype(jnp.int32)
    mlp_emb = jax.random.normal(ks[1], (ITEM_NUM, 2 * PF), dtype=jnp.float32) * 0.01
    gmf_emb = jax.random.normal(ks[2], (ITEM_NUM, 2 * PF), dtype=jnp.float32) * 0.01
    def xavier(k, fan_in, fan_out):
        limit = float(np.sqrt(6.0 / (fan_in + fan_out)))
        return jax.random.uniform(k, (fan_in, fan_out), dtype=jnp.float32, minval=-limit, maxval=limit)
    W1 = xavier(ks[3], 4 * PF, 2 * PF); b1 = jnp.zeros((2 * PF,), jnp.float32)
    W2 = xavier(ks[4], 2 * PF, PF); b2 = jnp.zeros((PF,), jnp.float32)
    W3 = xavier(ks[5], PF, PF // 2); b3 = jnp.zeros((PF // 2,), jnp.float32)
    # output_logits after join_output_weights: input dim = 2*PF + PF//2
    Wout = xavier(ks[6], 2 * PF + PF // 2, 1); bout = jnp.zeros((1,), jnp.float32)
    return {"x": x, "gmf_emb": gmf_emb, "mlp_emb": mlp_emb, "W1": W1, "b1": b1, "W2": W2, "b2": b2, "W3": W3, "b3": b3, "Wout": Wout, "bout": bout}

def reference(x, gmf_emb, mlp_emb, W1, b1, W2, b2, W3, b3, Wout, bout):
    i0 = x[:, 0]
    i1 = x[:, 1]
    # GMF branch: elementwise product of embeddings
    gmf_product = jnp.take(gmf_emb, i0, axis=0) * jnp.take(gmf_emb, i1, axis=0)
    # MLP branch
    h = jnp.concatenate([jnp.take(mlp_emb, i0, axis=0), jnp.take(mlp_emb, i1, axis=0)], axis=1)
    h = jax.nn.relu(h @ W1 + b1)
    h = jax.nn.relu(h @ W2 + b2)
    mlp_output = jax.nn.relu(h @ W3 + b3)
    cat = jnp.concatenate([gmf_product, mlp_output], axis=1)
    return jax.nn.sigmoid(cat @ Wout + bout)

if __name__ == "__main__":
    import jax
    _d = setup_inputs()
    print(jax.jit(kernel)(*tuple(_d.values())))

</pallas_src>

<mosaic_0001>
#map = affine_map<(d0, d1) -> (0, 0)>
#map1 = affine_map<(d0, d1) -> (0)>
module attributes {stable_mosaic.version = 14 : i64} {
  func.func @gather_kernel(%arg0: i32, %arg1: i32, %arg2: memref<100000x128xf32, #tpu.memory_space<hbm>>, %arg3: memref<100000x128xf32, #tpu.memory_space<hbm>>, %arg4: memref<8192xi32, #tpu.memory_space<hbm>>, %arg5: memref<8192xi32, #tpu.memory_space<hbm>>, %arg6: memref<8192x128xf32, #tpu.memory_space<hbm>>, %arg7: memref<8192x128xf32, #tpu.memory_space<hbm>>, %arg8: memref<8192x128xf32, #tpu.memory_space<hbm>>, %arg9: memref<256xi32, #tpu.memory_space<vmem>>, %arg10: memref<256xi32, #tpu.memory_space<vmem>>, %arg11: memref<64x128xf32, #tpu.memory_space<vmem>>, %arg12: memref<64x128xf32, #tpu.memory_space<vmem>>, %arg13: memref<64x128xf32, #tpu.memory_space<vmem>>, %arg14: memref<64x128xf32, #tpu.memory_space<vmem>>, %arg15: memref<64x128xf32, #tpu.memory_space<vmem>>, %arg16: memref<64x128xf32, #tpu.memory_space<vmem>>, %arg17: memref<64x128xf32, #tpu.memory_space<vmem>>, %arg18: memref<64x128xf32, #tpu.memory_space<vmem>>, %arg19: memref<64x128xf32, #tpu.memory_space<vmem>>, %arg20: memref<64x128xf32, #tpu.memory_space<vmem>>, %arg21: memref<64x128xf32, #tpu.memory_space<vmem>>, %arg22: memref<64x128xf32, #tpu.memory_space<vmem>>, %arg23: memref<64x128xf32, #tpu.memory_space<vmem>>, %arg24: memref<64x128xf32, #tpu.memory_space<vmem>>, %arg25: memref<64x128xf32, #tpu.memory_space<vmem>>, %arg26: memref<!tpu.dma_semaphore, #tpu.memory_space<semaphore_mem>>, %arg27: memref<!tpu.dma_semaphore, #tpu.memory_space<semaphore_mem>>, %arg28: memref<!tpu.dma_semaphore, #tpu.memory_space<semaphore_mem>>, %arg29: memref<!tpu.dma_semaphore, #tpu.memory_space<semaphore_mem>>, %arg30: memref<!tpu.dma_semaphore, #tpu.memory_space<semaphore_mem>>, %arg31: memref<!tpu.dma_semaphore, #tpu.memory_space<semaphore_mem>>, %arg32: memref<!tpu.dma_semaphore, #tpu.memory_space<semaphore_mem>>, %arg33: memref<!tpu.dma_semaphore, #tpu.memory_space<semaphore_mem>>, %arg34: memref<!tpu.dma_semaphore, #tpu.memory_space<semaphore_mem>>, %arg35: memref<!tpu.dma_semaphore, #tpu.memory_space<semaphore_mem>>, %arg36: memref<!tpu.dma_semaphore, #tpu.memory_space<semaphore_mem>>, %arg37: memref<!tpu.dma_semaphore, #tpu.memory_space<semaphore_mem>>, %arg38: memref<!tpu.dma_semaphore, #tpu.memory_space<semaphore_mem>>, %arg39: memref<!tpu.dma_semaphore, #tpu.memory_space<semaphore_mem>>, %arg40: memref<!tpu.dma_semaphore, #tpu.memory_space<semaphore_mem>>, %arg41: memref<!tpu.dma_semaphore, #tpu.memory_space<semaphore_mem>>, %arg42: memref<!tpu.dma_semaphore, #tpu.memory_space<semaphore_mem>>, %arg43: memref<!tpu.dma_semaphore, #tpu.memory_space<semaphore_mem>>, %arg44: memref<!tpu.dma_semaphore, #tpu.memory_space<semaphore_mem>>, %arg45: memref<!tpu.dma_semaphore, #tpu.memory_space<semaphore_mem>>, %arg46: memref<!tpu.dma_semaphore, #tpu.memory_space<semaphore_mem>>, %arg47: memref<!tpu.dma_semaphore, #tpu.memory_space<semaphore_mem>>, %arg48: memref<!tpu.dma_semaphore, #tpu.memory_space<semaphore_mem>>, %arg49: memref<!tpu.dma_semaphore, #tpu.memory_space<semaphore_mem>>, %arg50: memref<!tpu.dma_semaphore, #tpu.memory_space<semaphore_mem>>, %arg51: memref<!tpu.dma_semaphore, #tpu.memory_space<semaphore_mem>>, %arg52: memref<!tpu.dma_semaphore, #tpu.memory_space<semaphore_mem>>, %arg53: memref<!tpu.dma_semaphore, #tpu.memory_space<semaphore_mem>>, %arg54: memref<!tpu.dma_semaphore, #tpu.memory_space<semaphore_mem>>, %arg55: memref<!tpu.dma_semaphore, #tpu.memory_space<semaphore_mem>>) attributes {dimension_semantics = [#tpu.dimension_semantics<core_parallel>, #tpu.dimension_semantics<subcore_parallel>], iteration_bounds = array<i64: 2, 16>, scalar_prefetch = 0 : i64, scratch_operands = 47 : i64, tpu.core_type = #tpu.core_type<sc_vector_subcore>, window_params = [{transform_indices = #map}, {transform_indices = #map}, {transform_indices = #map1}, {transform_indices = #map1}, {transform_indices = #map}, {transform_indices = #map}, {transform_indices = #map}]} {
    %mul3A = arith.constant 2 : i32
    %mul3A_0 = arith.muli %arg1, %mul3A : i32
    %add3A = arith.addi %mul3A_0, %arg0 : i32
    %mul3A_1 = arith.constant 256 : i32
    %mul3A_2 = arith.muli %add3A, %mul3A_1 : i32
    "tpu.region"() ({
      %run_scoped3A = tpu.sem_alloc : memref<!tpu.dma_semaphore, #tpu.memory_space<semaphore_mem>>
      %dma_start3A_284 = tpu.memref_slice %arg4[%mul3A_2] : memref<8192xi32, #tpu.memory_space<hbm>> -> memref<256xi32, #tpu.memory_space<hbm>>
      %dma_start3A_285 = tpu.memref_slice %arg4[%mul3A_2] : memref<8192xi32, #tpu.memory_space<hbm>> -> memref<256xi32, #tpu.memory_space<hbm>>
      tpu.enqueue_dma source(%dma_start3A_285 : memref<256xi32, #tpu.memory_space<hbm>>) target(%arg9 : memref<256xi32, #tpu.memory_space<vmem>>) target_semaphore(%run_scoped3A : memref<!tpu.dma_semaphore, #tpu.memory_space<semaphore_mem>>)
      %dma_wait3A_286 = tpu.memref_slice %arg4[%mul3A_2] : memref<8192xi32, #tpu.memory_space<hbm>> -> memref<256xi32, #tpu.memory_space<hbm>>
      %dma_wait3A_287 = tpu.memref_slice %arg4[%mul3A_2] : memref<8192xi32, #tpu.memory_space<hbm>> -> memref<256xi32, #tpu.memory_space<hbm>>
      tpu.wait_dma2 semaphore(%run_scoped3A : memref<!tpu.dma_semaphore, #tpu.memory_space<semaphore_mem>>) src(%dma_wait3A_287 : memref<256xi32, #tpu.memory_space<hbm>>) dst(%arg9 : memref<256xi32, #tpu.memory_space<vmem>>)
      tpu.yield
    }) : () -> ()
    "tpu.region"() ({
      %run_scoped3A = tpu.sem_alloc : memref<!tpu.dma_semaphore, #tpu.memory_space<semaphore_mem>>
      %dma_start3A_284 = tpu.memref_slice %arg5[%mul3A_2] : memref<8192xi32, #tpu.memory_space<hbm>> -> memref<256xi32, #tpu.memory_space<hbm>>
      %dma_start3A_285 = tpu.memref_slice %arg5[%mul3A_2] : memref<8192xi32, #tpu.memory_space<hbm>> -> memref<256xi32, #tpu.memory_space<hbm>>
      tpu.enqueue_dma source(%dma_start3A_285 : memref<256xi32, #tpu.memory_space<hbm>>) target(%arg10 : memref<256xi32, #tpu.memory_space<vmem>>) target_semaphore(%run_scoped3A : memref<!tpu.dma_semaphore, #tpu.memory_space<semaphore_mem>>)
      %dma_wait3A_286 = tpu.memref_slice %arg5[%mul3A_2] : memref<8192xi32, #tpu.memory_space<hbm>> -> memref<256xi32, #tpu.memory_space<hbm>>
      %dma_wait3A_287 = tpu.memref_slice %arg5[%mul3A_2] : memref<8192xi32, #tpu.memory_space<hbm>> -> memref<256xi32, #tpu.memory_space<hbm>>
      tpu.wait_dma2 semaphore(%run_scoped3A : memref<!tpu.dma_semaphore, #tpu.memory_space<semaphore_mem>>) src(%dma_wait3A_287 : memref<256xi32, #tpu.memory_space<hbm>>) dst(%arg10 : memref<256xi32, #tpu.memory_space<vmem>>)
      tpu.yield
    }) : () -> ()
    %dma_start3A = arith.constant 0 : i32
    %dma_start3A_3 = tpu.memref_slice %arg9[%dma_start3A] : memref<256xi32, #tpu.memory_space<vmem>> -> memref<64xi32, #tpu.memory_space<vmem>>
    %dma_start3A_4 = arith.constant 0 : i32
    %dma_start3A_5 = arith.constant 0 : i32
    %dma_start3A_6 = tpu.memref_slice %arg2[%dma_start3A_4, %dma_start3A_5] : memref<100000x128xf32, #tpu.memory_space<hbm>> -> memref<100000x128xf32, #tpu.memory_space<hbm>>
    tpu.enqueue_indirect_dma source(%dma_start3A_6 : memref<100000x128xf32, #tpu.memory_space<hbm>>) target(%arg11 : memref<64x128xf32, #tpu.memory_space<vmem>>) offsets(%dma_start3A_3 : memref<64xi32, #tpu.memory_space<vmem>>) semaphore(%arg26 : memref<!tpu.dma_semaphore, #tpu.memory_space<semaphore_mem>>)
    %dma_start3A_7 = arith.constant 0 : i32
    %dma_start3A_8 = tpu.memref_slice %arg10[%dma_start3A_7] : memref<256xi32, #tpu.memory_space<vmem>> -> memref<64xi32, #tpu.memory_space<vmem>>
    %dma_start3A_9 = arith.constant 0 : i32
    %dma_start3A_10 = arith.constant 0 : i32
    %dma_start3A_11 = tpu.memref_slice %arg2[%dma_start3A_9, %dma_start3A_10] : memref<100000x128xf32, #tpu.memory_space<hbm>> -> memref<100000x128xf32, #tpu.memory_space<hbm>>
    tpu.enqueue_indirect_dma source(%dma_start3A_11 : memref<100000x128xf32, #tpu.memory_space<hbm>>) target(%arg14 : memref<64x128xf32, #tpu.memory_space<vmem>>) offsets(%dma_start3A_8 : memref<64xi32, #tpu.memory_space<vmem>>) semaphore(%arg29 : memref<!tpu.dma_semaphore, #tpu.memory_space<semaphore_mem>>)
    %dma_start3A_12 = arith.constant 0 : i32
    %dma_start3A_13 = tpu.memref_slice %arg9[%dma_start3A_12] : memref<256xi32, #tpu.memory_space<vmem>> -> memref<64xi32, #tpu.memory_space<vmem>>
    %dma_start3A_14 = arith.constant 0 : i32
    %dma_start3A_15 = arith.constant 0 : i32
    %dma_start3A_16 = tpu.memref_slice %arg3[%dma_start3A_14, %dma_start3A_15] : memref<100000x128xf32, #tpu.memory_space<hbm>> -> memref<100000x128xf32, #tpu.memory_space<hbm>>
    tpu.enqueue_indirect_dma source(%dma_start3A_16 : memref<100000x128xf32, #tpu.memory_space<hbm>>) target(%arg17 : memref<64x128xf32, #tpu.memory_space<vmem>>) offsets(%dma_start3A_13 : memref<64xi32, #tpu.memory_space<vmem>>) semaphore(%arg32 : memref<!tpu.dma_semaphore, #tpu.memory_space<semaphore_mem>>)
    %dma_start3A_17 = arith.constant 0 : i32
    %dma_start3A_18 = tpu.memref_slice %arg10[%dma_start3A_17] : memref<256xi32, #tpu.memory_space<vmem>> -> memref<64xi32, #tpu.memory_space<vmem>>
    %dma_start3A_19 = arith.constant 0 : i32
    %dma_start3A_20 = arith.constant 0 : i32
    %dma_start3A_21 = tpu.memref_slice %arg3[%dma_start3A_19, %dma_start3A_20] : memref<100000x128xf32, #tpu.memory_space<hbm>> -> memref<100000x128xf32, #tpu.memory_space<hbm>>
    tpu.enqueue_indirect_dma source(%dma_start3A_21 : memref<100000x128xf32, #tpu.memory_space<hbm>>) target(%arg20 : memref<64x128xf32, #tpu.memory_space<vmem>>) offsets(%dma_start3A_18 : memref<64xi32, #tpu.memory_space<vmem>>) semaphore(%arg35 : memref<!tpu.dma_semaphore, #tpu.memory_space<semaphore_mem>>)
    %dma_start3A_22 = arith.constant 64 : i32
    %dma_start3A_23 = tpu.memref_slice %arg9[%dma_start3A_22] : memref<256xi32, #tpu.memory_space<vmem>> -> memref<64xi32, #tpu.memory_space<vmem>>
    %dma_start3A_24 = arith.constant 0 : i32
    %dma_start3A_25 = arith.constant 0 : i32
    %dma_start3A_26 = tpu.memref_slice %arg2[%dma_start3A_24, %dma_start3A_25] : memref<100000x128xf32, #tpu.memory_space<hbm>> -> memref<100000x128xf32, #tpu.memory_space<hbm>>
    tpu.enqueue_indirect_dma source(%dma_start3A_26 : memref<100000x128xf32, #tpu.memory_space<hbm>>) target(%arg12 : memref<64x128xf32, #tpu.memory_space<vmem>>) offsets(%dma_start3A_23 : memref<64xi32, #tpu.memory_space<vmem>>) semaphore(%arg27 : memref<!tpu.dma_semaphore, #tpu.memory_space<semaphore_mem>>)
    %dma_start3A_27 = arith.constant 64 : i32
    %dma_start3A_28 = tpu.memref_slice %arg10[%dma_start3A_27] : memref<256xi32, #tpu.memory_space<vmem>> -> memref<64xi32, #tpu.memory_space<vmem>>
    %dma_start3A_29 = arith.constant 0 : i32
    %dma_start3A_30 = arith.constant 0 : i32
    %dma_start3A_31 = tpu.memref_slice %arg2[%dma_start3A_29, %dma_start3A_30] : memref<100000x128xf32, #tpu.memory_space<hbm>> -> memref<100000x128xf32, #tpu.memory_space<hbm>>
    tpu.enqueue_indirect_dma source(%dma_start3A_31 : memref<100000x128xf32, #tpu.memory_space<hbm>>) target(%arg15 : memref<64x128xf32, #tpu.memory_space<vmem>>) offsets(%dma_start3A_28 : memref<64xi32, #tpu.memory_space<vmem>>) semaphore(%arg30 : memref<!tpu.dma_semaphore, #tpu.memory_space<semaphore_mem>>)
    %dma_start3A_32 = arith.constant 64 : i32
    %dma_start3A_33 = tpu.memref_slice %arg9[%dma_start3A_32] : memref<256xi32, #tpu.memory_space<vmem>> -> memref<64xi32, #tpu.memory_space<vmem>>
    %dma_start3A_34 = arith.constant 0 : i32
    %dma_start3A_35 = arith.constant 0 : i32
    %dma_start3A_36 = tpu.memref_slice %arg3[%dma_start3A_34, %dma_start3A_35] : memref<100000x128xf32, #tpu.memory_space<hbm>> -> memref<100000x128xf32, #tpu.memory_space<hbm>>
    tpu.enqueue_indirect_dma source(%dma_start3A_36 : memref<100000x128xf32, #tpu.memory_space<hbm>>) target(%arg18 : memref<64x128xf32, #tpu.memory_space<vmem>>) offsets(%dma_start3A_33 : memref<64xi32, #tpu.memory_space<vmem>>) semaphore(%arg33 : memref<!tpu.dma_semaphore, #tpu.memory_space<semaphore_mem>>)
    %dma_start3A_37 = arith.constant 64 : i32
    %dma_start3A_38 = tpu.memref_slice %arg10[%dma_start3A_37] : memref<256xi32, #tpu.memory_space<vmem>> -> memref<64xi32, #tpu.memory_space<vmem>>
    %dma_start3A_39 = arith.constant 0 : i32
    %dma_start3A_40 = arith.constant 0 : i32
    %dma_start3A_41 = tpu.memref_slice %arg3[%dma_start3A_39, %dma_start3A_40] : memref<100000x128xf32, #tpu.memory_space<hbm>> -> memref<100000x128xf32, #tpu.memory_space<hbm>>
    tpu.enqueue_indirect_dma source(%dma_start3A_41 : memref<100000x128xf32, #tpu.memory_space<hbm>>) target(%arg21 : memref<64x128xf32, #tpu.memory_space<vmem>>) offsets(%dma_start3A_38 : memref<64xi32, #tpu.memory_space<vmem>>) semaphore(%arg36 : memref<!tpu.dma_semaphore, #tpu.memory_space<semaphore_mem>>)
    %dma_start3A_42 = arith.constant 128 : i32
    %dma_start3A_43 = tpu.memref_slice %arg9[%dma_start3A_42] : memref<256xi32, #tpu.memory_space<vmem>> -> memref<64xi32, #tpu.memory_space<vmem>>
    %dma_start3A_44 = arith.constant 0 : i32
    %dma_start3A_45 = arith.constant 0 : i32
    %dma_start3A_46 = tpu.memref_slice %arg2[%dma_start3A_44, %dma_start3A_45] : memref<100000x128xf32, #tpu.memory_space<hbm>> -> memref<100000x128xf32, #tpu.memory_space<hbm>>
    tpu.enqueue_indirect_dma source(%dma_start3A_46 : memref<100000x128xf32, #tpu.memory_space<hbm>>) target(%arg13 : memref<64x128xf32, #tpu.memory_space<vmem>>) offsets(%dma_start3A_43 : memref<64xi32, #tpu.memory_space<vmem>>) semaphore(%arg28 : memref<!tpu.dma_semaphore, #tpu.memory_space<semaphore_mem>>)
    %dma_start3A_47 = arith.constant 128 : i32
    %dma_start3A_48 = tpu.memref_slice %arg10[%dma_start3A_47] : memref<256xi32, #tpu.memory_space<vmem>> -> memref<64xi32, #tpu.memory_space<vmem>>
    %dma_start3A_49 = arith.constant 0 : i32
    %dma_start3A_50 = arith.constant 0 : i32
    %dma_start3A_51 = tpu.memref_slice %arg2[%dma_start3A_49, %dma_start3A_50] : memref<100000x128xf32, #tpu.memory_space<hbm>> -> memref<100000x128xf32, #tpu.memory_space<hbm>>
    tpu.enqueue_indirect_dma source(%dma_start3A_51 : memref<100000x128xf32, #tpu.memory_space<hbm>>) target(%arg16 : memref<64x128xf32, #tpu.memory_space<vmem>>) offsets(%dma_start3A_48 : memref<64xi32, #tpu.memory_space<vmem>>) semaphore(%arg31 : memref<!tpu.dma_semaphore, #tpu.memory_space<semaphore_mem>>)
    %dma_start3A_52 = arith.constant 128 : i32
    %dma_start3A_53 = tpu.memref_slice %arg9[%dma_start3A_52] : memref<256xi32, #tpu.memory_space<vmem>> -> memref<64xi32, #tpu.memory_space<vmem>>
    %dma_start3A_54 = arith.constant 0 : i32
    %dma_start3A_55 = arith.constant 0 : i32
    %dma_start3A_56 = tpu.memref_slice %arg3[%dma_start3A_54, %dma_start3A_55] : memref<100000x128xf32, #tpu.memory_space<hbm>> -> memref<100000x128xf32, #tpu.memory_space<hbm>>
    tpu.enqueue_indirect_dma source(%dma_start3A_56 : memref<100000x128xf32, #tpu.memory_space<hbm>>) target(%arg19 : memref<64x128xf32, #tpu.memory_space<vmem>>) offsets(%dma_start3A_53 : memref<64xi32, #tpu.memory_space<vmem>>) semaphore(%arg34 : memref<!tpu.dma_semaphore, #tpu.memory_space<semaphore_mem>>)
    %dma_start3A_57 = arith.constant 128 : i32
    %dma_start3A_58 = tpu.memref_slice %arg10[%dma_start3A_57] : memref<256xi32, #tpu.memory_space<vmem>> -> memref<64xi32, #tpu.memory_space<vmem>>
    %dma_start3A_59 = arith.constant 0 : i32
    %dma_start3A_60 = arith.constant 0 : i32
    %dma_start3A_61 = tpu.memref_slice %arg3[%dma_start3A_59, %dma_start3A_60] : memref<100000x128xf32, #tpu.memory_space<hbm>> -> memref<100000x128xf32, #tpu.memory_space<hbm>>
    tpu.enqueue_indirect_dma source(%dma_start3A_61 : memref<100000x128xf32, #tpu.memory_space<hbm>>) target(%arg22 : memref<64x128xf32, #tpu.memory_space<vmem>>) offsets(%dma_start3A_58 : memref<64xi32, #tpu.memory_space<vmem>>) semaphore(%arg37 : memref<!tpu.dma_semaphore, #tpu.memory_space<semaphore_mem>>)
    %add3A_62 = arith.constant 0 : i32
    %add3A_63 = arith.addi %mul3A_2, %add3A_62 : i32
    %dma_wait3A = arith.constant 0 : i32
    %dma_wait3A_64 = tpu.memref_slice %arg9[%dma_wait3A] : memref<256xi32, #tpu.memory_space<vmem>> -> memref<64xi32, #tpu.memory_space<vmem>>
    %dma_wait3A_65 = arith.constant 0 : i32
    %dma_wait3A_66 = arith.constant 0 : i32
    %dma_wait3A_67 = tpu.memref_slice %arg2[%dma_wait3A_65, %dma_wait3A_66] : memref<100000x128xf32, #tpu.memory_space<hbm>> -> memref<100000x128xf32, #tpu.memory_space<hbm>>
    tpu.wait_indirect_dma semaphore(%arg26 : memref<!tpu.dma_semaphore, #tpu.memory_space<semaphore_mem>>) src(%dma_wait3A_67 : memref<100000x128xf32, #tpu.memory_space<hbm>>) dst(%arg11 : memref<64x128xf32, #tpu.memory_space<vmem>>)
    %dma_wait3A_68 = arith.constant 0 : i32
    %dma_wait3A_69 = tpu.memref_slice %arg10[%dma_wait3A_68] : memref<256xi32, #tpu.memory_space<vmem>> -> memref<64xi32, #tpu.memory_space<vmem>>
    %dma_wait3A_70 = arith.constant 0 : i32
    %dma_wait3A_71 = arith.constant 0 : i32
    %dma_wait3A_72 = tpu.memref_slice %arg2[%dma_wait3A_70, %dma_wait3A_71] : memref<100000x128xf32, #tpu.memory_space<hbm>> -> memref<100000x128xf32, #tpu.memory_space<hbm>>
    tpu.wait_indirect_dma semaphore(%arg29 : memref<!tpu.dma_semaphore, #tpu.memory_space<semaphore_mem>>) src(%dma_wait3A_72 : memref<100000x128xf32, #tpu.memory_space<hbm>>) dst(%arg14 : memref<64x128xf32, #tpu.memory_space<vmem>>)
    %scan3A = arith.constant 0 : i32
    %scan3A_73 = arith.constant 64 : i32
    %scan3A_74 = arith.addi %scan3A, %scan3A_73 : i32
    %scan3A_75 = arith.constant 1 : i32
    scf.for %scan3A_284 = %scan3A to %scan3A_74 step %scan3A_75  : i32 {
      %mul3A_285 = arith.constant 1 : i32
      %mul3A_286 = arith.muli %scan3A_284, %mul3A_285 : i32
      %add3A_287 = arith.constant 0 : i32
      %add3A_288 = arith.addi %add3A_287, %mul3A_286 : i32
      %get3A = arith.index_cast %add3A_288 : i32 to index
      %get3A_289 = arith.constant 0 : index
      %get3A_290 = tpu.vector_load %arg11[%get3A, %get3A_289] {strides = array<i32>} : memref<64x128xf32, #tpu.memory_space<vmem>>, vector<1x16xf32>,
      %get3A_291 = vector.shape_cast %get3A_290 : vector<1x16xf32> to vector<1x16xf32>
      %get3A_292 = arith.index_cast %add3A_288 : i32 to index
      %get3A_293 = arith.constant 0 : index
      %get3A_294 = tpu.vector_load %arg14[%get3A_292, %get3A_293] {strides = array<i32>} : memref<64x128xf32, #tpu.memory_space<vmem>>, vector<1x16xf32>,
      %get3A_295 = vector.shape_cast %get3A_294 : vector<1x16xf32> to vector<1x16xf32>
      %mul3A_296 = arith.mulf %get3A_291, %get3A_295 : vector<1x16xf32>
      %swap3A = arith.index_cast %add3A_288 : i32 to index
      %swap3A_297 = arith.constant 0 : index
      %swap3A_298 = tpu.vector_load %arg23[%swap3A, %swap3A_297] {strides = array<i32>} : memref<64x128xf32, #tpu.memory_space<vmem>>, vector<1x16xf32>,
      %swap3A_299 = vector.shape_cast %swap3A_298 : vector<1x16xf32> to vector<1x16xf32>
      %swap3A_300 = vector.shape_cast %mul3A_296 : vector<1x16xf32> to vector<1x16xf32>
      tpu.vector_store %arg23[%swap3A, %swap3A_297], %swap3A_300 {strides = array<i32>} : memref<64x128xf32, #tpu.memory_space<vmem>>, vector<1x16xf32>,
      %get3A_301 = arith.index_cast %add3A_288 : i32 to index
      %get3A_302 = arith.constant 16 : index
      %get3A_303 = tpu.vector_load %arg11[%get3A_301, %get3A_302] {strides = array<i32>} : memref<64x128xf32, #tpu.memory_space<vmem>>, vector<1x16xf32>,
      %get3A_304 = vector.shape_cast %get3A_303 : vector<1x16xf32> to vector<1x16xf32>
      %get3A_305 = arith.index_cast %add3A_288 : i32 to index
      %get3A_306 = arith.constant 16 : index
      %get3A_307 = tpu.vector_load %arg14[%get3A_305, %get3A_306] {strides = array<i32>} : memref<64x128xf32, #tpu.memory_space<vmem>>, vector<1x16xf32>,
      %get3A_308 = vector.shape_cast %get3A_307 : vector<1x16xf32> to vector<1x16xf32>
      %mul3A_309 = arith.mulf %get3A_304, %get3A_308 : vector<1x16xf32>
      %swap3A_310 = arith.index_cast %add3A_288 : i32 to index
      %swap3A_311 = arith.constant 16 : index
      %swap3A_312 = tpu.vector_load %arg23[%swap3A_310, %swap3A_311] {strides = array<i32>} : memref<64x128xf32, #tpu.memory_space<vmem>>, vector<1x16xf32>,
      %swap3A_313 = vector.shape_cast %swap3A_312 : vector<1x16xf32> to vector<1x16xf32>
      %swap3A_314 = vector.shape_cast %mul3A_309 : vector<1x16xf32> to vector<1x16xf32>
      tpu.vector_store %arg23[%swap3A_310, %swap3A_311], %swap3A_314 {strides = array<i32>} : memref<64x128xf32, #tpu.memory_space<vmem>>, vector<1x16xf32>,
      %get3A_315 = arith.index_cast %add3A_288 : i32 to index
      %get3A_316 = arith.constant 32 : index
      %get3A_317 = tpu.vector_load %arg11[%get3A_315, %get3A_316] {strides = array<i32>} : memref<64x128xf32, #tpu.memory_space<vmem>>, vector<1x16xf32>,
      %get3A_318 = vector.shape_cast %get3A_317 : vector<1x16xf32> to vector<1x16xf32>
      %get3A_319 = arith.index_cast %add3A_288 : i32 to index
      %get3A_320 = arith.constant 32 : index
      %get3A_321 = tpu.vector_load %arg14[%get3A_319, %get3A_320] {strides = array<i32>} : memref<64x128xf32, #tpu.memory_space<vmem>>, vector<1x16xf32>,
      %get3A_322 = vector.shape_cast %get3A_321 : vector<1x16xf32> to vector<1x16xf32>
      %mul3A_323 = arith.mulf %get3A_318, %get3A_322 : vector<1x16xf32>
      %swap3A_324 = arith.index_cast %add3A_288 : i32 to index
      %swap3A_325 = arith.constant 32 : index
      %swap3A_326 = tpu.vector_load %arg23[%swap3A_324, %swap3A_325] {strides = array<i32>} : memref<64x128xf32, #tpu.memory_space<vmem>>, vector<1x16xf32>,
      %swap3A_327 = vector.shape_cast %swap3A_326 : vector<1x16xf32> to vector<1x16xf32>
      %swap3A_328 = vector.shape_cast %mul3A_323 : vector<1x16xf32> to vector<1x16xf32>
      tpu.vector_store %arg23[%swap3A_324, %swap3A_325], %swap3A_328 {strides = array<i32>} : memref<64x128xf32, #tpu.memory_space<vmem>>, vector<1x16xf32>,
      %get3A_329 = arith.index_cast %add3A_288 : i32 to index
      %get3A_330 = arith.constant 48 : index
      %get3A_331 = tpu.vector_load %arg11[%get3A_329, %get3A_330] {strides = array<i32>} : memref<64x128xf32, #tpu.memory_space<vmem>>, vector<1x16xf32>,
      %get3A_332 = vector.shape_cast %get3A_331 : vector<1x16xf32> to vector<1x16xf32>
      %get3A_333 = arith.index_cast %add3A_288 : i32 to index
      %get3A_334 = arith.constant 48 : index
      %get3A_335 = tpu.vector_load %arg14[%get3A_333, %get3A_334] {strides = array<i32>} : memref<64x128xf32, #tpu.memory_space<vmem>>, vector<1x16xf32>,
      %get3A_336 = vector.shape_cast %get3A_335 : vector<1x16xf32> to vector<1x16xf32>
      %mul3A_337 = arith.mulf %get3A_332, %get3A_336 : vector<1x16xf32>
      %swap3A_338 = arith.index_cast %add3A_288 : i32 to index
      %swap3A_339 = arith.constant 48 : index
      %swap3A_340 = tpu.vector_load %arg23[%swap3A_338, %swap3A_339] {strides = array<i32>} : memref<64x128xf32, #tpu.memory_space<vmem>>, vector<1x16xf32>,
      %swap3A_341 = vector.shape_cast %swap3A_340 : vector<1x16xf32> to vector<1x16xf32>
      %swap3A_342 = vector.shape_cast %mul3A_337 : vector<1x16xf32> to vector<1x16xf32>
      tpu.vector_store %arg23[%swap3A_338, %swap3A_339], %swap3A_342 {strides = array<i32>} : memref<64x128xf32, #tpu.memory_space<vmem>>, vector<1x16xf32>,
      %get3A_343 = arith.index_cast %add3A_288 : i32 to index
      %get3A_344 = arith.constant 64 : index
      %get3A_345 = tpu.vector_load %arg11[%get3A_343, %get3A_344] {strides = array<i32>} : memref<64x128xf32, #tpu.memory_space<vmem>>, vector<1x16xf32>,
      %get3A_346 = vector.shape_cast %get3A_345 : vector<1x16xf32> to vector<1x16xf32>
      %get3A_347 = arith.index_cast %add3A_288 : i32 to index
      %get3A_348 = arith.constant 64 : index
      %get3A_349 = tpu.vector_load %arg14[%get3A_347, %get3A_348] {strides = array<i32>} : memref<64x128xf32, #tpu.memory_space<vmem>>, vector<1x16xf32>,
      %get3A_350 = vector.shape_cast %get3A_349 : vector<1x16xf32> to vector<1x16xf32>
      %mul3A_351 = arith.mulf %get3A_346, %get3A_350 : vector<1x16xf32>
      %swap3A_352 = arith.index_cast %add3A_288 : i32 to index
      %swap3A_353 = arith.constant 64 : index
      %swap3A_354 = tpu.vector_load %arg23[%swap3A_352, %swap3A_353] {strides = array<i32>} : memref<64x128xf32, #tpu.memory_space<vmem>>, vector<1x16xf32>,
      %swap3A_355 = vector.shape_cast %swap3A_354 : vector<1x16xf32> to vector<1x16xf32>
      %swap3A_356 = vector.shape_cast %mul3A_351 : vector<1x16xf32> to vector<1x16xf32>
      tpu.vector_store %arg23[%swap3A_352, %swap3A_353], %swap3A_356 {strides = array<i32>} : memref<64x128xf32, #tpu.memory_space<vmem>>, vector<1x16xf32>,
      %get3A_357 = arith.index_cast %add3A_288 : i32 to index
      %get3A_358 = arith.constant 80 : index
      %get3A_359 = tpu.vector_load %arg11[%get3A_357, %get3A_358] {strides = array<i32>} : memref<64x128xf32, #tpu.memory_space<vmem>>, vector<1x16xf32>,
      %get3A_360 = vector.shape_cast %get3A_359 : vector<1x16xf32> to vector<1x16xf32>
      %get3A_361 = arith.index_cast %add3A_288 : i32 to index
      %get3A_362 = arith.constant 80 : index
      %get3A_363 = tpu.vector_load %arg14[%get3A_361, %get3A_362] {strides = array<i32>} : memref<64x128xf32, #tpu.memory_space<vmem>>, vector<1x16xf32>,
      %get3A_364 = vector.shape_cast %get3A_363 : vector<1x16xf32> to vector<1x16xf32>
      %mul3A_365 = arith.mulf %get3A_360, %get3A_364 : vector<1x16xf32>
      %swap3A_366 = arith.index_cast %add3A_288 : i32 to index
      %swap3A_367 = arith.constant 80 : index
      %swap3A_368 = tpu.vector_load %arg23[%swap3A_366, %swap3A_367] {strides = array<i32>} : memref<64x128xf32, #tpu.memory_space<vmem>>, vector<1x16xf32>,
      %swap3A_369 = vector.shape_cast %swap3A_368 : vector<1x16xf32> to vector<1x16xf32>
      %swap3A_370 = vector.shape_cast %mul3A_365 : vector<1x16xf32> to vector<1x16xf32>
      tpu.vector_store %arg23[%swap3A_366, %swap3A_367], %swap3A_370 {strides = array<i32>} : memref<64x128xf32, #tpu.memory_space<vmem>>, vector<1x16xf32>,
      %get3A_371 = arith.index_cast %add3A_288 : i32 to index
      %get3A_372 = arith.constant 96 : index
      %get3A_373 = tpu.vector_load %arg11[%get3A_371, %get3A_372] {strides = array<i32>} : memref<64x128xf32, #tpu.memory_space<vmem>>, vector<1x16xf32>,
      %get3A_374 = vector.shape_cast %get3A_373 : vector<1x16xf32> to vector<1x16xf32>
      %get3A_375 = arith.index_cast %add3A_288 : i32 to index
      %get3A_376 = arith.constant 96 : index
      %get3A_377 = tpu.vector_load %arg14[%get3A_375, %get3A_376] {strides = array<i32>} : memref<64x128xf32, #tpu.memory_space<vmem>>, vector<1x16xf32>,
      %get3A_378 = vector.shape_cast %get3A_377 : vector<1x16xf32> to vector<1x16xf32>
      %mul3A_379 = arith.mulf %get3A_374, %get3A_378 : vector<1x16xf32>
      %swap3A_380 = arith.index_cast %add3A_288 : i32 to index
      %swap3A_381 = arith.constant 96 : index
      %swap3A_382 = tpu.vector_load %arg23[%swap3A_380, %swap3A_381] {strides = array<i32>} : memref<64x128xf32, #tpu.memory_space<vmem>>, vector<1x16xf32>,
      %swap3A_383 = vector.shape_cast %swap3A_382 : vector<1x16xf32> to vector<1x16xf32>
      %swap3A_384 = vector.shape_cast %mul3A_379 : vector<1x16xf32> to vector<1x16xf32>
      tpu.vector_store %arg23[%swap3A_380, %swap3A_381], %swap3A_384 {strides = array<i32>} : memref<64x128xf32, #tpu.memory_space<vmem>>, vector<1x16xf32>,
      %get3A_385 = arith.index_cast %add3A_288 : i32 to index
      %get3A_386 = arith.constant 112 : index
      %get3A_387 = tpu.vector_load %arg11[%get3A_385, %get3A_386] {strides = array<i32>} : memref<64x128xf32, #tpu.memory_space<vmem>>, vector<1x16xf32>,
      %get3A_388 = vector.shape_cast %get3A_387 : vector<1x16xf32> to vector<1x16xf32>
      %get3A_389 = arith.index_cast %add3A_288 : i32 to index
      %get3A_390 = arith.constant 112 : index
      %get3A_391 = tpu.vector_load %arg14[%get3A_389, %get3A_390] {strides = array<i32>} : memref<64x128xf32, #tpu.memory_space<vmem>>, vector<1x16xf32>,
      %get3A_392 = vector.shape_cast %get3A_391 : vector<1x16xf32> to vector<1x16xf32>
      %mul3A_393 = arith.mulf %get3A_388, %get3A_392 : vector<1x16xf32>
      %swap3A_394 = arith.index_cast %add3A_288 : i32 to index
      %swap3A_395 = arith.constant 112 : index
      %swap3A_396 = tpu.vector_load %arg23[%swap3A_394, %swap3A_395] {strides = array<i32>} : memref<64x128xf32, #tpu.memory_space<vmem>>, vector<1x16xf32>,
      %swap3A_397 = vector.shape_cast %swap3A_396 : vector<1x16xf32> to vector<1x16xf32>
      %swap3A_398 = vector.shape_cast %mul3A_393 : vector<1x16xf32> to vector<1x16xf32>
      tpu.vector_store %arg23[%swap3A_394, %swap3A_395], %swap3A_398 {strides = array<i32>} : memref<64x128xf32, #tpu.memory_space<vmem>>, vector<1x16xf32>,
    }
    %scan3A_76 = arith.constant 64 : i32
    %dma_start3A_77 = arith.constant 0 : i32
    %dma_start3A_78 = tpu.memref_slice %arg6[%add3A_63, %dma_start3A_77] : memref<8192x128xf32, #tpu.memory_space<hbm>> -> memref<64x128xf32, #tpu.memory_space<hbm>>
    %dma_start3A_79 = arith.constant 0 : i32
    %dma_start3A_80 = tpu.memref_slice %arg6[%add3A_63, %dma_start3A_79] : memref<8192x128xf32, #tpu.memory_space<hbm>> -> memref<64x128xf32, #tpu.memory_space<hbm>>
    tpu.enqueue_dma source(%arg23 : memref<64x128xf32, #tpu.memory_space<vmem>>) target(%dma_start3A_80 : memref<64x128xf32, #tpu.memory_space<hbm>>) target_semaphore(%arg53 : memref<!tpu.dma_semaphore, #tpu.memory_space<semaphore_mem>>)
    %dma_wait3A_81 = arith.constant 0 : i32
    %dma_wait3A_82 = tpu.memref_slice %arg9[%dma_wait3A_81] : memref<256xi32, #tpu.memory_space<vmem>> -> memref<64xi32, #tpu.memory_space<vmem>>
    %dma_wait3A_83 = arith.constant 0 : i32
    %dma_wait3A_84 = arith.constant 0 : i32
    %dma_wait3A_85 = tpu.memref_slice %arg3[%dma_wait3A_83, %dma_wait3A_84] : memref<100000x128xf32, #tpu.memory_space<hbm>> -> memref<100000x128xf32, #tpu.memory_space<hbm>>
    tpu.wait_indirect_dma semaphore(%arg32 : memref<!tpu.dma_semaphore, #tpu.memory_space<semaphore_mem>>) src(%dma_wait3A_85 : memref<100000x128xf32, #tpu.memory_space<hbm>>) dst(%arg17 : memref<64x128xf32, #tpu.memory_space<vmem>>)
    %dma_start3A_86 = arith.constant 0 : i32
    %dma_start3A_87 = tpu.memref_slice %arg7[%add3A_63, %dma_start3A_86] : memref<8192x128xf32, #tpu.memory_space<hbm>> -> memref<64x128xf32, #tpu.memory_space<hbm>>
    %dma_start3A_88 = arith.constant 0 : i32
    %dma_start3A_89 = tpu.memref_slice %arg7[%add3A_63, %dma_start3A_88] : memref<8192x128xf32, #tpu.memory_space<hbm>> -> memref<64x128xf32, #tpu.memory_space<hbm>>
    tpu.enqueue_dma source(%arg17 : memref<64x128xf32, #tpu.memory_space<vmem>>) target(%dma_start3A_89 : memref<64x128xf32, #tpu.memory_space<hbm>>) target_semaphore(%arg47 : memref<!tpu.dma_semaphore, #tpu.memory_space<semaphore_mem>>)
    %dma_wait3A_90 = arith.constant 0 : i32
    %dma_wait3A_91 = tpu.memref_slice %arg10[%dma_wait3A_90] : memref<256xi32, #tpu.memory_space<vmem>> -> memref<64xi32, #tpu.memory_space<vmem>>
    %dma_wait3A_92 = arith.constant 0 : i32
    %dma_wait3A_93 = arith.constant 0 : i32
    %dma_wait3A_94 = tpu.memref_slice %arg3[%dma_wait3A_92, %dma_wait3A_93] : memref<100000x128xf32, #tpu.memory_space<hbm>> -> memref<100000x128xf32, #tpu.memory_space<hbm>>
    tpu.wait_indirect_dma semaphore(%arg35 : memref<!tpu.dma_semaphore, #tpu.memory_space<semaphore_mem>>) src(%dma_wait3A_94 : memref<100000x128xf32, #tpu.memory_space<hbm>>) dst(%arg20 : memref<64x128xf32, #tpu.memory_space<vmem>>)
    %dma_start3A_95 = arith.constant 0 : i32
    %dma_start3A_96 = tpu.memref_slice %arg8[%add3A_63, %dma_start3A_95] : memref<8192x128xf32, #tpu.memory_space<hbm>> -> memref<64x128xf32, #tpu.memory_space<hbm>>
    %dma_start3A_97 = arith.constant 0 : i32
    %dma_start3A_98 = tpu.memref_slice %arg8[%add3A_63, %dma_start3A_97] : memref<8192x128xf32, #tpu.memory_space<hbm>> -> memref<64x128xf32, #tpu.memory_space<hbm>>
    tpu.enqueue_dma source(%arg20 : memref<64x128xf32, #tpu.memory_space<vmem>>) target(%dma_start3A_98 : memref<64x128xf32, #tpu.memory_space<hbm>>) target_semaphore(%arg50 : memref<!tpu.dma_semaphore, #tpu.memory_space<semaphore_mem>>)
    %dma_wait3A_99 = arith.constant 0 : i32
    %dma_wait3A_100 = tpu.memref_slice %arg6[%add3A_63, %dma_wait3A_99] : memref<8192x128xf32, #tpu.memory_space<hbm>> -> memref<64x128xf32, #tpu.memory_space<hbm>>
    %dma_wait3A_101 = arith.constant 0 : i32
    %dma_wait3A_102 = tpu.memref_slice %arg6[%add3A_63, %dma_wait3A_101] : memref<8192x128xf32, #tpu.memory_space<hbm>> -> memref<64x128xf32, #tpu.memory_space<hbm>>
    tpu.wait_dma2 semaphore(%arg53 : memref<!tpu.dma_semaphore, #tpu.memory_space<semaphore_mem>>) src(%arg23 : memref<64x128xf32, #tpu.memory_space<vmem>>) dst(%dma_wait3A_102 : memref<64x128xf32, #tpu.memory_space<hbm>>)
    %dma_wait3A_103 = arith.constant 0 : i32
    %dma_wait3A_104 = tpu.memref_slice %arg7[%add3A_63, %dma_wait3A_103] : memref<8192x128xf32, #tpu.memory_space<hbm>> -> memref<64x128xf32, #tpu.memory_space<hbm>>
    %dma_wait3A_105 = arith.constant 0 : i32
    %dma_wait3A_106 = tpu.memref_slice %arg7[%add3A_63, %dma_wait3A_105] : memref<8192x128xf32, #tpu.memory_space<hbm>> -> memref<64x128xf32, #tpu.memory_space<hbm>>
    tpu.wait_dma2 semaphore(%arg47 : memref<!tpu.dma_semaphore, #tpu.memory_space<semaphore_mem>>) src(%arg17 : memref<64x128xf32, #tpu.memory_space<vmem>>) dst(%dma_wait3A_106 : memref<64x128xf32, #tpu.memory_space<hbm>>)
    %dma_wait3A_107 = arith.constant 0 : i32
    %dma_wait3A_108 = tpu.memref_slice %arg8[%add3A_63, %dma_wait3A_107] : memref<8192x128xf32, #tpu.memory_space<hbm>> -> memref<64x128xf32, #tpu.memory_space<hbm>>
    %dma_wait3A_109 = arith.constant 0 : i32
    %dma_wait3A_110 = tpu.memref_slice %arg8[%add3A_63, %dma_wait3A_109] : memref<8192x128xf32, #tpu.memory_space<hbm>> -> memref<64x128xf32, #tpu.memory_space<hbm>>
    tpu.wait_dma2 semaphore(%arg50 : memref<!tpu.dma_semaphore, #tpu.memory_space<semaphore_mem>>) src(%arg20 : memref<64x128xf32, #tpu.memory_space<vmem>>) dst(%dma_wait3A_110 : memref<64x128xf32, #tpu.memory_space<hbm>>)
    %dma_start3A_111 = arith.constant 192 : i32
    %dma_start3A_112 = tpu.memref_slice %arg9[%dma_start3A_111] : memref<256xi32, #tpu.memory_space<vmem>> -> memref<64xi32, #tpu.memory_space<vmem>>
    %dma_start3A_113 = arith.constant 0 : i32
    %dma_start3A_114 = arith.constant 0 : i32
    %dma_start3A_115 = tpu.memref_slice %arg2[%dma_start3A_113, %dma_start3A_114] : memref<100000x128xf32, #tpu.memory_space<hbm>> -> memref<100000x128xf32, #tpu.memory_space<hbm>>
    tpu.enqueue_indirect_dma source(%dma_start3A_115 : memref<100000x128xf32, #tpu.memory_space<hbm>>) target(%arg11 : memref<64x128xf32, #tpu.memory_space<vmem>>) offsets(%dma_start3A_112 : memref<64xi32, #tpu.memory_space<vmem>>) semaphore(%arg26 : memref<!tpu.dma_semaphore, #tpu.memory_space<semaphore_mem>>)
    %dma_start3A_116 = arith.constant 192 : i32
    %dma_start3A_117 = tpu.memref_slice %arg10[%dma_start3A_116] : memref<256xi32, #tpu.memory_space<vmem>> -> memref<64xi32, #tpu.memory_space<vmem>>
    %dma_start3A_118 = arith.constant 0 : i32
    %dma_start3A_119 = arith.constant 0 : i32
    %dma_start3A_120 = tpu.memref_slice %arg2[%dma_start3A_118, %dma_start3A_119] : memref<100000x128xf32, #tpu.memory_space<hbm>> -> memref<100000x128xf32, #tpu.memory_space<hbm>>
    tpu.enqueue_indirect_dma source(%dma_start3A_120 : memref<100000x128xf32, #tpu.memory_space<hbm>>) target(%arg14 : memref<64x128xf32, #tpu.memory_space<vmem>>) offsets(%dma_start3A_117 : memref<64xi32, #tpu.memory_space<vmem>>) semaphore(%arg29 : memref<!tpu.dma_semaphore, #tpu.memory_space<semaphore_mem>>)
    %dma_start3A_121 = arith.constant 192 : i32
    %dma_start3A_122 = tpu.memref_slice %arg9[%dma_start3A_121] : memref<256xi32, #tpu.memory_space<vmem>> -> memref<64xi32, #tpu.memory_space<vmem>>
    %dma_start3A_123 = arith.constant 0 : i32
    %dma_start3A_124 = arith.constant 0 : i32
    %dma_start3A_125 = tpu.memref_slice %arg3[%dma_start3A_123, %dma_start3A_124] : memref<100000x128xf32, #tpu.memory_space<hbm>> -> memref<100000x128xf32, #tpu.memory_space<hbm>>
    tpu.enqueue_indirect_dma source(%dma_start3A_125 : memref<100000x128xf32, #tpu.memory_space<hbm>>) target(%arg17 : memref<64x128xf32, #tpu.memory_space<vmem>>) offsets(%dma_start3A_122 : memref<64xi32, #tpu.memory_space<vmem>>) semaphore(%arg32 : memref<!tpu.dma_semaphore, #tpu.memory_space<semaphore_mem>>)
    %dma_start3A_126 = arith.constant 192 : i32
    %dma_start3A_127 = tpu.memref_slice %arg10[%dma_start3A_126] : memref<256xi32, #tpu.memory_space<vmem>> -> memref<64xi32, #tpu.memory_space<vmem>>
    %dma_start3A_128 = arith.constant 0 : i32
    %dma_start3A_129 = arith.constant 0 : i32
    %dma_start3A_130 = tpu.memref_slice %arg3[%dma_start3A_128, %dma_start3A_129] : memref<100000x128xf32, #tpu.memory_space<hbm>> -> memref<100000x128xf32, #tpu.memory_space<hbm>>
    tpu.enqueue_indirect_dma source(%dma_start3A_130 : memref<100000x128xf32, #tpu.memory_space<hbm>>) target(%arg20 : memref<64x128xf32, #tpu.memory_space<vmem>>) offsets(%dma_start3A_127 : memref<64xi32, #tpu.memory_space<vmem>>) semaphore(%arg35 : memref<!tpu.dma_semaphore, #tpu.memory_space<semaphore_mem>>)
    %add3A_131 = arith.constant 64 : i32
    %add3A_132 = arith.addi %mul3A_2, %add3A_131 : i32
    %dma_wait3A_133 = arith.constant 64 : i32
    %dma_wait3A_134 = tpu.memref_slice %arg9[%dma_wait3A_133] : memref<256xi32, #tpu.memory_space<vmem>> -> memref<64xi32, #tpu.memory_space<vmem>>
    %dma_wait3A_135 = arith.constant 0 : i32
    %dma_wait3A_136 = arith.constant 0 : i32
    %dma_wait3A_137 = tpu.memref_slice %arg2[%dma_wait3A_135, %dma_wait3A_136] : memref<100000x128xf32, #tpu.memory_space<hbm>> -> memref<100000x128xf32, #tpu.memory_space<hbm>>
    tpu.wait_indirect_dma semaphore(%arg27 : memref<!tpu.dma_semaphore, #tpu.memory_space<semaphore_mem>>) src(%dma_wait3A_137 : memref<100000x128xf32, #tpu.memory_space<hbm>>) dst(%arg12 : memref<64x128xf32, #tpu.memory_space<vmem>>)
    %dma_wait3A_138 = arith.constant 64 : i32
    %dma_wait3A_139 = tpu.memref_slice %arg10[%dma_wait3A_138] : memref<256xi32, #tpu.memory_space<vmem>> -> memref<64xi32, #tpu.memory_space<vmem>>
    %dma_wait3A_140 = arith.constant 0 : i32
    %dma_wait3A_141 = arith.constant 0 : i32
    %dma_wait3A_142 = tpu.memref_slice %arg2[%dma_wait3A_140, %dma_wait3A_141] : memref<100000x128xf32, #tpu.memory_space<hbm>> -> memref<100000x128xf32, #tpu.memory_space<hbm>>
    tpu.wait_indirect_dma semaphore(%arg30 : memref<!tpu.dma_semaphore, #tpu.memory_space<semaphore_mem>>) src(%dma_wait3A_142 : memref<100000x128xf32, #tpu.memory_space<hbm>>) dst(%arg15 : memref<64x128xf32, #tpu.memory_space<vmem>>)
    %scan3A_143 = arith.constant 0 : i32
    %scan3A_144 = arith.constant 64 : i32
    %scan3A_145 = arith.addi %scan3A_143, %scan3A_144 : i32
    %scan3A_146 = arith.constant 1 : i32
    scf.for %scan3A_284 = %scan3A_143 to %scan3A_145 step %scan3A_146  : i32 {
      %mul3A_285 = arith.constant 1 : i32
      %mul3A_286 = arith.muli %scan3A_284, %mul3A_285 : i32
      %add3A_287 = arith.constant 0 : i32
      %add3A_288 = arith.addi %add3A_287, %mul3A_286 : i32
      %get3A = arith.index_cast %add3A_288 : i32 to index
      %get3A_289 = arith.constant 0 : index
      %get3A_290 = tpu.vector_load %arg12[%get3A, %get3A_289] {strides = array<i32>} : memref<64x128xf32, #tpu.memory_space<vmem>>, vector<1x16xf32>,
      %get3A_291 = vector.shape_cast %get3A_290 : vector<1x16xf32> to vector<1x16xf32>
      %get3A_292 = arith.index_cast %add3A_288 : i32 to index
      %get3A_293 = arith.constant 0 : index
      %get3A_294 = tpu.vector_load %arg15[%get3A_292, %get3A_293] {strides = array<i32>} : memref<64x128xf32, #tpu.memory_space<vmem>>, vector<1x16xf32>,
      %get3A_295 = vector.shape_cast %get3A_294 : vector<1x16xf32> to vector<1x16xf32>
      %mul3A_296 = arith.mulf %get3A_291, %get3A_295 : vector<1x16xf32>
      %swap3A = arith.index_cast %add3A_288 : i32 to index
      %swap3A_297 = arith.constant 0 : index
      %swap3A_298 = tpu.vector_load %arg24[%swap3A, %swap3A_297] {strides = array<i32>} : memref<64x128xf32, #tpu.memory_space<vmem>>, vector<1x16xf32>,
      %swap3A_299 = vector.shape_cast %swap3A_298 : vector<1x16xf32> to vector<1x16xf32>
      %swap3A_300 = vector.shape_cast %mul3A_296 : vector<1x16xf32> to vector<1x16xf32>
      tpu.vector_store %arg24[%swap3A, %swap3A_297], %swap3A_300 {strides = array<i32>} : memref<64x128xf32, #tpu.memory_space<vmem>>, vector<1x16xf32>,
      %get3A_301 = arith.index_cast %add3A_288 : i32 to index
      %get3A_302 = arith.constant 16 : index
      %get3A_303 = tpu.vector_load %arg12[%get3A_301, %get3A_302] {strides = array<i32>} : memref<64x128xf32, #tpu.memory_space<vmem>>, vector<1x16xf32>,
      %get3A_304 = vector.shape_cast %get3A_303 : vector<1x16xf32> to vector<1x16xf32>
      %get3A_305 = arith.index_cast %add3A_288 : i32 to index
      %get3A_306 = arith.constant 16 : index
      %get3A_307 = tpu.vector_load %arg15[%get3A_305, %get3A_306] {strides = array<i32>} : memref<64x128xf32, #tpu.memory_space<vmem>>, vector<1x16xf32>,
      %get3A_308 = vector.shape_cast %get3A_307 : vector<1x16xf32> to vector<1x16xf32>
      %mul3A_309 = arith.mulf %get3A_304, %get3A_308 : vector<1x16xf32>
      %swap3A_310 = arith.index_cast %add3A_288 : i32 to index
      %swap3A_311 = arith.constant 16 : index
      %swap3A_312 = tpu.vector_load %arg24[%swap3A_310, %swap3A_311] {strides = array<i32>} : memref<64x128xf32, #tpu.memory_space<vmem>>, vector<1x16xf32>,
      %swap3A_313 = vector.shape_cast %swap3A_312 : vector<1x16xf32> to vector<1x16xf32>
      %swap3A_314 = vector.shape_cast %mul3A_309 : vector<1x16xf32> to vector<1x16xf32>
      tpu.vector_store %arg24[%swap3A_310, %swap3A_311], %swap3A_314 {strides = array<i32>} : memref<64x128xf32, #tpu.memory_space<vmem>>, vector<1x16xf32>,
      %get3A_315 = arith.index_cast %add3A_288 : i32 to index
      %get3A_316 = arith.constant 32 : index
      %get3A_317 = tpu.vector_load %arg12[%get3A_315, %get3A_316] {strides = array<i32>} : memref<64x128xf32, #tpu.memory_space<vmem>>, vector<1x16xf32>,
      %get3A_318 = vector.shape_cast %get3A_317 : vector<1x16xf32> to vector<1x16xf32>
      %get3A_319 = arith.index_cast %add3A_288 : i32 to index
      %get3A_320 = arith.constant 32 : index
      %get3A_321 = tpu.vector_load %arg15[%get3A_319, %get3A_320] {strides = array<i32>} : memref<64x128xf32, #tpu.memory_space<vmem>>, vector<1x16xf32>,
      %get3A_322 = vector.shape_cast %get3A_321 : vector<1x16xf32> to vector<1x16xf32>
      %mul3A_323 = arith.mulf %get3A_318, %get3A_322 : vector<1x16xf32>
      %swap3A_324 = arith.index_cast %add3A_288 : i32 to index
      %swap3A_325 = arith.constant 32 : index
      %swap3A_326 = tpu.vector_load %arg24[%swap3A_324, %swap3A_325] {strides = array<i32>} : memref<64x128xf32, #tpu.memory_space<vmem>>, vector<1x16xf32>,
      %swap3A_327 = vector.shape_cast %swap3A_326 : vector<1x16xf32> to vector<1x16xf32>
      %swap3A_328 = vector.shape_cast %mul3A_323 : vector<1x16xf32> to vector<1x16xf32>
      tpu.vector_store %arg24[%swap3A_324, %swap3A_325], %swap3A_328 {strides = array<i32>} : memref<64x128xf32, #tpu.memory_space<vmem>>, vector<1x16xf32>,
      %get3A_329 = arith.index_cast %add3A_288 : i32 to index
      %get3A_330 = arith.constant 48 : index
      %get3A_331 = tpu.vector_load %arg12[%get3A_329, %get3A_330] {strides = array<i32>} : memref<64x128xf32, #tpu.memory_space<vmem>>, vector<1x16xf32>,
      %get3A_332 = vector.shape_cast %get3A_331 : vector<1x16xf32> to vector<1x16xf32>
      %get3A_333 = arith.index_cast %add3A_288 : i32 to index
      %get3A_334 = arith.constant 48 : index
      %get3A_335 = tpu.vector_load %arg15[%get3A_333, %get3A_334] {strides = array<i32>} : memref<64x128xf32, #tpu.memory_space<vmem>>, vector<1x16xf32>,
      %get3A_336 = vector.shape_cast %get3A_335 : vector<1x16xf32> to vector<1x16xf32>
      %mul3A_337 = arith.mulf %get3A_332, %get3A_336 : vector<1x16xf32>
      %swap3A_338 = arith.index_cast %add3A_288 : i32 to index
      %swap3A_339 = arith.constant 48 : index
      %swap3A_340 = tpu.vector_load %arg24[%swap3A_338, %swap3A_339] {strides = array<i32>} : memref<64x128xf32, #tpu.memory_space<vmem>>, vector<1x16xf32>,
      %swap3A_341 = vector.shape_cast %swap3A_340 : vector<1x16xf32> to vector<1x16xf32>
      %swap3A_342 = vector.shape_cast %mul3A_337 : vector<1x16xf32> to vector<1x16xf32>
      tpu.vector_store %arg24[%swap3A_338, %swap3A_339], %swap3A_342 {strides = array<i32>} : memref<64x128xf32, #tpu.memory_space<vmem>>, vector<1x16xf32>,
      %get3A_343 = arith.index_cast %add3A_288 : i32 to index
      %get3A_344 = arith.constant 64 : index
      %get3A_345 = tpu.vector_load %arg12[%get3A_343, %get3A_344] {strides = array<i32>} : memref<64x128xf32, #tpu.memory_space<vmem>>, vector<1x16xf32>,
      %get3A_346 = vector.shape_cast %get3A_345 : vector<1x16xf32> to vector<1x16xf32>
      %get3A_347 = arith.index_cast %add3A_288 : i32 to index
      %get3A_348 = arith.constant 64 : index
      %get3A_349 = tpu.vector_load %arg15[%get3A_347, %get3A_348] {strides = array<i32>} : memref<64x128xf32, #tpu.memory_space<vmem>>, vector<1x16xf32>,
      %get3A_350 = vector.shape_cast %get3A_349 : vector<1x16xf32> to vector<1x16xf32>
      %mul3A_351 = arith.mulf %get3A_346, %get3A_350 : vector<1x16xf32>
      %swap3A_352 = arith.index_cast %add3A_288 : i32 to index
      %swap3A_353 = arith.constant 64 : index
      %swap3A_354 = tpu.vector_load %arg24[%swap3A_352, %swap3A_353] {strides = array<i32>} : memref<64x128xf32, #tpu.memory_space<vmem>>, vector<1x16xf32>,
      %swap3A_355 = vector.shape_cast %swap3A_354 : vector<1x16xf32> to vector<1x16xf32>
      %swap3A_356 = vector.shape_cast %mul3A_351 : vector<1x16xf32> to vector<1x16xf32>
      tpu.vector_store %arg24[%swap3A_352, %swap3A_353], %swap3A_356 {strides = array<i32>} : memref<64x128xf32, #tpu.memory_space<vmem>>, vector<1x16xf32>,
      %get3A_357 = arith.index_cast %add3A_288 : i32 to index
      %get3A_358 = arith.constant 80 : index
      %get3A_359 = tpu.vector_load %arg12[%get3A_357, %get3A_358] {strides = array<i32>} : memref<64x128xf32, #tpu.memory_space<vmem>>, vector<1x16xf32>,
      %get3A_360 = vector.shape_cast %get3A_359 : vector<1x16xf32> to vector<1x16xf32>
      %get3A_361 = arith.index_cast %add3A_288 : i32 to index
      %get3A_362 = arith.constant 80 : index
      %get3A_363 = tpu.vector_load %arg15[%get3A_361, %get3A_362] {strides = array<i32>} : memref<64x128xf32, #tpu.memory_space<vmem>>, vector<1x16xf32>,
      %get3A_364 = vector.shape_cast %get3A_363 : vector<1x16xf32> to vector<1x16xf32>
      %mul3A_365 = arith.mulf %get3A_360, %get3A_364 : vector<1x16xf32>
      %swap3A_366 = arith.index_cast %add3A_288 : i32 to index
      %swap3A_367 = arith.constant 80 : index
      %swap3A_368 = tpu.vector_load %arg24[%swap3A_366, %swap3A_367] {strides = array<i32>} : memref<64x128xf32, #tpu.memory_space<vmem>>, vector<1x16xf32>,
      %swap3A_369 = vector.shape_cast %swap3A_368 : vector<1x16xf32> to vector<1x16xf32>
      %swap3A_370 = vector.shape_cast %mul3A_365 : vector<1x16xf32> to vector<1x16xf32>
      tpu.vector_store %arg24[%swap3A_366, %swap3A_367], %swap3A_370 {strides = array<i32>} : memref<64x128xf32, #tpu.memory_space<vmem>>, vector<1x16xf32>,
      %get3A_371 = arith.index_cast %add3A_288 : i32 to index
      %get3A_372 = arith.constant 96 : index
      %get3A_373 = tpu.vector_load %arg12[%get3A_371, %get3A_372] {strides = array<i32>} : memref<64x128xf32, #tpu.memory_space<vmem>>, vector<1x16xf32>,
      %get3A_374 = vector.shape_cast %get3A_373 : vector<1x16xf32> to vector<1x16xf32>
      %get3A_375 = arith.index_cast %add3A_288 : i32 to index
      %get3A_376 = arith.constant 96 : index
      %get3A_377 = tpu.vector_load %arg15[%get3A_375, %get3A_376] {strides = array<i32>} : memref<64x128xf32, #tpu.memory_space<vmem>>, vector<1x16xf32>,
      %get3A_378 = vector.shape_cast %get3A_377 : vector<1x16xf32> to vector<1x16xf32>
      %mul3A_379 = arith.mulf %get3A_374, %get3A_378 : vector<1x16xf32>
      %swap3A_380 = arith.index_cast %add3A_288 : i32 to index
      %swap3A_381 = arith.constant 96 : index
      %swap3A_382 = tpu.vector_load %arg24[%swap3A_380, %swap3A_381] {strides = array<i32>} : memref<64x128xf32, #tpu.memory_space<vmem>>, vector<1x16xf32>,
      %swap3A_383 = vector.shape_cast %swap3A_382 : vector<1x16xf32> to vector<1x16xf32>
      %swap3A_384 = vector.shape_cast %mul3A_379 : vector<1x16xf32> to vector<1x16xf32>
      tpu.vector_store %arg24[%swap3A_380, %swap3A_381], %swap3A_384 {strides = array<i32>} : memref<64x128xf32, #tpu.memory_space<vmem>>, vector<1x16xf32>,
      %get3A_385 = arith.index_cast %add3A_288 : i32 to index
      %get3A_386 = arith.constant 112 : index
      %get3A_387 = tpu.vector_load %arg12[%get3A_385, %get3A_386] {strides = array<i32>} : memref<64x128xf32, #tpu.memory_space<vmem>>, vector<1x16xf32>,
      %get3A_388 = vector.shape_cast %get3A_387 : vector<1x16xf32> to vector<1x16xf32>
      %get3A_389 = arith.index_cast %add3A_288 : i32 to index
      %get3A_390 = arith.constant 112 : index
      %get3A_391 = tpu.vector_load %arg15[%get3A_389, %get3A_390] {strides = array<i32>} : memref<64x128xf32, #tpu.memory_space<vmem>>, vector<1x16xf32>,
      %get3A_392 = vector.shape_cast %get3A_391 : vector<1x16xf32> to vector<1x16xf32>
      %mul3A_393 = arith.mulf %get3A_388, %get3A_392 : vector<1x16xf32>
      %swap3A_394 = arith.index_cast %add3A_288 : i32 to index
      %swap3A_395 = arith.constant 112 : index
      %swap3A_396 = tpu.vector_load %arg24[%swap3A_394, %swap3A_395] {strides = array<i32>} : memref<64x128xf32, #tpu.memory_space<vmem>>, vector<1x16xf32>,
      %swap3A_397 = vector.shape_cast %swap3A_396 : vector<1x16xf32> to vector<1x16xf32>
      %swap3A_398 = vector.shape_cast %mul3A_393 : vector<1x16xf32> to vector<1x16xf32>
      tpu.vector_store %arg24[%swap3A_394, %swap3A_395], %swap3A_398 {strides = array<i32>} : memref<64x128xf32, #tpu.memory_space<vmem>>, vector<1x16xf32>,
    }
    %scan3A_147 = arith.constant 64 : i32
    %dma_start3A_148 = arith.constant 0 : i32
    %dma_start3A_149 = tpu.memref_slice %arg6[%add3A_132, %dma_start3A_148] : memref<8192x128xf32, #tpu.memory_space<hbm>> -> memref<64x128xf32, #tpu.memory_space<hbm>>
    %dma_start3A_150 = arith.constant 0 : i32
    %dma_start3A_151 = tpu.memref_slice %arg6[%add3A_132, %dma_start3A_150] : memref<8192x128xf32, #tpu.memory_space<hbm>> -> memref<64x128xf32, #tpu.memory_space<hbm>>
    tpu.enqueue_dma source(%arg24 : memref<64x128xf32, #tpu.memory_space<vmem>>) target(%dma_start3A_151 : memref<64x128xf32, #tpu.memory_space<hbm>>) target_semaphore(%arg54 : memref<!tpu.dma_semaphore, #tpu.memory_space<semaphore_mem>>)
    %dma_wait3A_152 = arith.constant 64 : i32
    %dma_wait3A_153 = tpu.memref_slice %arg9[%dma_wait3A_152] : memref<256xi32, #tpu.memory_space<vmem>> -> memref<64xi32, #tpu.memory_space<vmem>>
    %dma_wait3A_154 = arith.constant 0 : i32
    %dma_wait3A_155 = arith.constant 0 : i32
    %dma_wait3A_156 = tpu.memref_slice %arg3[%dma_wait3A_154, %dma_wait3A_155] : memref<100000x128xf32, #tpu.memory_space<hbm>> -> memref<100000x128xf32, #tpu.memory_space<hbm>>
    tpu.wait_indirect_dma semaphore(%arg33 : memref<!tpu.dma_semaphore, #tpu.memory_space<semaphore_mem>>) src(%dma_wait3A_156 : memref<100000x128xf32, #tpu.memory_space<hbm>>) dst(%arg18 : memref<64x128xf32, #tpu.memory_space<vmem>>)
    %dma_start3A_157 = arith.constant 0 : i32
    %dma_start3A_158 = tpu.memref_slice %arg7[%add3A_132, %dma_start3A_157] : memref<8192x128xf32, #tpu.memory_space<hbm>> -> memref<64x128xf32, #tpu.memory_space<hbm>>
    %dma_start3A_159 = arith.constant 0 : i32
    %dma_start3A_160 = tpu.memref_slice %arg7[%add3A_132, %dma_start3A_159] : memref<8192x128xf32, #tpu.memory_space<hbm>> -> memref<64x128xf32, #tpu.memory_space<hbm>>
    tpu.enqueue_dma source(%arg18 : memref<64x128xf32, #tpu.memory_space<vmem>>) target(%dma_start3A_160 : memref<64x128xf32, #tpu.memory_space<hbm>>) target_semaphore(%arg48 : memref<!tpu.dma_semaphore, #tpu.memory_space<semaphore_mem>>)
    %dma_wait3A_161 = arith.constant 64 : i32
    %dma_wait3A_162 = tpu.memref_slice %arg10[%dma_wait3A_161] : memref<256xi32, #tpu.memory_space<vmem>> -> memref<64xi32, #tpu.memory_space<vmem>>
    %dma_wait3A_163 = arith.constant 0 : i32
    %dma_wait3A_164 = arith.constant 0 : i32
    %dma_wait3A_165 = tpu.memref_slice %arg3[%dma_wait3A_163, %dma_wait3A_164] : memref<100000x128xf32, #tpu.memory_space<hbm>> -> memref<100000x128xf32, #tpu.memory_space<hbm>>
    tpu.wait_indirect_dma semaphore(%arg36 : memref<!tpu.dma_semaphore, #tpu.memory_space<semaphore_mem>>) src(%dma_wait3A_165 : memref<100000x128xf32, #tpu.memory_space<hbm>>) dst(%arg21 : memref<64x128xf32, #tpu.memory_space<vmem>>)
    %dma_start3A_166 = arith.constant 0 : i32
    %dma_start3A_167 = tpu.memref_slice %arg8[%add3A_132, %dma_start3A_166] : memref<8192x128xf32, #tpu.memory_space<hbm>> -> memref<64x128xf32, #tpu.memory_space<hbm>>
    %dma_start3A_168 = arith.constant 0 : i32
    %dma_start3A_169 = tpu.memref_slice %arg8[%add3A_132, %dma_start3A_168] : memref<8192x128xf32, #tpu.memory_space<hbm>> -> memref<64x128xf32, #tpu.memory_space<hbm>>
    tpu.enqueue_dma source(%arg21 : memref<64x128xf32, #tpu.memory_space<vmem>>) target(%dma_start3A_169 : memref<64x128xf32, #tpu.memory_space<hbm>>) target_semaphore(%arg51 : memref<!tpu.dma_semaphore, #tpu.memory_space<semaphore_mem>>)
    %add3A_170 = arith.constant 128 : i32
    %add3A_171 = arith.addi %mul3A_2, %add3A_170 : i32
    %dma_wait3A_172 = arith.constant 128 : i32
    %dma_wait3A_173 = tpu.memref_slice %arg9[%dma_wait3A_172] : memref<256xi32, #tpu.memory_space<vmem>> -> memref<64xi32, #tpu.memory_space<vmem>>
    %dma_wait3A_174 = arith.constant 0 : i32
    %dma_wait3A_175 = arith.constant 0 : i32
    %dma_wait3A_176 = tpu.memref_slice %arg2[%dma_wait3A_174, %dma_wait3A_175] : memref<100000x128xf32, #tpu.memory_space<hbm>> -> memref<100000x128xf32, #tpu.memory_space<hbm>>
    tpu.wait_indirect_dma semaphore(%arg28 : memref<!tpu.dma_semaphore, #tpu.memory_space<semaphore_mem>>) src(%dma_wait3A_176 : memref<100000x128xf32, #tpu.memory_space<hbm>>) dst(%arg13 : memref<64x128xf32, #tpu.memory_space<vmem>>)
    %dma_wait3A_177 = arith.constant 128 : i32
    %dma_wait3A_178 = tpu.memref_slice %arg10[%dma_wait3A_177] : memref<256xi32, #tpu.memory_space<vmem>> -> memref<64xi32, #tpu.memory_space<vmem>>
    %dma_wait3A_179 = arith.constant 0 : i32
    %dma_wait3A_180 = arith.constant 0 : i32
    %dma_wait3A_181 = tpu.memref_slice %arg2[%dma_wait3A_179, %dma_wait3A_180] : memref<100000x128xf32, #tpu.memory_space<hbm>> -> memref<100000x128xf32, #tpu.memory_space<hbm>>
    tpu.wait_indirect_dma semaphore(%arg31 : memref<!tpu.dma_semaphore, #tpu.memory_space<semaphore_mem>>) src(%dma_wait3A_181 : memref<100000x128xf32, #tpu.memory_space<hbm>>) dst(%arg16 : memref<64x128xf32, #tpu.memory_space<vmem>>)
    %scan3A_182 = arith.constant 0 : i32
    %scan3A_183 = arith.constant 64 : i32
    %scan3A_184 = arith.addi %scan3A_182, %scan3A_183 : i32
    %scan3A_185 = arith.constant 1 : i32
    scf.for %scan3A_284 = %scan3A_182 to %scan3A_184 step %scan3A_185  : i32 {
      %mul3A_285 = arith.constant 1 : i32
      %mul3A_286 = arith.muli %scan3A_284, %mul3A_285 : i32
      %add3A_287 = arith.constant 0 : i32
      %add3A_288 = arith.addi %add3A_287, %mul3A_286 : i32
      %get3A = arith.index_cast %add3A_288 : i32 to index
      %get3A_289 = arith.constant 0 : index
      %get3A_290 = tpu.vector_load %arg13[%get3A, %get3A_289] {strides = array<i32>} : memref<64x128xf32, #tpu.memory_space<vmem>>, vector<1x16xf32>,
      %get3A_291 = vector.shape_cast %get3A_290 : vector<1x16xf32> to vector<1x16xf32>
      %get3A_292 = arith.index_cast %add3A_288 : i32 to index
      %get3A_293 = arith.constant 0 : index
      %get3A_294 = tpu.vector_load %arg16[%get3A_292, %get3A_293] {strides = array<i32>} : memref<64x128xf32, #tpu.memory_space<vmem>>, vector<1x16xf32>,
      %get3A_295 = vector.shape_cast %get3A_294 : vector<1x16xf32> to vector<1x16xf32>
      %mul3A_296 = arith.mulf %get3A_291, %get3A_295 : vector<1x16xf32>
      %swap3A = arith.index_cast %add3A_288 : i32 to index
      %swap3A_297 = arith.constant 0 : index
      %swap3A_298 = tpu.vector_load %arg25[%swap3A, %swap3A_297] {strides = array<i32>} : memref<64x128xf32, #tpu.memory_space<vmem>>, vector<1x16xf32>,
      %swap3A_299 = vector.shape_cast %swap3A_298 : vector<1x16xf32> to vector<1x16xf32>
      %swap3A_300 = vector.shape_cast %mul3A_296 : vector<1x16xf32> to vector<1x16xf32>
      tpu.vector_store %arg25[%swap3A, %swap3A_297], %swap3A_300 {strides = array<i32>} : memref<64x128xf32, #tpu.memory_space<vmem>>, vector<1x16xf32>,
      %get3A_301 = arith.index_cast %add3A_288 : i32 to index
      %get3A_302 = arith.constant 16 : index
      %get3A_303 = tpu.vector_load %arg13[%get3A_301, %get3A_302] {strides = array<i32>} : memref<64x128xf32, #tpu.memory_space<vmem>>, vector<1x16xf32>,
      %get3A_304 = vector.shape_cast %get3A_303 : vector<1x16xf32> to vector<1x16xf32>
      %get3A_305 = arith.index_cast %add3A_288 : i32 to index
      %get3A_306 = arith.constant 16 : index
      %get3A_307 = tpu.vector_load %arg16[%get3A_305, %get3A_306] {strides = array<i32>} : memref<64x128xf32, #tpu.memory_space<vmem>>, vector<1x16xf32>,
      %get3A_308 = vector.shape_cast %get3A_307 : vector<1x16xf32> to vector<1x16xf32>
      %mul3A_309 = arith.mulf %get3A_304, %get3A_308 : vector<1x16xf32>
      %swap3A_310 = arith.index_cast %add3A_288 : i32 to index
      %swap3A_311 = arith.constant 16 : index
      %swap3A_312 = tpu.vector_load %arg25[%swap3A_310, %swap3A_311] {strides = array<i32>} : memref<64x128xf32, #tpu.memory_space<vmem>>, vector<1x16xf32>,
      %swap3A_313 = vector.shape_cast %swap3A_312 : vector<1x16xf32> to vector<1x16xf32>
      %swap3A_314 = vector.shape_cast %mul3A_309 : vector<1x16xf32> to vector<1x16xf32>
      tpu.vector_store %arg25[%swap3A_310, %swap3A_311], %swap3A_314 {strides = array<i32>} : memref<64x128xf32, #tpu.memory_space<vmem>>, vector<1x16xf32>,
      %get3A_315 = arith.index_cast %add3A_288 : i32 to index
      %get3A_316 = arith.constant 32 : index
      %get3A_317 = tpu.vector_load %arg13[%get3A_315, %get3A_316] {strides = array<i32>} : memref<64x128xf32, #tpu.memory_space<vmem>>, vector<1x16xf32>,
      %get3A_318 = vector.shape_cast %get3A_317 : vector<1x16xf32> to vector<1x16xf32>
      %get3A_319 = arith.index_cast %add3A_288 : i32 to index
      %get3A_320 = arith.constant 32 : index
      %get3A_321 = tpu.vector_load %arg16[%get3A_319, %get3A_320] {strides = array<i32>} : memref<64x128xf32, #tpu.memory_space<vmem>>, vector<1x16xf32>,
      %get3A_322 = vector.shape_cast %get3A_321 : vector<1x16xf32> to vector<1x16xf32>
      %mul3A_323 = arith.mulf %get3A_318, %get3A_322 : vector<1x16xf32>
      %swap3A_324 = arith.index_cast %add3A_288 : i32 to index
      %swap3A_325 = arith.constant 32 : index
      %swap3A_326 = tpu.vector_load %arg25[%swap3A_324, %swap3A_325] {strides = array<i32>} : memref<64x128xf32, #tpu.memory_space<vmem>>, vector<1x16xf32>,
      %swap3A_327 = vector.shape_cast %swap3A_326 : vector<1x16xf32> to vector<1x16xf32>
      %swap3A_328 = vector.shape_cast %mul3A_323 : vector<1x16xf32> to vector<1x16xf32>
      tpu.vector_store %arg25[%swap3A_324, %swap3A_325], %swap3A_328 {strides = array<i32>} : memref<64x128xf32, #tpu.memory_space<vmem>>, vector<1x16xf32>,
      %get3A_329 = arith.index_cast %add3A_288 : i32 to index
      %get3A_330 = arith.constant 48 : index
      %get3A_331 = tpu.vector_load %arg13[%get3A_329, %get3A_330] {strides = array<i32>} : memref<64x128xf32, #tpu.memory_space<vmem>>, vector<1x16xf32>,
      %get3A_332 = vector.shape_cast %get3A_331 : vector<1x16xf32> to vector<1x16xf32>
      %get3A_333 = arith.index_cast %add3A_288 : i32 to index
      %get3A_334 = arith.constant 48 : index
      %get3A_335 = tpu.vector_load %arg16[%get3A_333, %get3A_334] {strides = array<i32>} : memref<64x128xf32, #tpu.memory_space<vmem>>, vector<1x16xf32>,
      %get3A_336 = vector.shape_cast %get3A_335 : vector<1x16xf32> to vector<1x16xf32>
      %mul3A_337 = arith.mulf %get3A_332, %get3A_336 : vector<1x16xf32>
      %swap3A_338 = arith.index_cast %add3A_288 : i32 to index
      %swap3A_339 = arith.constant 48 : index
      %swap3A_340 = tpu.vector_load %arg25[%swap3A_338, %swap3A_339] {strides = array<i32>} : memref<64x128xf32, #tpu.memory_space<vmem>>, vector<1x16xf32>,
      %swap3A_341 = vector.shape_cast %swap3A_340 : vector<1x16xf32> to vector<1x16xf32>
      %swap3A_342 = vector.shape_cast %mul3A_337 : vector<1x16xf32> to vector<1x16xf32>
      tpu.vector_store %arg25[%swap3A_338, %swap3A_339], %swap3A_342 {strides = array<i32>} : memref<64x128xf32, #tpu.memory_space<vmem>>, vector<1x16xf32>,
      %get3A_343 = arith.index_cast %add3A_288 : i32 to index
      %get3A_344 = arith.constant 64 : index
      %get3A_345 = tpu.vector_load %arg13[%get3A_343, %get3A_344] {strides = array<i32>} : memref<64x128xf32, #tpu.memory_space<vmem>>, vector<1x16xf32>,
      %get3A_346 = vector.shape_cast %get3A_345 : vector<1x16xf32> to vector<1x16xf32>
      %get3A_347 = arith.index_cast %add3A_288 : i32 to index
      %get3A_348 = arith.constant 64 : index
      %get3A_349 = tpu.vector_load %arg16[%get3A_347, %get3A_348] {strides = array<i32>} : memref<64x128xf32, #tpu.memory_space<vmem>>, vector<1x16xf32>,
      %get3A_350 = vector.shape_cast %get3A_349 : vector<1x16xf32> to vector<1x16xf32>
      %mul3A_351 = arith.mulf %get3A_346, %get3A_350 : vector<1x16xf32>
      %swap3A_352 = arith.index_cast %add3A_288 : i32 to index
      %swap3A_353 = arith.constant 64 : index
      %swap3A_354 = tpu.vector_load %arg25[%swap3A_352, %swap3A_353] {strides = array<i32>} : memref<64x128xf32, #tpu.memory_space<vmem>>, vector<1x16xf32>,
      %swap3A_355 = vector.shape_cast %swap3A_354 : vector<1x16xf32> to vector<1x16xf32>
      %swap3A_356 = vector.shape_cast %mul3A_351 : vector<1x16xf32> to vector<1x16xf32>
      tpu.vector_store %arg25[%swap3A_352, %swap3A_353], %swap3A_356 {strides = array<i32>} : memref<64x128xf32, #tpu.memory_space<vmem>>, vector<1x16xf32>,
      %get3A_357 = arith.index_cast %add3A_288 : i32 to index
      %get3A_358 = arith.constant 80 : index
      %get3A_359 = tpu.vector_load %arg13[%get3A_357, %get3A_358] {strides = array<i32>} : memref<64x128xf32, #tpu.memory_space<vmem>>, vector<1x16xf32>,
      %get3A_360 = vector.shape_cast %get3A_359 : vector<1x16xf32> to vector<1x16xf32>
      %get3A_361 = arith.index_cast %add3A_288 : i32 to index
      %get3A_362 = arith.constant 80 : index
      %get3A_363 = tpu.vector_load %arg16[%get3A_361, %get3A_362] {strides = array<i32>} : memref<64x128xf32, #tpu.memory_space<vmem>>, vector<1x16xf32>,
      %get3A_364 = vector.shape_cast %get3A_363 : vector<1x16xf32> to vector<1x16xf32>
      %mul3A_365 = arith.mulf %get3A_360, %get3A_364 : vector<1x16xf32>
      %swap3A_366 = arith.index_cast %add3A_288 : i32 to index
      %swap3A_367 = arith.constant 80 : index
      %swap3A_368 = tpu.vector_load %arg25[%swap3A_366, %swap3A_367] {strides = array<i32>} : memref<64x128xf32, #tpu.memory_space<vmem>>, vector<1x16xf32>,
      %swap3A_369 = vector.shape_cast %swap3A_368 : vector<1x16xf32> to vector<1x16xf32>
      %swap3A_370 = vector.shape_cast %mul3A_365 : vector<1x16xf32> to vector<1x16xf32>
      tpu.vector_store %arg25[%swap3A_366, %swap3A_367], %swap3A_370 {strides = array<i32>} : memref<64x128xf32, #tpu.memory_space<vmem>>, vector<1x16xf32>,
      %get3A_371 = arith.index_cast %add3A_288 : i32 to index
      %get3A_372 = arith.constant 96 : index
      %get3A_373 = tpu.vector_load %arg13[%get3A_371, %get3A_372] {strides = array<i32>} : memref<64x128xf32, #tpu.memory_space<vmem>>, vector<1x16xf32>,
      %get3A_374 = vector.shape_cast %get3A_373 : vector<1x16xf32> to vector<1x16xf32>
      %get3A_375 = arith.index_cast %add3A_288 : i32 to index
      %get3A_376 = arith.constant 96 : index
      %get3A_377 = tpu.vector_load %arg16[%get3A_375, %get3A_376] {strides = array<i32>} : memref<64x128xf32, #tpu.memory_space<vmem>>, vector<1x16xf32>,
      %get3A_378 = vector.shape_cast %get3A_377 : vector<1x16xf32> to vector<1x16xf32>
      %mul3A_379 = arith.mulf %get3A_374, %get3A_378 : vector<1x16xf32>
      %swap3A_380 = arith.index_cast %add3A_288 : i32 to index
      %swap3A_381 = arith.constant 96 : index
      %swap3A_382 = tpu.vector_load %arg25[%swap3A_380, %swap3A_381] {strides = array<i32>} : memref<64x128xf32, #tpu.memory_space<vmem>>, vector<1x16xf32>,
      %swap3A_383 = vector.shape_cast %swap3A_382 : vector<1x16xf32> to vector<1x16xf32>
      %swap3A_384 = vector.shape_cast %mul3A_379 : vector<1x16xf32> to vector<1x16xf32>
      tpu.vector_store %arg25[%swap3A_380, %swap3A_381], %swap3A_384 {strides = array<i32>} : memref<64x128xf32, #tpu.memory_space<vmem>>, vector<1x16xf32>,
      %get3A_385 = arith.index_cast %add3A_288 : i32 to index
      %get3A_386 = arith.constant 112 : index
      %get3A_387 = tpu.vector_load %arg13[%get3A_385, %get3A_386] {strides = array<i32>} : memref<64x128xf32, #tpu.memory_space<vmem>>, vector<1x16xf32>,
      %get3A_388 = vector.shape_cast %get3A_387 : vector<1x16xf32> to vector<1x16xf32>
      %get3A_389 = arith.index_cast %add3A_288 : i32 to index
      %get3A_390 = arith.constant 112 : index
      %get3A_391 = tpu.vector_load %arg16[%get3A_389, %get3A_390] {strides = array<i32>} : memref<64x128xf32, #tpu.memory_space<vmem>>, vector<1x16xf32>,
      %get3A_392 = vector.shape_cast %get3A_391 : vector<1x16xf32> to vector<1x16xf32>
      %mul3A_393 = arith.mulf %get3A_388, %get3A_392 : vector<1x16xf32>
      %swap3A_394 = arith.index_cast %add3A_288 : i32 to index
      %swap3A_395 = arith.constant 112 : index
      %swap3A_396 = tpu.vector_load %arg25[%swap3A_394, %swap3A_395] {strides = array<i32>} : memref<64x128xf32, #tpu.memory_space<vmem>>, vector<1x16xf32>,
      %swap3A_397 = vector.shape_cast %swap3A_396 : vector<1x16xf32> to vector<1x16xf32>
      %swap3A_398 = vector.shape_cast %mul3A_393 : vector<1x16xf32> to vector<1x16xf32>
      tpu.vector_store %arg25[%swap3A_394, %swap3A_395], %swap3A_398 {strides = array<i32>} : memref<64x128xf32, #tpu.memory_space<vmem>>, vector<1x16xf32>,
    }
    %scan3A_186 = arith.constant 64 : i32
    %dma_start3A_187 = arith.constant 0 : i32
    %dma_start3A_188 = tpu.memref_slice %arg6[%add3A_171, %dma_start3A_187] : memref<8192x128xf32, #tpu.memory_space<hbm>> -> memref<64x128xf32, #tpu.memory_space<hbm>>
    %dma_start3A_189 = arith.constant 0 : i32
    %dma_start3A_190 = tpu.memref_slice %arg6[%add3A_171, %dma_start3A_189] : memref<8192x128xf32, #tpu.memory_space<hbm>> -> memref<64x128xf32, #tpu.memory_space<hbm>>
    tpu.enqueue_dma source(%arg25 : memref<64x128xf32, #tpu.memory_space<vmem>>) target(%dma_start3A_190 : memref<64x128xf32, #tpu.memory_space<hbm>>) target_semaphore(%arg55 : memref<!tpu.dma_semaphore, #tpu.memory_space<semaphore_mem>>)
    %dma_wait3A_191 = arith.constant 128 : i32
    %dma_wait3A_192 = tpu.memref_slice %arg9[%dma_wait3A_191] : memref<256xi32, #tpu.memory_space<vmem>> -> memref<64xi32, #tpu.memory_space<vmem>>
    %dma_wait3A_193 = arith.constant 0 : i32
    %dma_wait3A_194 = arith.constant 0 : i32
    %dma_wait3A_195 = tpu.memref_slice %arg3[%dma_wait3A_193, %dma_wait3A_194] : memref<100000x128xf32, #tpu.memory_space<hbm>> -> memref<100000x128xf32, #tpu.memory_space<hbm>>
    tpu.wait_indirect_dma semaphore(%arg34 : memref<!tpu.dma_semaphore, #tpu.memory_space<semaphore_mem>>) src(%dma_wait3A_195 : memref<100000x128xf32, #tpu.memory_space<hbm>>) dst(%arg19 : memref<64x128xf32, #tpu.memory_space<vmem>>)
    %dma_start3A_196 = arith.constant 0 : i32
    %dma_start3A_197 = tpu.memref_slice %arg7[%add3A_171, %dma_start3A_196] : memref<8192x128xf32, #tpu.memory_space<hbm>> -> memref<64x128xf32, #tpu.memory_space<hbm>>
    %dma_start3A_198 = arith.constant 0 : i32
    %dma_start3A_199 = tpu.memref_slice %arg7[%add3A_171, %dma_start3A_198] : memref<8192x128xf32, #tpu.memory_space<hbm>> -> memref<64x128xf32, #tpu.memory_space<hbm>>
    tpu.enqueue_dma source(%arg19 : memref<64x128xf32, #tpu.memory_space<vmem>>) target(%dma_start3A_199 : memref<64x128xf32, #tpu.memory_space<hbm>>) target_semaphore(%arg49 : memref<!tpu.dma_semaphore, #tpu.memory_space<semaphore_mem>>)
    %dma_wait3A_200 = arith.constant 128 : i32
    %dma_wait3A_201 = tpu.memref_slice %arg10[%dma_wait3A_200] : memref<256xi32, #tpu.memory_space<vmem>> -> memref<64xi32, #tpu.memory_space<vmem>>
    %dma_wait3A_202 = arith.constant 0 : i32
    %dma_wait3A_203 = arith.constant 0 : i32
    %dma_wait3A_204 = tpu.memref_slice %arg3[%dma_wait3A_202, %dma_wait3A_203] : memref<100000x128xf32, #tpu.memory_space<hbm>> -> memref<100000x128xf32, #tpu.memory_space<hbm>>
    tpu.wait_indirect_dma semaphore(%arg37 : memref<!tpu.dma_semaphore, #tpu.memory_space<semaphore_mem>>) src(%dma_wait3A_204 : memref<100000x128xf32, #tpu.memory_space<hbm>>) dst(%arg22 : memref<64x128xf32, #tpu.memory_space<vmem>>)
    %dma_start3A_205 = arith.constant 0 : i32
    %dma_start3A_206 = tpu.memref_slice %arg8[%add3A_171, %dma_start3A_205] : memref<8192x128xf32, #tpu.memory_space<hbm>> -> memref<64x128xf32, #tpu.memory_space<hbm>>
    %dma_start3A_207 = arith.constant 0 : i32
    %dma_start3A_208 = tpu.memref_slice %arg8[%add3A_171, %dma_start3A_207] : memref<8192x128xf32, #tpu.memory_space<hbm>> -> memref<64x128xf32, #tpu.memory_space<hbm>>
    tpu.enqueue_dma source(%arg22 : memref<64x128xf32, #tpu.memory_space<vmem>>) target(%dma_start3A_208 : memref<64x128xf32, #tpu.memory_space<hbm>>) target_semaphore(%arg52 : memref<!tpu.dma_semaphore, #tpu.memory_space<semaphore_mem>>)
    %add3A_209 = arith.constant 192 : i32
    %add3A_210 = arith.addi %mul3A_2, %add3A_209 : i32
    %dma_wait3A_211 = arith.constant 192 : i32
    %dma_wait3A_212 = tpu.memref_slice %arg9[%dma_wait3A_211] : memref<256xi32, #tpu.memory_space<vmem>> -> memref<64xi32, #tpu.memory_space<vmem>>
    %dma_wait3A_213 = arith.constant 0 : i32
    %dma_wait3A_214 = arith.constant 0 : i32
    %dma_wait3A_215 = tpu.memref_slice %arg2[%dma_wait3A_213, %dma_wait3A_214] : memref<100000x128xf32, #tpu.memory_space<hbm>> -> memref<100000x128xf32, #tpu.memory_space<hbm>>
    tpu.wait_indirect_dma semaphore(%arg26 : memref<!tpu.dma_semaphore, #tpu.memory_space<semaphore_mem>>) src(%dma_wait3A_215 : memref<100000x128xf32, #tpu.memory_space<hbm>>) dst(%arg11 : memref<64x128xf32, #tpu.memory_space<vmem>>)
    %dma_wait3A_216 = arith.constant 192 : i32
    %dma_wait3A_217 = tpu.memref_slice %arg10[%dma_wait3A_216] : memref<256xi32, #tpu.memory_space<vmem>> -> memref<64xi32, #tpu.memory_space<vmem>>
    %dma_wait3A_218 = arith.constant 0 : i32
    %dma_wait3A_219 = arith.constant 0 : i32
    %dma_wait3A_220 = tpu.memref_slice %arg2[%dma_wait3A_218, %dma_wait3A_219] : memref<100000x128xf32, #tpu.memory_space<hbm>> -> memref<100000x128xf32, #tpu.memory_space<hbm>>
    tpu.wait_indirect_dma semaphore(%arg29 : memref<!tpu.dma_semaphore, #tpu.memory_space<semaphore_mem>>) src(%dma_wait3A_220 : memref<100000x128xf32, #tpu.memory_space<hbm>>) dst(%arg14 : memref<64x128xf32, #tpu.memory_space<vmem>>)
    %scan3A_221 = arith.constant 0 : i32
    %scan3A_222 = arith.constant 64 : i32
    %scan3A_223 = arith.addi %scan3A_221, %scan3A_222 : i32
    %scan3A_224 = arith.constant 1 : i32
    scf.for %scan3A_284 = %scan3A_221 to %scan3A_223 step %scan3A_224  : i32 {
      %mul3A_285 = arith.constant 1 : i32
      %mul3A_286 = arith.muli %scan3A_284, %mul3A_285 : i32
      %add3A_287 = arith.constant 0 : i32
      %add3A_288 = arith.addi %add3A_287, %mul3A_286 : i32
      %get3A = arith.index_cast %add3A_288 : i32 to index
      %get3A_289 = arith.constant 0 : index
      %get3A_290 = tpu.vector_load %arg11[%get3A, %get3A_289] {strides = array<i32>} : memref<64x128xf32, #tpu.memory_space<vmem>>, vector<1x16xf32>,
      %get3A_291 = vector.shape_cast %get3A_290 : vector<1x16xf32> to vector<1x16xf32>
      %get3A_292 = arith.index_cast %add3A_288 : i32 to index
      %get3A_293 = arith.constant 0 : index
      %get3A_294 = tpu.vector_load %arg14[%get3A_292, %get3A_293] {strides = array<i32>} : memref<64x128xf32, #tpu.memory_space<vmem>>, vector<1x16xf32>,
      %get3A_295 = vector.shape_cast %get3A_294 : vector<1x16xf32> to vector<1x16xf32>
      %mul3A_296 = arith.mulf %get3A_291, %get3A_295 : vector<1x16xf32>
      %swap3A = arith.index_cast %add3A_288 : i32 to index
      %swap3A_297 = arith.constant 0 : index
      %swap3A_298 = tpu.vector_load %arg23[%swap3A, %swap3A_297] {strides = array<i32>} : memref<64x128xf32, #tpu.memory_space<vmem>>, vector<1x16xf32>,
      %swap3A_299 = vector.shape_cast %swap3A_298 : vector<1x16xf32> to vector<1x16xf32>
      %swap3A_300 = vector.shape_cast %mul3A_296 : vector<1x16xf32> to vector<1x16xf32>
      tpu.vector_store %arg23[%swap3A, %swap3A_297], %swap3A_300 {strides = array<i32>} : memref<64x128xf32, #tpu.memory_space<vmem>>, vector<1x16xf32>,
      %get3A_301 = arith.index_cast %add3A_288 : i32 to index
      %get3A_302 = arith.constant 16 : index
      %get3A_303 = tpu.vector_load %arg11[%get3A_301, %get3A_302] {strides = array<i32>} : memref<64x128xf32, #tpu.memory_space<vmem>>, vector<1x16xf32>,
      %get3A_304 = vector.shape_cast %get3A_303 : vector<1x16xf32> to vector<1x16xf32>
      %get3A_305 = arith.index_cast %add3A_288 : i32 to index
      %get3A_306 = arith.constant 16 : index
      %get3A_307 = tpu.vector_load %arg14[%get3A_305, %get3A_306] {strides = array<i32>} : memref<64x128xf32, #tpu.memory_space<vmem>>, vector<1x16xf32>,
      %get3A_308 = vector.shape_cast %get3A_307 : vector<1x16xf32> to vector<1x16xf32>
      %mul3A_309 = arith.mulf %get3A_304, %get3A_308 : vector<1x16xf32>
      %swap3A_310 = arith.index_cast %add3A_288 : i32 to index
      %swap3A_311 = arith.constant 16 : index
      %swap3A_312 = tpu.vector_load %arg23[%swap3A_310, %swap3A_311] {strides = array<i32>} : memref<64x128xf32, #tpu.memory_space<vmem>>, vector<1x16xf32>,
      %swap3A_313 = vector.shape_cast %swap3A_312 : vector<1x16xf32> to vector<1x16xf32>
      %swap3A_314 = vector.shape_cast %mul3A_309 : vector<1x16xf32> to vector<1x16xf32>
      tpu.vector_store %arg23[%swap3A_310, %swap3A_311], %swap3A_314 {strides = array<i32>} : memref<64x128xf32, #tpu.memory_space<vmem>>, vector<1x16xf32>,
      %get3A_315 = arith.index_cast %add3A_288 : i32 to index
      %get3A_316 = arith.constant 32 : index
      %get3A_317 = tpu.vector_load %arg11[%get3A_315, %get3A_316] {strides = array<i32>} : memref<64x128xf32, #tpu.memory_space<vmem>>, vector<1x16xf32>,
      %get3A_318 = vector.shape_cast %get3A_317 : vector<1x16xf32> to vector<1x16xf32>
      %get3A_319 = arith.index_cast %add3A_288 : i32 to index
      %get3A_320 = arith.constant 32 : index
      %get3A_321 = tpu.vector_load %arg14[%get3A_319, %get3A_320] {strides = array<i32>} : memref<64x128xf32, #tpu.memory_space<vmem>>, vector<1x16xf32>,
      %get3A_322 = vector.shape_cast %get3A_321 : vector<1x16xf32> to vector<1x16xf32>
      %mul3A_323 = arith.mulf %get3A_318, %get3A_322 : vector<1x16xf32>
      %swap3A_324 = arith.index_cast %add3A_288 : i32 to index
      %swap3A_325 = arith.constant 32 : index
      %swap3A_326 = tpu.vector_load %arg23[%swap3A_324, %swap3A_325] {strides = array<i32>} : memref<64x128xf32, #tpu.memory_space<vmem>>, vector<1x16xf32>,
      %swap3A_327 = vector.shape_cast %swap3A_326 : vector<1x16xf32> to vector<1x16xf32>
      %swap3A_328 = vector.shape_cast %mul3A_323 : vector<1x16xf32> to vector<1x16xf32>
      tpu.vector_store %arg23[%swap3A_324, %swap3A_325], %swap3A_328 {strides = array<i32>} : memref<64x128xf32, #tpu.memory_space<vmem>>, vector<1x16xf32>,
      %get3A_329 = arith.index_cast %add3A_288 : i32 to index
      %get3A_330 = arith.constant 48 : index
      %get3A_331 = tpu.vector_load %arg11[%get3A_329, %get3A_330] {strides = array<i32>} : memref<64x128xf32, #tpu.memory_space<vmem>>, vector<1x16xf32>,
      %get3A_332 = vector.shape_cast %get3A_331 : vector<1x16xf32> to vector<1x16xf32>
      %get3A_333 = arith.index_cast %add3A_288 : i32 to index
      %get3A_334 = arith.constant 48 : index
      %get3A_335 = tpu.vector_load %arg14[%get3A_333, %get3A_334] {strides = array<i32>} : memref<64x128xf32, #tpu.memory_space<vmem>>, vector<1x16xf32>,
      %get3A_336 = vector.shape_cast %get3A_335 : vector<1x16xf32> to vector<1x16xf32>
      %mul3A_337 = arith.mulf %get3A_332, %get3A_336 : vector<1x16xf32>
      %swap3A_338 = arith.index_cast %add3A_288 : i32 to index
      %swap3A_339 = arith.constant 48 : index
      %swap3A_340 = tpu.vector_load %arg23[%swap3A_338, %swap3A_339] {strides = array<i32>} : memref<64x128xf32, #tpu.memory_space<vmem>>, vector<1x16xf32>,
      %swap3A_341 = vector.shape_cast %swap3A_340 : vector<1x16xf32> to vector<1x16xf32>
      %swap3A_342 = vector.shape_cast %mul3A_337 : vector<1x16xf32> to vector<1x16xf32>
      tpu.vector_store %arg23[%swap3A_338, %swap3A_339], %swap3A_342 {strides = array<i32>} : memref<64x128xf32, #tpu.memory_space<vmem>>, vector<1x16xf32>,
      %get3A_343 = arith.index_cast %add3A_288 : i32 to index
      %get3A_344 = arith.constant 64 : index
      %get3A_345 = tpu.vector_load %arg11[%get3A_343, %get3A_344] {strides = array<i32>} : memref<64x128xf32, #tpu.memory_space<vmem>>, vector<1x16xf32>,
      %get3A_346 = vector.shape_cast %get3A_345 : vector<1x16xf32> to vector<1x16xf32>
      %get3A_347 = arith.index_cast %add3A_288 : i32 to index
      %get3A_348 = arith.constant 64 : index
      %get3A_349 = tpu.vector_load %arg14[%get3A_347, %get3A_348] {strides = array<i32>} : memref<64x128xf32, #tpu.memory_space<vmem>>, vector<1x16xf32>,
      %get3A_350 = vector.shape_cast %get3A_349 : vector<1x16xf32> to vector<1x16xf32>
      %mul3A_351 = arith.mulf %get3A_346, %get3A_350 : vector<1x16xf32>
      %swap3A_352 = arith.index_cast %add3A_288 : i32 to index
      %swap3A_353 = arith.constant 64 : index
      %swap3A_354 = tpu.vector_load %arg23[%swap3A_352, %swap3A_353] {strides = array<i32>} : memref<64x128xf32, #tpu.memory_space<vmem>>, vector<1x16xf32>,
      %swap3A_355 = vector.shape_cast %swap3A_354 : vector<1x16xf32> to vector<1x16xf32>
      %swap3A_356 = vector.shape_cast %mul3A_351 : vector<1x16xf32> to vector<1x16xf32>
      tpu.vector_store %arg23[%swap3A_352, %swap3A_353], %swap3A_356 {strides = array<i32>} : memref<64x128xf32, #tpu.memory_space<vmem>>, vector<1x16xf32>,
      %get3A_357 = arith.index_cast %add3A_288 : i32 to index
      %get3A_358 = arith.constant 80 : index
      %get3A_359 = tpu.vector_load %arg11[%get3A_357, %get3A_358] {strides = array<i32>} : memref<64x128xf32, #tpu.memory_space<vmem>>, vector<1x16xf32>,
      %get3A_360 = vector.shape_cast %get3A_359 : vector<1x16xf32> to vector<1x16xf32>
      %get3A_361 = arith.index_cast %add3A_288 : i32 to index
      %get3A_362 = arith.constant 80 : index
      %get3A_363 = tpu.vector_load %arg14[%get3A_361, %get3A_362] {strides = array<i32>} : memref<64x128xf32, #tpu.memory_space<vmem>>, vector<1x16xf32>,
      %get3A_364 = vector.shape_cast %get3A_363 : vector<1x16xf32> to vector<1x16xf32>
      %mul3A_365 = arith.mulf %get3A_360, %get3A_364 : vector<1x16xf32>
      %swap3A_366 = arith.index_cast %add3A_288 : i32 to index
      %swap3A_367 = arith.constant 80 : index
      %swap3A_368 = tpu.vector_load %arg23[%swap3A_366, %swap3A_367] {strides = array<i32>} : memref<64x128xf32, #tpu.memory_space<vmem>>, vector<1x16xf32>,
      %swap3A_369 = vector.shape_cast %swap3A_368 : vector<1x16xf32> to vector<1x16xf32>
      %swap3A_370 = vector.shape_cast %mul3A_365 : vector<1x16xf32> to vector<1x16xf32>
      tpu.vector_store %arg23[%swap3A_366, %swap3A_367], %swap3A_370 {strides = array<i32>} : memref<64x128xf32, #tpu.memory_space<vmem>>, vector<1x16xf32>,
      %get3A_371 = arith.index_cast %add3A_288 : i32 to index
      %get3A_372 = arith.constant 96 : index
      %get3A_373 = tpu.vector_load %arg11[%get3A_371, %get3A_372] {strides = array<i32>} : memref<64x128xf32, #tpu.memory_space<vmem>>, vector<1x16xf32>,
      %get3A_374 = vector.shape_cast %get3A_373 : vector<1x16xf32> to vector<1x16xf32>
      %get3A_375 = arith.index_cast %add3A_288 : i32 to index
      %get3A_376 = arith.constant 96 : index
      %get3A_377 = tpu.vector_load %arg14[%get3A_375, %get3A_376] {strides = array<i32>} : memref<64x128xf32, #tpu.memory_space<vmem>>, vector<1x16xf32>,
      %get3A_378 = vector.shape_cast %get3A_377 : vector<1x16xf32> to vector<1x16xf32>
      %mul3A_379 = arith.mulf %get3A_374, %get3A_378 : vector<1x16xf32>
      %swap3A_380 = arith.index_cast %add3A_288 : i32 to index
      %swap3A_381 = arith.constant 96 : index
      %swap3A_382 = tpu.vector_load %arg23[%swap3A_380, %swap3A_381] {strides = array<i32>} : memref<64x128xf32, #tpu.memory_space<vmem>>, vector<1x16xf32>,
      %swap3A_383 = vector.shape_cast %swap3A_382 : vector<1x16xf32> to vector<1x16xf32>
      %swap3A_384 = vector.shape_cast %mul3A_379 : vector<1x16xf32> to vector<1x16xf32>
      tpu.vector_store %arg23[%swap3A_380, %swap3A_381], %swap3A_384 {strides = array<i32>} : memref<64x128xf32, #tpu.memory_space<vmem>>, vector<1x16xf32>,
      %get3A_385 = arith.index_cast %add3A_288 : i32 to index
      %get3A_386 = arith.constant 112 : index
      %get3A_387 = tpu.vector_load %arg11[%get3A_385, %get3A_386] {strides = array<i32>} : memref<64x128xf32, #tpu.memory_space<vmem>>, vector<1x16xf32>,
      %get3A_388 = vector.shape_cast %get3A_387 : vector<1x16xf32> to vector<1x16xf32>
      %get3A_389 = arith.index_cast %add3A_288 : i32 to index
      %get3A_390 = arith.constant 112 : index
      %get3A_391 = tpu.vector_load %arg14[%get3A_389, %get3A_390] {strides = array<i32>} : memref<64x128xf32, #tpu.memory_space<vmem>>, vector<1x16xf32>,
      %get3A_392 = vector.shape_cast %get3A_391 : vector<1x16xf32> to vector<1x16xf32>
      %mul3A_393 = arith.mulf %get3A_388, %get3A_392 : vector<1x16xf32>
      %swap3A_394 = arith.index_cast %add3A_288 : i32 to index
      %swap3A_395 = arith.constant 112 : index
      %swap3A_396 = tpu.vector_load %arg23[%swap3A_394, %swap3A_395] {strides = array<i32>} : memref<64x128xf32, #tpu.memory_space<vmem>>, vector<1x16xf32>,
      %swap3A_397 = vector.shape_cast %swap3A_396 : vector<1x16xf32> to vector<1x16xf32>
      %swap3A_398 = vector.shape_cast %mul3A_393 : vector<1x16xf32> to vector<1x16xf32>
      tpu.vector_store %arg23[%swap3A_394, %swap3A_395], %swap3A_398 {strides = array<i32>} : memref<64x128xf32, #tpu.memory_space<vmem>>, vector<1x16xf32>,
    }
    %scan3A_225 = arith.constant 64 : i32
    %dma_start3A_226 = arith.constant 0 : i32
    %dma_start3A_227 = tpu.memref_slice %arg6[%add3A_210, %dma_start3A_226] : memref<8192x128xf32, #tpu.memory_space<hbm>> -> memref<64x128xf32, #tpu.memory_space<hbm>>
    %dma_start3A_228 = arith.constant 0 : i32
    %dma_start3A_229 = tpu.memref_slice %arg6[%add3A_210, %dma_start3A_228] : memref<8192x128xf32, #tpu.memory_space<hbm>> -> memref<64x128xf32, #tpu.memory_space<hbm>>
    tpu.enqueue_dma source(%arg23 : memref<64x128xf32, #tpu.memory_space<vmem>>) target(%dma_start3A_229 : memref<64x128xf32, #tpu.memory_space<hbm>>) target_semaphore(%arg53 : memref<!tpu.dma_semaphore, #tpu.memory_space<semaphore_mem>>)
    %dma_wait3A_230 = arith.constant 192 : i32
    %dma_wait3A_231 = tpu.memref_slice %arg9[%dma_wait3A_230] : memref<256xi32, #tpu.memory_space<vmem>> -> memref<64xi32, #tpu.memory_space<vmem>>
    %dma_wait3A_232 = arith.constant 0 : i32
    %dma_wait3A_233 = arith.constant 0 : i32
    %dma_wait3A_234 = tpu.memref_slice %arg3[%dma_wait3A_232, %dma_wait3A_233] : memref<100000x128xf32, #tpu.memory_space<hbm>> -> memref<100000x128xf32, #tpu.memory_space<hbm>>
    tpu.wait_indirect_dma semaphore(%arg32 : memref<!tpu.dma_semaphore, #tpu.memory_space<semaphore_mem>>) src(%dma_wait3A_234 : memref<100000x128xf32, #tpu.memory_space<hbm>>) dst(%arg17 : memref<64x128xf32, #tpu.memory_space<vmem>>)
    %dma_start3A_235 = arith.constant 0 : i32
    %dma_start3A_236 = tpu.memref_slice %arg7[%add3A_210, %dma_start3A_235] : memref<8192x128xf32, #tpu.memory_space<hbm>> -> memref<64x128xf32, #tpu.memory_space<hbm>>
    %dma_start3A_237 = arith.constant 0 : i32
    %dma_start3A_238 = tpu.memref_slice %arg7[%add3A_210, %dma_start3A_237] : memref<8192x128xf32, #tpu.memory_space<hbm>> -> memref<64x128xf32, #tpu.memory_space<hbm>>
    tpu.enqueue_dma source(%arg17 : memref<64x128xf32, #tpu.memory_space<vmem>>) target(%dma_start3A_238 : memref<64x128xf32, #tpu.memory_space<hbm>>) target_semaphore(%arg47 : memref<!tpu.dma_semaphore, #tpu.memory_space<semaphore_mem>>)
    %dma_wait3A_239 = arith.constant 192 : i32
    %dma_wait3A_240 = tpu.memref_slice %arg10[%dma_wait3A_239] : memref<256xi32, #tpu.memory_space<vmem>> -> memref<64xi32, #tpu.memory_space<vmem>>
    %dma_wait3A_241 = arith.constant 0 : i32
    %dma_wait3A_242 = arith.constant 0 : i32
    %dma_wait3A_243 = tpu.memref_slice %arg3[%dma_wait3A_241, %dma_wait3A_242] : memref<100000x128xf32, #tpu.memory_space<hbm>> -> memref<100000x128xf32, #tpu.memory_space<hbm>>
    tpu.wait_indirect_dma semaphore(%arg35 : memref<!tpu.dma_semaphore, #tpu.memory_space<semaphore_mem>>) src(%dma_wait3A_243 : memref<100000x128xf32, #tpu.memory_space<hbm>>) dst(%arg20 : memref<64x128xf32, #tpu.memory_space<vmem>>)
    %dma_start3A_244 = arith.constant 0 : i32
    %dma_start3A_245 = tpu.memref_slice %arg8[%add3A_210, %dma_start3A_244] : memref<8192x128xf32, #tpu.memory_space<hbm>> -> memref<64x128xf32, #tpu.memory_space<hbm>>
    %dma_start3A_246 = arith.constant 0 : i32
    %dma_start3A_247 = tpu.memref_slice %arg8[%add3A_210, %dma_start3A_246] : memref<8192x128xf32, #tpu.memory_space<hbm>> -> memref<64x128xf32, #tpu.memory_space<hbm>>
    tpu.enqueue_dma source(%arg20 : memref<64x128xf32, #tpu.memory_space<vmem>>) target(%dma_start3A_247 : memref<64x128xf32, #tpu.memory_space<hbm>>) target_semaphore(%arg50 : memref<!tpu.dma_semaphore, #tpu.memory_space<semaphore_mem>>)
    %dma_wait3A_248 = arith.constant 0 : i32
    %dma_wait3A_249 = tpu.memref_slice %arg6[%add3A_132, %dma_wait3A_248] : memref<8192x128xf32, #tpu.memory_space<hbm>> -> memref<64x128xf32, #tpu.memory_space<hbm>>
    %dma_wait3A_250 = arith.constant 0 : i32
    %dma_wait3A_251 = tpu.memref_slice %arg6[%add3A_132, %dma_wait3A_250] : memref<8192x128xf32, #tpu.memory_space<hbm>> -> memref<64x128xf32, #tpu.memory_space<hbm>>
    tpu.wait_dma2 semaphore(%arg54 : memref<!tpu.dma_semaphore, #tpu.memory_space<semaphore_mem>>) src(%arg24 : memref<64x128xf32, #tpu.memory_space<vmem>>) dst(%dma_wait3A_251 : memref<64x128xf32, #tpu.memory_space<hbm>>)
    %dma_wait3A_252 = arith.constant 0 : i32
    %dma_wait3A_253 = tpu.memref_slice %arg7[%add3A_132, %dma_wait3A_252] : memref<8192x128xf32, #tpu.memory_space<hbm>> -> memref<64x128xf32, #tpu.memory_space<hbm>>
    %dma_wait3A_254 = arith.constant 0 : i32
    %dma_wait3A_255 = tpu.memref_slice %arg7[%add3A_132, %dma_wait3A_254] : memref<8192x128xf32, #tpu.memory_space<hbm>> -> memref<64x128xf32, #tpu.memory_space<hbm>>
    tpu.wait_dma2 semaphore(%arg48 : memref<!tpu.dma_semaphore, #tpu.memory_space<semaphore_mem>>) src(%arg18 : memref<64x128xf32, #tpu.memory_space<vmem>>) dst(%dma_wait3A_255 : memref<64x128xf32, #tpu.memory_space<hbm>>)
    %dma_wait3A_256 = arith.constant 0 : i32
    %dma_wait3A_257 = tpu.memref_slice %arg8[%add3A_132, %dma_wait3A_256] : memref<8192x128xf32, #tpu.memory_space<hbm>> -> memref<64x128xf32, #tpu.memory_space<hbm>>
    %dma_wait3A_258 = arith.constant 0 : i32
    %dma_wait3A_259 = tpu.memref_slice %arg8[%add3A_132, %dma_wait3A_258] : memref<8192x128xf32, #tpu.memory_space<hbm>> -> memref<64x128xf32, #tpu.memory_space<hbm>>
    tpu.wait_dma2 semaphore(%arg51 : memref<!tpu.dma_semaphore, #tpu.memory_space<semaphore_mem>>) src(%arg21 : memref<64x128xf32, #tpu.memory_space<vmem>>) dst(%dma_wait3A_259 : memref<64x128xf32, #tpu.memory_space<hbm>>)
    %dma_wait3A_260 = arith.constant 0 : i32
    %dma_wait3A_261 = tpu.memref_slice %arg6[%add3A_171, %dma_wait3A_260] : memref<8192x128xf32, #tpu.memory_space<hbm>> -> memref<64x128xf32, #tpu.memory_space<hbm>>
    %dma_wait3A_262 = arith.constant 0 : i32
    %dma_wait3A_263 = tpu.memref_slice %arg6[%add3A_171, %dma_wait3A_262] : memref<8192x128xf32, #tpu.memory_space<hbm>> -> memref<64x128xf32, #tpu.memory_space<hbm>>
    tpu.wait_dma2 semaphore(%arg55 : memref<!tpu.dma_semaphore, #tpu.memory_space<semaphore_mem>>) src(%arg25 : memref<64x128xf32, #tpu.memory_space<vmem>>) dst(%dma_wait3A_263 : memref<64x128xf32, #tpu.memory_space<hbm>>)
    %dma_wait3A_264 = arith.constant 0 : i32
    %dma_wait3A_265 = tpu.memref_slice %arg7[%add3A_171, %dma_wait3A_264] : memref<8192x128xf32, #tpu.memory_space<hbm>> -> memref<64x128xf32, #tpu.memory_space<hbm>>
    %dma_wait3A_266 = arith.constant 0 : i32
    %dma_wait3A_267 = tpu.memref_slice %arg7[%add3A_171, %dma_wait3A_266] : memref<8192x128xf32, #tpu.memory_space<hbm>> -> memref<64x128xf32, #tpu.memory_space<hbm>>
    tpu.wait_dma2 semaphore(%arg49 : memref<!tpu.dma_semaphore, #tpu.memory_space<semaphore_mem>>) src(%arg19 : memref<64x128xf32, #tpu.memory_space<vmem>>) dst(%dma_wait3A_267 : memref<64x128xf32, #tpu.memory_space<hbm>>)
    %dma_wait3A_268 = arith.constant 0 : i32
    %dma_wait3A_269 = tpu.memref_slice %arg8[%add3A_171, %dma_wait3A_268] : memref<8192x128xf32, #tpu.memory_space<hbm>> -> memref<64x128xf32, #tpu.memory_space<hbm>>
    %dma_wait3A_270 = arith.constant 0 : i32
    %dma_wait3A_271 = tpu.memref_slice %arg8[%add3A_171, %dma_wait3A_270] : memref<8192x128xf32, #tpu.memory_space<hbm>> -> memref<64x128xf32, #tpu.memory_space<hbm>>
    tpu.wait_dma2 semaphore(%arg52 : memref<!tpu.dma_semaphore, #tpu.memory_space<semaphore_mem>>) src(%arg22 : memref<64x128xf32, #tpu.memory_space<vmem>>) dst(%dma_wait3A_271 : memref<64x128xf32, #tpu.memory_space<hbm>>)
    %dma_wait3A_272 = arith.constant 0 : i32
    %dma_wait3A_273 = tpu.memref_slice %arg6[%add3A_210, %dma_wait3A_272] : memref<8192x128xf32, #tpu.memory_space<hbm>> -> memref<64x128xf32, #tpu.memory_space<hbm>>
    %dma_wait3A_274 = arith.constant 0 : i32
    %dma_wait3A_275 = tpu.memref_slice %arg6[%add3A_210, %dma_wait3A_274] : memref<8192x128xf32, #tpu.memory_space<hbm>> -> memref<64x128xf32, #tpu.memory_space<hbm>>
    tpu.wait_dma2 semaphore(%arg53 : memref<!tpu.dma_semaphore, #tpu.memory_space<semaphore_mem>>) src(%arg23 : memref<64x128xf32, #tpu.memory_space<vmem>>) dst(%dma_wait3A_275 : memref<64x128xf32, #tpu.memory_space<hbm>>)
    %dma_wait3A_276 = arith.constant 0 : i32
    %dma_wait3A_277 = tpu.memref_slice %arg7[%add3A_210, %dma_wait3A_276] : memref<8192x128xf32, #tpu.memory_space<hbm>> -> memref<64x128xf32, #tpu.memory_space<hbm>>
    %dma_wait3A_278 = arith.constant 0 : i32
    %dma_wait3A_279 = tpu.memref_slice %arg7[%add3A_210, %dma_wait3A_278] : memref<8192x128xf32, #tpu.memory_space<hbm>> -> memref<64x128xf32, #tpu.memory_space<hbm>>
    tpu.wait_dma2 semaphore(%arg47 : memref<!tpu.dma_semaphore, #tpu.memory_space<semaphore_mem>>) src(%arg17 : memref<64x128xf32, #tpu.memory_space<vmem>>) dst(%dma_wait3A_279 : memref<64x128xf32, #tpu.memory_space<hbm>>)
    %dma_wait3A_280 = arith.constant 0 : i32
    %dma_wait3A_281 = tpu.memref_slice %arg8[%add3A_210, %dma_wait3A_280] : memref<8192x128xf32, #tpu.memory_space<hbm>> -> memref<64x128xf32, #tpu.memory_space<hbm>>
    %dma_wait3A_282 = arith.constant 0 : i32
    %dma_wait3A_283 = tpu.memref_slice %arg8[%add3A_210, %dma_wait3A_282] : memref<8192x128xf32, #tpu.memory_space<hbm>> -> memref<64x128xf32, #tpu.memory_space<hbm>>
    tpu.wait_dma2 semaphore(%arg50 : memref<!tpu.dma_semaphore, #tpu.memory_space<semaphore_mem>>) src(%arg20 : memref<64x128xf32, #tpu.memory_space<vmem>>) dst(%dma_wait3A_283 : memref<64x128xf32, #tpu.memory_space<hbm>>)
    return
  }
}

#map = affine_map<(d0, d1) -> (0, 0)>
#map1 = affine_map<(d0, d1) -> (0)>
module attributes {stable_mosaic.version = 14 : i64} {
  func.func @gather_kernel(%arg0: i32, %arg1: i32, %arg2: memref<100000x128xf32, #tpu.memory_space<hbm>>, %arg3: memref<100000x128xf32, #tpu.memory_space<hbm>>, %arg4: memref<8192xi32, #tpu.memory_space<hbm>>, %arg5: memref<8192xi32, #tpu.memory_space<hbm>>, %arg6: memref<8192x128xf32, #tpu.memory_space<hbm>>, %arg7: memref<8192x128xf32, #tpu.memory_space<hbm>>, %arg8: memref<8192x128xf32, #tpu.memory_space<hbm>>, %arg9: memref<256xi32, #tpu.memory_space<vmem>>, %arg10: memref<256xi32, #tpu.memory_space<vmem>>, %arg11: memref<64x128xf32, #tpu.memory_space<vmem>>, %arg12: memref<64x128xf32, #tpu.memory_space<vmem>>, %arg13: memref<64x128xf32, #tpu.memory_space<vmem>>, %arg14: memref<64x128xf32, #tpu.memory_space<vmem>>, %arg15: memref<64x128xf32, #tpu.memory_space<vmem>>, %arg16: memref<64x128xf32, #tpu.memory_space<vmem>>, %arg17: memref<64x128xf32, #tpu.memory_space<vmem>>, %arg18: memref<64x128xf32, #tpu.memory_space<vmem>>, %arg19: memref<64x128xf32, #tpu.memory_space<vmem>>, %arg20: memref<64x128xf32, #tpu.memory_space<vmem>>, %arg21: memref<64x128xf32, #tpu.memory_space<vmem>>, %arg22: memref<64x128xf32, #tpu.memory_space<vmem>>, %arg23: memref<64x128xf32, #tpu.memory_space<vmem>>, %arg24: memref<64x128xf32, #tpu.memory_space<vmem>>, %arg25: memref<64x128xf32, #tpu.memory_space<vmem>>, %arg26: memref<!tpu.dma_semaphore, #tpu.memory_space<semaphore_mem>>, %arg27: memref<!tpu.dma_semaphore, #tpu.memory_space<semaphore_mem>>, %arg28: memref<!tpu.dma_semaphore, #tpu.memory_space<semaphore_mem>>, %arg29: memref<!tpu.dma_semaphore, #tpu.memory_space<semaphore_mem>>, %arg30: memref<!tpu.dma_semaphore, #tpu.memory_space<semaphore_mem>>, %arg31: memref<!tpu.dma_semaphore, #tpu.memory_space<semaphore_mem>>, %arg32: memref<!tpu.dma_semaphore, #tpu.memory_space<semaphore_mem>>, %arg33: memref<!tpu.dma_semaphore, #tpu.memory_space<semaphore_mem>>, %arg34: memref<!tpu.dma_semaphore, #tpu.memory_space<semaphore_mem>>, %arg35: memref<!tpu.dma_semaphore, #tpu.memory_space<semaphore_mem>>, %arg36: memref<!tpu.dma_semaphore, #tpu.memory_space<semaphore_mem>>, %arg37: memref<!tpu.dma_semaphore, #tpu.memory_space<semaphore_mem>>, %arg38: memref<!tpu.dma_semaphore, #tpu.memory_space<semaphore_mem>>, %arg39: memref<!tpu.dma_semaphore, #tpu.memory_space<semaphore_mem>>, %arg40: memref<!tpu.dma_semaphore, #tpu.memory_space<semaphore_mem>>, %arg41: memref<!tpu.dma_semaphore, #tpu.memory_space<semaphore_mem>>, %arg42: memref<!tpu.dma_semaphore, #tpu.memory_space<semaphore_mem>>, %arg43: memref<!tpu.dma_semaphore, #tpu.memory_space<semaphore_mem>>, %arg44: memref<!tpu.dma_semaphore, #tpu.memory_space<semaphore_mem>>, %arg45: memref<!tpu.dma_semaphore, #tpu.memory_space<semaphore_mem>>, %arg46: memref<!tpu.dma_semaphore, #tpu.memory_space<semaphore_mem>>, %arg47: memref<!tpu.dma_semaphore, #tpu.memory_space<semaphore_mem>>, %arg48: memref<!tpu.dma_semaphore, #tpu.memory_space<semaphore_mem>>, %arg49: memref<!tpu.dma_semaphore, #tpu.memory_space<semaphore_mem>>, %arg50: memref<!tpu.dma_semaphore, #tpu.memory_space<semaphore_mem>>, %arg51: memref<!tpu.dma_semaphore, #tpu.memory_space<semaphore_mem>>, %arg52: memref<!tpu.dma_semaphore, #tpu.memory_space<semaphore_mem>>, %arg53: memref<!tpu.dma_semaphore, #tpu.memory_space<semaphore_mem>>, %arg54: memref<!tpu.dma_semaphore, #tpu.memory_space<semaphore_mem>>, %arg55: memref<!tpu.dma_semaphore, #tpu.memory_space<semaphore_mem>>) attributes {dimension_semantics = [#tpu.dimension_semantics<core_parallel>, #tpu.dimension_semantics<subcore_parallel>], iteration_bounds = array<i64: 2, 16>, scalar_prefetch = 0 : i64, scratch_operands = 47 : i64, tpu.core_type = #tpu.core_type<sc_vector_subcore>, window_params = [{transform_indices = #map}, {transform_indices = #map}, {transform_indices = #map1}, {transform_indices = #map1}, {transform_indices = #map}, {transform_indices = #map}, {transform_indices = #map}]} {
    %mul3A = arith.constant 2 : i32
    %mul3A_0 = arith.muli %arg1, %mul3A : i32
    %add3A = arith.addi %mul3A_0, %arg0 : i32
    %mul3A_1 = arith.constant 256 : i32
    %mul3A_2 = arith.muli %add3A, %mul3A_1 : i32
    "tpu.region"() ({
      %run_scoped3A = tpu.sem_alloc : memref<!tpu.dma_semaphore, #tpu.memory_space<semaphore_mem>>
      %dma_start3A_284 = tpu.memref_slice %arg4[%mul3A_2] : memref<8192xi32, #tpu.memory_space<hbm>> -> memref<256xi32, #tpu.memory_space<hbm>>
      %dma_start3A_285 = tpu.memref_slice %arg4[%mul3A_2] : memref<8192xi32, #tpu.memory_space<hbm>> -> memref<256xi32, #tpu.memory_space<hbm>>
      tpu.enqueue_dma source(%dma_start3A_285 : memref<256xi32, #tpu.memory_space<hbm>>) target(%arg9 : memref<256xi32, #tpu.memory_space<vmem>>) target_semaphore(%run_scoped3A : memref<!tpu.dma_semaphore, #tpu.memory_space<semaphore_mem>>)
      %dma_wait3A_286 = tpu.memref_slice %arg4[%mul3A_2] : memref<8192xi32, #tpu.memory_space<hbm>> -> memref<256xi32, #tpu.memory_space<hbm>>
      %dma_wait3A_287 = tpu.memref_slice %arg4[%mul3A_2] : memref<8192xi32, #tpu.memory_space<hbm>> -> memref<256xi32, #tpu.memory_space<hbm>>
      tpu.wait_dma2 semaphore(%run_scoped3A : memref<!tpu.dma_semaphore, #tpu.memory_space<semaphore_mem>>) src(%dma_wait3A_287 : memref<256xi32, #tpu.memory_space<hbm>>) dst(%arg9 : memref<256xi32, #tpu.memory_space<vmem>>)
      tpu.yield
    }) : () -> ()
    "tpu.region"() ({
      %run_scoped3A = tpu.sem_alloc : memref<!tpu.dma_semaphore, #tpu.memory_space<semaphore_mem>>
      %dma_start3A_284 = tpu.memref_slice %arg5[%mul3A_2] : memref<8192xi32, #tpu.memory_space<hbm>> -> memref<256xi32, #tpu.memory_space<hbm>>
      %dma_start3A_285 = tpu.memref_slice %arg5[%mul3A_2] : memref<8192xi32, #tpu.memory_space<hbm>> -> memref<256xi32, #tpu.memory_space<hbm>>
      tpu.enqueue_dma source(%dma_start3A_285 : memref<256xi32, #tpu.memory_space<hbm>>) target(%arg10 : memref<256xi32, #tpu.memory_space<vmem>>) target_semaphore(%run_scoped3A : memref<!tpu.dma_semaphore, #tpu.memory_space<semaphore_mem>>)
      %dma_wait3A_286 = tpu.memref_slice %arg5[%mul3A_2] : memref<8192xi32, #tpu.memory_space<hbm>> -> memref<256xi32, #tpu.memory_space<hbm>>
      %dma_wait3A_287 = tpu.memref_slice %arg5[%mul3A_2] : memref<8192xi32, #tpu.memory_space<hbm>> -> memref<256xi32, #tpu.memory_space<hbm>>
      tpu.wait_dma2 semaphore(%run_scoped3A : memref<!tpu.dma_semaphore, #tpu.memory_space<semaphore_mem>>) src(%dma_wait3A_287 : memref<256xi32, #tpu.memory_space<hbm>>) dst(%arg10 : memref<256xi32, #tpu.memory_space<vmem>>)
      tpu.yield
    }) : () -> ()
    %dma_start3A = arith.constant 0 : i32
    %dma_start3A_3 = tpu.memref_slice %arg9[%dma_start3A] : memref<256xi32, #tpu.memory_space<vmem>> -> memref<64xi32, #tpu.memory_space<vmem>>
    %dma_start3A_4 = arith.constant 0 : i32
    %dma_start3A_5 = arith.constant 0 : i32
    %dma_start3A_6 = tpu.memref_slice %arg2[%dma_start3A_4, %dma_start3A_5] : memref<100000x128xf32, #tpu.memory_space<hbm>> -> memref<100000x128xf32, #tpu.memory_space<hbm>>
    tpu.enqueue_indirect_dma source(%dma_start3A_6 : memref<100000x128xf32, #tpu.memory_space<hbm>>) target(%arg11 : memref<64x128xf32, #tpu.memory_space<vmem>>) offsets(%dma_start3A_3 : memref<64xi32, #tpu.memory_space<vmem>>) semaphore(%arg26 : memref<!tpu.dma_semaphore, #tpu.memory_space<semaphore_mem>>)
    %dma_start3A_7 = arith.constant 0 : i32
    %dma_start3A_8 = tpu.memref_slice %arg10[%dma_start3A_7] : memref<256xi32, #tpu.memory_space<vmem>> -> memref<64xi32, #tpu.memory_space<vmem>>
    %dma_start3A_9 = arith.constant 0 : i32
    %dma_start3A_10 = arith.constant 0 : i32
    %dma_start3A_11 = tpu.memref_slice %arg2[%dma_start3A_9, %dma_start3A_10] : memref<100000x128xf32, #tpu.memory_space<hbm>> -> memref<100000x128xf32, #tpu.memory_space<hbm>>
    tpu.enqueue_indirect_dma source(%dma_start3A_11 : memref<100000x128xf32, #tpu.memory_space<hbm>>) target(%arg14 : memref<64x128xf32, #tpu.memory_space<vmem>>) offsets(%dma_start3A_8 : memref<64xi32, #tpu.memory_space<vmem>>) semaphore(%arg29 : memref<!tpu.dma_semaphore, #tpu.memory_space<semaphore_mem>>)
    %dma_start3A_12 = arith.constant 0 : i32
    %dma_start3A_13 = tpu.memref_slice %arg9[%dma_start3A_12] : memref<256xi32, #tpu.memory_space<vmem>> -> memref<64xi32, #tpu.memory_space<vmem>>
    %dma_start3A_14 = arith.constant 0 : i32
    %dma_start3A_15 = arith.constant 0 : i32
    %dma_start3A_16 = tpu.memref_slice %arg3[%dma_start3A_14, %dma_start3A_15] : memref<100000x128xf32, #tpu.memory_space<hbm>> -> memref<100000x128xf32, #tpu.memory_space<hbm>>
    tpu.enqueue_indirect_dma source(%dma_start3A_16 : memref<100000x128xf32, #tpu.memory_space<hbm>>) target(%arg17 : memref<64x128xf32, #tpu.memory_space<vmem>>) offsets(%dma_start3A_13 : memref<64xi32, #tpu.memory_space<vmem>>) semaphore(%arg32 : memref<!tpu.dma_semaphore, #tpu.memory_space<semaphore_mem>>)
    %dma_start3A_17 = arith.constant 0 : i32
    %dma_start3A_18 = tpu.memref_slice %arg10[%dma_start3A_17] : memref<256xi32, #tpu.memory_space<vmem>> -> memref<64xi32, #tpu.memory_space<vmem>>
    %dma_start3A_19 = arith.constant 0 : i32
    %dma_start3A_20 = arith.constant 0 : i32
    %dma_start3A_21 = tpu.memref_slice %arg3[%dma_start3A_19, %dma_start3A_20] : memref<100000x128xf32, #tpu.memory_space<hbm>> -> memref<100000x128xf32, #tpu.memory_space<hbm>>
    tpu.enqueue_indirect_dma source(%dma_start3A_21 : memref<100000x128xf32, #tpu.memory_space<hbm>>) target(%arg20 : memref<64x128xf32, #tpu.memory_space<vmem>>) offsets(%dma_start3A_18 : memref<64xi32, #tpu.memory_space<vmem>>) semaphore(%arg35 : memref<!tpu.dma_semaphore, #tpu.memory_space<semaphore_mem>>)
    %dma_start3A_22 = arith.constant 64 : i32
    %dma_start3A_23 = tpu.memref_slice %arg9[%dma_start3A_22] : memref<256xi32, #tpu.memory_space<vmem>> -> memref<64xi32, #tpu.memory_space<vmem>>
    %dma_start3A_24 = arith.constant 0 : i32
    %dma_start3A_25 = arith.constant 0 : i32
    %dma_start3A_26 = tpu.memref_slice %arg2[%dma_start3A_24, %dma_start3A_25] : memref<100000x128xf32, #tpu.memory_space<hbm>> -> memref<100000x128xf32, #tpu.memory_space<hbm>>
    tpu.enqueue_indirect_dma source(%dma_start3A_26 : memref<100000x128xf32, #tpu.memory_space<hbm>>) target(%arg12 : memref<64x128xf32, #tpu.memory_space<vmem>>) offsets(%dma_start3A_23 : memref<64xi32, #tpu.memory_space<vmem>>) semaphore(%arg27 : memref<!tpu.dma_semaphore, #tpu.memory_space<semaphore_mem>>)
    %dma_start3A_27 = arith.constant 64 : i32
    %dma_start3A_28 = tpu.memref_slice %arg10[%dma_start3A_27] : memref<256xi32, #tpu.memory_space<vmem>> -> memref<64xi32, #tpu.memory_space<vmem>>
    %dma_start3A_29 = arith.constant 0 : i32
    %dma_start3A_30 = arith.constant 0 : i32
    %dma_start3A_31 = tpu.memref_slice %arg2[%dma_start3A_29, %dma_start3A_30] : memref<100000x128xf32, #tpu.memory_space<hbm>> -> memref<100000x128xf32, #tpu.memory_space<hbm>>
    tpu.enqueue_indirect_dma source(%dma_start3A_31 : memref<100000x128xf32, #tpu.memory_space<hbm>>) target(%arg15 : memref<64x128xf32, #tpu.memory_space<vmem>>) offsets(%dma_start3A_28 : memref<64xi32, #tpu.memory_space<vmem>>) semaphore(%arg30 : memref<!tpu.dma_semaphore, #tpu.memory_space<semaphore_mem>>)
    %dma_start3A_32 = arith.constant 64 : i32
    %dma_start3A_33 = tpu.memref_slice %arg9[%dma_start3A_32] : memref<256xi32, #tpu.memory_space<vmem>> -> memref<64xi32, #tpu.memory_space<vmem>>
    %dma_start3A_34 = arith.constant 0 : i32
    %dma_start3A_35 = arith.constant 0 : i32
    %dma_start3A_36 = tpu.memref_slice %arg3[%dma_start3A_34, %dma_start3A_35] : memref<100000x128xf32, #tpu.memory_space<hbm>> -> memref<100000x128xf32, #tpu.memory_space<hbm>>
    tpu.enqueue_indirect_dma source(%dma_start3A_36 : memref<100000x128xf32, #tpu.memory_space<hbm>>) target(%arg18 : memref<64x128xf32, #tpu.memory_space<vmem>>) offsets(%dma_start3A_33 : memref<64xi32, #tpu.memory_space<vmem>>) semaphore(%arg33 : memref<!tpu.dma_semaphore, #tpu.memory_space<semaphore_mem>>)
    %dma_start3A_37 = arith.constant 64 : i32
    %dma_start3A_38 = tpu.memref_slice %arg10[%dma_start3A_37] : memref<256xi32, #tpu.memory_space<vmem>> -> memref<64xi32, #tpu.memory_space<vmem>>
    %dma_start3A_39 = arith.constant 0 : i32
    %dma_start3A_40 = arith.constant 0 : i32
    %dma_start3A_41 = tpu.memref_slice %arg3[%dma_start3A_39, %dma_start3A_40] : memref<100000x128xf32, #tpu.memory_space<hbm>> -> memref<100000x128xf32, #tpu.memory_space<hbm>>
    tpu.enqueue_indirect_dma source(%dma_start3A_41 : memref<100000x128xf32, #tpu.memory_space<hbm>>) target(%arg21 : memref<64x128xf32, #tpu.memory_space<vmem>>) offsets(%dma_start3A_38 : memref<64xi32, #tpu.memory_space<vmem>>) semaphore(%arg36 : memref<!tpu.dma_semaphore, #tpu.memory_space<semaphore_mem>>)
    %dma_start3A_42 = arith.constant 128 : i32
    %dma_start3A_43 = tpu.memref_slice %arg9[%dma_start3A_42] : memref<256xi32, #tpu.memory_space<vmem>> -> memref<64xi32, #tpu.memory_space<vmem>>
    %dma_start3A_44 = arith.constant 0 : i32
    %dma_start3A_45 = arith.constant 0 : i32
    %dma_start3A_46 = tpu.memref_slice %arg2[%dma_start3A_44, %dma_start3A_45] : memref<100000x128xf32, #tpu.memory_space<hbm>> -> memref<100000x128xf32, #tpu.memory_space<hbm>>
    tpu.enqueue_indirect_dma source(%dma_start3A_46 : memref<100000x128xf32, #tpu.memory_space<hbm>>) target(%arg13 : memref<64x128xf32, #tpu.memory_space<vmem>>) offsets(%dma_start3A_43 : memref<64xi32, #tpu.memory_space<vmem>>) semaphore(%arg28 : memref<!tpu.dma_semaphore, #tpu.memory_space<semaphore_mem>>)
    %dma_start3A_47 = arith.constant 128 : i32
    %dma_start3A_48 = tpu.memref_slice %arg10[%dma_start3A_47] : memref<256xi32, #tpu.memory_space<vmem>> -> memref<64xi32, #tpu.memory_space<vmem>>
    %dma_start3A_49 = arith.constant 0 : i32
    %dma_start3A_50 = arith.constant 0 : i32
    %dma_start3A_51 = tpu.memref_slice %arg2[%dma_start3A_49, %dma_start3A_50] : memref<100000x128xf32, #tpu.memory_space<hbm>> -> memref<100000x128xf32, #tpu.memory_space<hbm>>
    tpu.enqueue_indirect_dma source(%dma_start3A_51 : memref<100000x128xf32, #tpu.memory_space<hbm>>) target(%arg16 : memref<64x128xf32, #tpu.memory_space<vmem>>) offsets(%dma_start3A_48 : memref<64xi32, #tpu.memory_space<vmem>>) semaphore(%arg31 : memref<!tpu.dma_semaphore, #tpu.memory_space<semaphore_mem>>)
    %dma_start3A_52 = arith.constant 128 : i32
    %dma_start3A_53 = tpu.memref_slice %arg9[%dma_start3A_52] : memref<256xi32, #tpu.memory_space<vmem>> -> memref<64xi32, #tpu.memory_space<vmem>>
    %dma_start3A_54 = arith.constant 0 : i32
    %dma_start3A_55 = arith.constant 0 : i32
    %dma_start3A_56 = tpu.memref_slice %arg3[%dma_start3A_54, %dma_start3A_55] : memref<100000x128xf32, #tpu.memory_space<hbm>> -> memref<100000x128xf32, #tpu.memory_space<hbm>>
    tpu.enqueue_indirect_dma source(%dma_start3A_56 : memref<100000x128xf32, #tpu.memory_space<hbm>>) target(%arg19 : memref<64x128xf32, #tpu.memory_space<vmem>>) offsets(%dma_start3A_53 : memref<64xi32, #tpu.memory_space<vmem>>) semaphore(%arg34 : memref<!tpu.dma_semaphore, #tpu.memory_space<semaphore_mem>>)
    %dma_start3A_57 = arith.constant 128 : i32
    %dma_start3A_58 = tpu.memref_slice %arg10[%dma_start3A_57] : memref<256xi32, #tpu.memory_space<vmem>> -> memref<64xi32, #tpu.memory_space<vmem>>
    %dma_start3A_59 = arith.constant 0 : i32
    %dma_start3A_60 = arith.constant 0 : i32
    %dma_start3A_61 = tpu.memref_slice %arg3[%dma_start3A_59, %dma_start3A_60] : memref<100000x128xf32, #tpu.memory_space<hbm>> -> memref<100000x128xf32, #tpu.memory_space<hbm>>
    tpu.enqueue_indirect_dma source(%dma_start3A_61 : memref<100000x128xf32, #tpu.memory_space<hbm>>) target(%arg22 : memref<64x128xf32, #tpu.memory_space<vmem>>) offsets(%dma_start3A_58 : memref<64xi32, #tpu.memory_space<vmem>>) semaphore(%arg37 : memref<!tpu.dma_semaphore, #tpu.memory_space<semaphore_mem>>)
    %add3A_62 = arith.constant 0 : i32
    %add3A_63 = arith.addi %mul3A_2, %add3A_62 : i32
    %dma_wait3A = arith.constant 0 : i32
    %dma_wait3A_64 = tpu.memref_slice %arg9[%dma_wait3A] : memref<256xi32, #tpu.memory_space<vmem>> -> memref<64xi32, #tpu.memory_space<vmem>>
    %dma_wait3A_65 = arith.constant 0 : i32
    %dma_wait3A_66 = arith.constant 0 : i32
    %dma_wait3A_67 = tpu.memref_slice %arg2[%dma_wait3A_65, %dma_wait3A_66] : memref<100000x128xf32, #tpu.memory_space<hbm>> -> memref<100000x128xf32, #tpu.memory_space<hbm>>
    tpu.wait_indirect_dma semaphore(%arg26 : memref<!tpu.dma_semaphore, #tpu.memory_space<semaphore_mem>>) src(%dma_wait3A_67 : memref<100000x128xf32, #tpu.memory_space<hbm>>) dst(%arg11 : memref<64x128xf32, #tpu.memory_space<vmem>>)
    %dma_wait3A_68 = arith.constant 0 : i32
    %dma_wait3A_69 = tpu.memref_slice %arg10[%dma_wait3A_68] : memref<256xi32, #tpu.memory_space<vmem>> -> memref<64xi32, #tpu.memory_space<vmem>>
    %dma_wait3A_70 = arith.constant 0 : i32
    %dma_wait3A_71 = arith.constant 0 : i32
    %dma_wait3A_72 = tpu.memref_slice %arg2[%dma_wait3A_70, %dma_wait3A_71] : memref<100000x128xf32, #tpu.memory_space<hbm>> -> memref<100000x128xf32, #tpu.memory_space<hbm>>
    tpu.wait_indirect_dma semaphore(%arg29 : memref<!tpu.dma_semaphore, #tpu.memory_space<semaphore_mem>>) src(%dma_wait3A_72 : memref<100000x128xf32, #tpu.memory_space<hbm>>) dst(%arg14 : memref<64x128xf32, #tpu.memory_space<vmem>>)
    %scan3A = arith.constant 0 : i32
    %scan3A_73 = arith.constant 64 : i32
    %scan3A_74 = arith.addi %scan3A, %scan3A_73 : i32
    %scan3A_75 = arith.constant 1 : i32
    scf.for %scan3A_284 = %scan3A to %scan3A_74 step %scan3A_75  : i32 {
      %mul3A_285 = arith.constant 1 : i32
      %mul3A_286 = arith.muli %scan3A_284, %mul3A_285 : i32
      %add3A_287 = arith.constant 0 : i32
      %add3A_288 = arith.addi %add3A_287, %mul3A_286 : i32
      %get3A = arith.index_cast %add3A_288 : i32 to index
      %get3A_289 = arith.constant 0 : index
      %get3A_290 = tpu.vector_load %arg11[%get3A, %get3A_289] {strides = array<i32>} : memref<64x128xf32, #tpu.memory_space<vmem>>, vector<1x16xf32>,
      %get3A_291 = vector.shape_cast %get3A_290 : vector<1x16xf32> to vector<1x16xf32>
      %get3A_292 = arith.index_cast %add3A_288 : i32 to index
      %get3A_293 = arith.constant 0 : index
      %get3A_294 = tpu.vector_load %arg14[%get3A_292, %get3A_293] {strides = array<i32>} : memref<64x128xf32, #tpu.memory_space<vmem>>, vector<1x16xf32>,
      %get3A_295 = vector.shape_cast %get3A_294 : vector<1x16xf32> to vector<1x16xf32>
      %mul3A_296 = arith.mulf %get3A_291, %get3A_295 : vector<1x16xf32>
      %swap3A = arith.index_cast %add3A_288 : i32 to index
      %swap3A_297 = arith.constant 0 : index
      %swap3A_298 = tpu.vector_load %arg23[%swap3A, %swap3A_297] {strides = array<i32>} : memref<64x128xf32, #tpu.memory_space<vmem>>, vector<1x16xf32>,
      %swap3A_299 = vector.shape_cast %swap3A_298 : vector<1x16xf32> to vector<1x16xf32>
      %swap3A_300 = vector.shape_cast %mul3A_296 : vector<1x16xf32> to vector<1x16xf32>
      tpu.vector_store %arg23[%swap3A, %swap3A_297], %swap3A_300 {strides = array<i32>} : memref<64x128xf32, #tpu.memory_space<vmem>>, vector<1x16xf32>,
      %get3A_301 = arith.index_cast %add3A_288 : i32 to index
      %get3A_302 = arith.constant 16 : index
      %get3A_303 = tpu.vector_load %arg11[%get3A_301, %get3A_302] {strides = array<i32>} : memref<64x128xf32, #tpu.memory_space<vmem>>, vector<1x16xf32>,
      %get3A_304 = vector.shape_cast %get3A_303 : vector<1x16xf32> to vector<1x16xf32>
      %get3A_305 = arith.index_cast %add3A_288 : i32 to index
      %get3A_306 = arith.constant 16 : index
      %get3A_307 = tpu.vector_load %arg14[%get3A_305, %get3A_306] {strides = array<i32>} : memref<64x128xf32, #tpu.memory_space<vmem>>, vector<1x16xf32>,
      %get3A_308 = vector.shape_cast %get3A_307 : vector<1x16xf32> to vector<1x16xf32>
      %mul3A_309 = arith.mulf %get3A_304, %get3A_308 : vector<1x16xf32>
      %swap3A_310 = arith.index_cast %add3A_288 : i32 to index
      %swap3A_311 = arith.constant 16 : index
      %swap3A_312 = tpu.vector_load %arg23[%swap3A_310, %swap3A_311] {strides = array<i32>} : memref<64x128xf32, #tpu.memory_space<vmem>>, vector<1x16xf32>,
      %swap3A_313 = vector.shape_cast %swap3A_312 : vector<1x16xf32> to vector<1x16xf32>
      %swap3A_314 = vector.shape_cast %mul3A_309 : vector<1x16xf32> to vector<1x16xf32>
      tpu.vector_store %arg23[%swap3A_310, %swap3A_311], %swap3A_314 {strides = array<i32>} : memref<64x128xf32, #tpu.memory_space<vmem>>, vector<1x16xf32>,
      %get3A_315 = arith.index_cast %add3A_288 : i32 to index
      %get3A_316 = arith.constant 32 : index
      %get3A_317 = tpu.vector_load %arg11[%get3A_315, %get3A_316] {strides = array<i32>} : memref<64x128xf32, #tpu.memory_space<vmem>>, vector<1x16xf32>,
      %get3A_318 = vector.shape_cast %get3A_317 : vector<1x16xf32> to vector<1x16xf32>
      %get3A_319 = arith.index_cast %add3A_288 : i32 to index
      %get3A_320 = arith.constant 32 : index
      %get3A_321 = tpu.vector_load %arg14[%get3A_319, %get3A_320] {strides = array<i32>} : memref<64x128xf32, #tpu.memory_space<vmem>>, vector<1x16xf32>,
      %get3A_322 = vector.shape_cast %get3A_321 : vector<1x16xf32> to vector<1x16xf32>
      %mul3A_323 = arith.mulf %get3A_318, %get3A_322 : vector<1x16xf32>
      %swap3A_324 = arith.index_cast %add3A_288 : i32 to index
      %swap3A_325 = arith.constant 32 : index
      %swap3A_326 = tpu.vector_load %arg23[%swap3A_324, %swap3A_325] {strides = array<i32>} : memref<64x128xf32, #tpu.memory_space<vmem>>, vector<1x16xf32>,
      %swap3A_327 = vector.shape_cast %swap3A_326 : vector<1x16xf32> to vector<1x16xf32>
      %swap3A_328 = vector.shape_cast %mul3A_323 : vector<1x16xf32> to vector<1x16xf32>
      tpu.vector_store %arg23[%swap3A_324, %swap3A_325], %swap3A_328 {strides = array<i32>} : memref<64x128xf32, #tpu.memory_space<vmem>>, vector<1x16xf32>,
      %get3A_329 = arith.index_cast %add3A_288 : i32 to index
      %get3A_330 = arith.constant 48 : index
      %get3A_331 = tpu.vector_load %arg11[%get3A_329, %get3A_330] {strides = array<i32>} : memref<64x128xf32, #tpu.memory_space<vmem>>, vector<1x16xf32>,
      %get3A_332 = vector.shape_cast %get3A_331 : vector<1x16xf32> to vector<1x16xf32>
      %get3A_333 = arith.index_cast %add3A_288 : i32 to index
      %get3A_334 = arith.constant 48 : index
      %get3A_335 = tpu.vector_load %arg14[%get3A_333, %get3A_334] {strides = array<i32>} : memref<64x128xf32, #tpu.memory_space<vmem>>, vector<1x16xf32>,
      %get3A_336 = vector.shape_cast %get3A_335 : vector<1x16xf32> to vector<1x16xf32>
      %mul3A_337 = arith.mulf %get3A_332, %get3A_336 : vector<1x16xf32>
      %swap3A_338 = arith.index_cast %add3A_288 : i32 to index
      %swap3A_339 = arith.constant 48 : index
      %swap3A_340 = tpu.vector_load %arg23[%swap3A_338, %swap3A_339] {strides = array<i32>} : memref<64x128xf32, #tpu.memory_space<vmem>>, vector<1x16xf32>,
      %swap3A_341 = vector.shape_cast %swap3A_340 : vector<1x16xf32> to vector<1x16xf32>
      %swap3A_342 = vector.shape_cast %mul3A_337 : vector<1x16xf32> to vector<1x16xf32>
      tpu.vector_store %arg23[%swap3A_338, %swap3A_339], %swap3A_342 {strides = array<i32>} : memref<64x128xf32, #tpu.memory_space<vmem>>, vector<1x16xf32>,
      %get3A_343 = arith.index_cast %add3A_288 : i32 to index
      %get3A_344 = arith.constant 64 : index
      %get3A_345 = tpu.vector_load %arg11[%get3A_343, %get3A_344] {strides = array<i32>} : memref<64x128xf32, #tpu.memory_space<vmem>>, vector<1x16xf32>,
      %get3A_346 = vector.shape_cast %get3A_345 : vector<1x16xf32> to vector<1x16xf32>
      %get3A_347 = arith.index_cast %add3A_288 : i32 to index
      %get3A_348 = arith.constant 64 : index
      %get3A_349 = tpu.vector_load %arg14[%get3A_347, %get3A_348] {strides = array<i32>} : memref<64x128xf32, #tpu.memory_space<vmem>>, vector<1x16xf32>,
      %get3A_350 = vector.shape_cast %get3A_349 : vector<1x16xf32> to vector<1x16xf32>
      %mul3A_351 = arith.mulf %get3A_346, %get3A_350 : vector<1x16xf32>
      %swap3A_352 = arith.index_cast %add3A_288 : i32 to index
      %swap3A_353 = arith.constant 64 : index
      %swap3A_354 = tpu.vector_load %arg23[%swap3A_352, %swap3A_353] {strides = array<i32>} : memref<64x128xf32, #tpu.memory_space<vmem>>, vector<1x16xf32>,
      %swap3A_355 = vector.shape_cast %swap3A_354 : vector<1x16xf32> to vector<1x16xf32>
      %swap3A_356 = vector.shape_cast %mul3A_351 : vector<1x16xf32> to vector<1x16xf32>
      tpu.vector_store %arg23[%swap3A_352, %swap3A_353], %swap3A_356 {strides = array<i32>} : memref<64x128xf32, #tpu.memory_space<vmem>>, vector<1x16xf32>,
      %get3A_357 = arith.index_cast %add3A_288 : i32 to index
      %get3A_358 = arith.constant 80 : index
      %get3A_359 = tpu.vector_load %arg11[%get3A_357, %get3A_358] {strides = array<i32>} : memref<64x128xf32, #tpu.memory_space<vmem>>, vector<1x16xf32>,
      %get3A_360 = vector.shape_cast %get3A_359 : vector<1x16xf32> to vector<1x16xf32>
      %get3A_361 = arith.index_cast %add3A_288 : i32 to index
      %get3A_362 = arith.constant 80 : index
      %get3A_363 = tpu.vector_load %arg14[%get3A_361, %get3A_362] {strides = array<i32>} : memref<64x128xf32, #tpu.memory_space<vmem>>, vector<1x16xf32>,
      %get3A_364 = vector.shape_cast %get3A_363 : vector<1x16xf32> to vector<1x16xf32>
      %mul3A_365 = arith.mulf %get3A_360, %get3A_364 : vector<1x16xf32>
      %swap3A_366 = arith.index_cast %add3A_288 : i32 to index
      %swap3A_367 = arith.constant 80 : index
      %swap3A_368 = tpu.vector_load %arg23[%swap3A_366, %swap3A_367] {strides = array<i32>} : memref<64x128xf32, #tpu.memory_space<vmem>>, vector<1x16xf32>,
      %swap3A_369 = vector.shape_cast %swap3A_368 : vector<1x16xf32> to vector<1x16xf32>
      %swap3A_370 = vector.shape_cast %mul3A_365 : vector<1x16xf32> to vector<1x16xf32>
      tpu.vector_store %arg23[%swap3A_366, %swap3A_367], %swap3A_370 {strides = array<i32>} : memref<64x128xf32, #tpu.memory_space<vmem>>, vector<1x16xf32>,
      %get3A_371 = arith.index_cast %add3A_288 : i32 to index
      %get3A_372 = arith.constant 96 : index
      %get3A_373 = tpu.vector_load %arg11[%get3A_371, %get3A_372] {strides = array<i32>} : memref<64x128xf32, #tpu.memory_space<vmem>>, vector<1x16xf32>,
      %get3A_374 = vector.shape_cast %get3A_373 : vector<1x16xf32> to vector<1x16xf32>
      %get3A_375 = arith.index_cast %add3A_288 : i32 to index
      %get3A_376 = arith.constant 96 : index
      %get3A_377 = tpu.vector_load %arg14[%get3A_375, %get3A_376] {strides = array<i32>} : memref<64x128xf32, #tpu.memory_space<vmem>>, vector<1x16xf32>,
      %get3A_378 = vector.shape_cast %get3A_377 : vector<1x16xf32> to vector<1x16xf32>
      %mul3A_379 = arith.mulf %get3A_374, %get3A_378 : vector<1x16xf32>
      %swap3A_380 = arith.index_cast %add3A_288 : i32 to index
      %swap3A_381 = arith.constant 96 : index
      %swap3A_382 = tpu.vector_load %arg23[%swap3A_380, %swap3A_381] {strides = array<i32>} : memref<64x128xf32, #tpu.memory_space<vmem>>, vector<1x16xf32>,
      %swap3A_383 = vector.shape_cast %swap3A_382 : vector<1x16xf32> to vector<1x16xf32>
      %swap3A_384 = vector.shape_cast %mul3A_379 : vector<1x16xf32> to vector<1x16xf32>
      tpu.vector_store %arg23[%swap3A_380, %swap3A_381], %swap3A_384 {strides = array<i32>} : memref<64x128xf32, #tpu.memory_space<vmem>>, vector<1x16xf32>,
      %get3A_385 = arith.index_cast %add3A_288 : i32 to index
      %get3A_386 = arith.constant 112 : index
      %get3A_387 = tpu.vector_load %arg11[%get3A_385, %get3A_386] {strides = array<i32>} : memref<64x128xf32, #tpu.memory_space<vmem>>, vector<1x16xf32>,
      %get3A_388 = vector.shape_cast %get3A_387 : vector<1x16xf32> to vector<1x16xf32>
      %get3A_389 = arith.index_cast %add3A_288 : i32 to index
      %get3A_390 = arith.constant 112 : index
      %get3A_391 = tpu.vector_load %arg14[%get3A_389, %get3A_390] {strides = array<i32>} : memref<64x128xf32, #tpu.memory_space<vmem>>, vector<1x16xf32>,
      %get3A_392 = vector.shape_cast %get3A_391 : vector<1x16xf32> to vector<1x16xf32>
      %mul3A_393 = arith.mulf %get3A_388, %get3A_392 : vector<1x16xf32>
      %swap3A_394 = arith.index_cast %add3A_288 : i32 to index
      %swap3A_395 = arith.constant 112 : index
      %swap3A_396 = tpu.vector_load %arg23[%swap3A_394, %swap3A_395] {strides = array<i32>} : memref<64x128xf32, #tpu.memory_space<vmem>>, vector<1x16xf32>,
      %swap3A_397 = vector.shape_cast %swap3A_396 : vector<1x16xf32> to vector<1x16xf32>
      %swap3A_398 = vector.shape_cast %mul3A_393 : vector<1x16xf32> to vector<1x16xf32>
      tpu.vector_store %arg23[%swap3A_394, %swap3A_395], %swap3A_398 {strides = array<i32>} : memref<64x128xf32, #tpu.memory_space<vmem>>, vector<1x16xf32>,
    }
    %scan3A_76 = arith.constant 64 : i32
    %dma_start3A_77 = arith.constant 0 : i32
    %dma_start3A_78 = tpu.memref_slice %arg6[%add3A_63, %dma_start3A_77] : memref<8192x128xf32, #tpu.memory_space<hbm>> -> memref<64x128xf32, #tpu.memory_space<hbm>>
    %dma_start3A_79 = arith.constant 0 : i32
    %dma_start3A_80 = tpu.memref_slice %arg6[%add3A_63, %dma_start3A_79] : memref<8192x128xf32, #tpu.memory_space<hbm>> -> memref<64x128xf32, #tpu.memory_space<hbm>>
    tpu.enqueue_dma source(%arg23 : memref<64x128xf32, #tpu.memory_space<vmem>>) target(%dma_start3A_80 : memref<64x128xf32, #tpu.memory_space<hbm>>) target_semaphore(%arg53 : memref<!tpu.dma_semaphore, #tpu.memory_space<semaphore_mem>>)
    %dma_wait3A_81 = arith.constant 0 : i32
    %dma_wait3A_82 = tpu.memref_slice %arg9[%dma_wait3A_81] : memref<256xi32, #tpu.memory_space<vmem>> -> memref<64xi32, #tpu.memory_space<vmem>>
    %dma_wait3A_83 = arith.constant 0 : i32
    %dma_wait3A_84 = arith.constant 0 : i32
    %dma_wait3A_85 = tpu.memref_slice %arg3[%dma_wait3A_83, %dma_wait3A_84] : memref<100000x128xf32, #tpu.memory_space<hbm>> -> memref<100000x128xf32, #tpu.memory_space<hbm>>
    tpu.wait_indirect_dma semaphore(%arg32 : memref<!tpu.dma_semaphore, #tpu.memory_space<semaphore_mem>>) src(%dma_wait3A_85 : memref<100000x128xf32, #tpu.memory_space<hbm>>) dst(%arg17 : memref<64x128xf32, #tpu.memory_space<vmem>>)
    %dma_start3A_86 = arith.constant 0 : i32
    %dma_start3A_87 = tpu.memref_slice %arg7[%add3A_63, %dma_start3A_86] : memref<8192x128xf32, #tpu.memory_space<hbm>> -> memref<64x128xf32, #tpu.memory_space<hbm>>
    %dma_start3A_88 = arith.constant 0 : i32
    %dma_start3A_89 = tpu.memref_slice %arg7[%add3A_63, %dma_start3A_88] : memref<8192x128xf32, #tpu.memory_space<hbm>> -> memref<64x128xf32, #tpu.memory_space<hbm>>
    tpu.enqueue_dma source(%arg17 : memref<64x128xf32, #tpu.memory_space<vmem>>) target(%dma_start3A_89 : memref<64x128xf32, #tpu.memory_space<hbm>>) target_semaphore(%arg47 : memref<!tpu.dma_semaphore, #tpu.memory_space<semaphore_mem>>)
    %dma_wait3A_90 = arith.constant 0 : i32
    %dma_wait3A_91 = tpu.memref_slice %arg10[%dma_wait3A_90] : memref<256xi32, #tpu.memory_space<vmem>> -> memref<64xi32, #tpu.memory_space<vmem>>
    %dma_wait3A_92 = arith.constant 0 : i32
    %dma_wait3A_93 = arith.constant 0 : i32
    %dma_wait3A_94 = tpu.memref_slice %arg3[%dma_wait3A_92, %dma_wait3A_93] : memref<100000x128xf32, #tpu.memory_space<hbm>> -> memref<100000x128xf32, #tpu.memory_space<hbm>>
    tpu.wait_indirect_dma semaphore(%arg35 : memref<!tpu.dma_semaphore, #tpu.memory_space<semaphore_mem>>) src(%dma_wait3A_94 : memref<100000x128xf32, #tpu.memory_space<hbm>>) dst(%arg20 : memref<64x128xf32, #tpu.memory_space<vmem>>)
    %dma_start3A_95 = arith.constant 0 : i32
    %dma_start3A_96 = tpu.memref_slice %arg8[%add3A_63, %dma_start3A_95] : memref<8192x128xf32, #tpu.memory_space<hbm>> -> memref<64x128xf32, #tpu.memory_space<hbm>>
    %dma_start3A_97 = arith.constant 0 : i32
    %dma_start3A_98 = tpu.memref_slice %arg8[%add3A_63, %dma_start3A_97] : memref<8192x128xf32, #tpu.memory_space<hbm>> -> memref<64x128xf32, #tpu.memory_space<hbm>>
    tpu.enqueue_dma source(%arg20 : memref<64x128xf32, #tpu.memory_space<vmem>>) target(%dma_start3A_98 : memref<64x128xf32, #tpu.memory_space<hbm>>) target_semaphore(%arg50 : memref<!tpu.dma_semaphore, #tpu.memory_space<semaphore_mem>>)
    %dma_wait3A_99 = arith.constant 0 : i32
    %dma_wait3A_100 = tpu.memref_slice %arg6[%add3A_63, %dma_wait3A_99] : memref<8192x128xf32, #tpu.memory_space<hbm>> -> memref<64x128xf32, #tpu.memory_space<hbm>>
    %dma_wait3A_101 = arith.constant 0 : i32
    %dma_wait3A_102 = tpu.memref_slice %arg6[%add3A_63, %dma_wait3A_101] : memref<8192x128xf32, #tpu.memory_space<hbm>> -> memref<64x128xf32, #tpu.memory_space<hbm>>
    tpu.wait_dma2 semaphore(%arg53 : memref<!tpu.dma_semaphore, #tpu.memory_space<semaphore_mem>>) src(%arg23 : memref<64x128xf32, #tpu.memory_space<vmem>>) dst(%dma_wait3A_102 : memref<64x128xf32, #tpu.memory_space<hbm>>)
    %dma_wait3A_103 = arith.constant 0 : i32
    %dma_wait3A_104 = tpu.memref_slice %arg7[%add3A_63, %dma_wait3A_103] : memref<8192x128xf32, #tpu.memory_space<hbm>> -> memref<64x128xf32, #tpu.memory_space<hbm>>
    %dma_wait3A_105 = arith.constant 0 : i32
    %dma_wait3A_106 = tpu.memref_slice %arg7[%add3A_63, %dma_wait3A_105] : memref<8192x128xf32, #tpu.memory_space<hbm>> -> memref<64x128xf32, #tpu.memory_space<hbm>>
    tpu.wait_dma2 semaphore(%arg47 : memref<!tpu.dma_semaphore, #tpu.memory_space<semaphore_mem>>) src(%arg17 : memref<64x128xf32, #tpu.memory_space<vmem>>) dst(%dma_wait3A_106 : memref<64x128xf32, #tpu.memory_space<hbm>>)
    %dma_wait3A_107 = arith.constant 0 : i32
    %dma_wait3A_108 = tpu.memref_slice %arg8[%add3A_63, %dma_wait3A_107] : memref<8192x128xf32, #tpu.memory_space<hbm>> -> memref<64x128xf32, #tpu.memory_space<hbm>>
    %dma_wait3A_109 = arith.constant 0 : i32
    %dma_wait3A_110 = tpu.memref_slice %arg8[%add3A_63, %dma_wait3A_109] : memref<8192x128xf32, #tpu.memory_space<hbm>> -> memref<64x128xf32, #tpu.memory_space<hbm>>
    tpu.wait_dma2 semaphore(%arg50 : memref<!tpu.dma_semaphore, #tpu.memory_space<semaphore_mem>>) src(%arg20 : memref<64x128xf32, #tpu.memory_space<vmem>>) dst(%dma_wait3A_110 : memref<64x128xf32, #tpu.memory_space<hbm>>)
    %dma_start3A_111 = arith.constant 192 : i32
    %dma_start3A_112 = tpu.memref_slice %arg9[%dma_start3A_111] : memref<256xi32, #tpu.memory_space<vmem>> -> memref<64xi32, #tpu.memory_space<vmem>>
    %dma_start3A_113 = arith.constant 0 : i32
    %dma_start3A_114 = arith.constant 0 : i32
    %dma_start3A_115 = tpu.memref_slice %arg2[%dma_start3A_113, %dma_start3A_114] : memref<100000x128xf32, #tpu.memory_space<hbm>> -> memref<100000x128xf32, #tpu.memory_space<hbm>>
    tpu.enqueue_indirect_dma source(%dma_start3A_115 : memref<100000x128xf32, #tpu.memory_space<hbm>>) target(%arg11 : memref<64x128xf32, #tpu.memory_space<vmem>>) offsets(%dma_start3A_112 : memref<64xi32, #tpu.memory_space<vmem>>) semaphore(%arg26 : memref<!tpu.dma_semaphore, #tpu.memory_space<semaphore_mem>>)
    %dma_start3A_116 = arith.constant 192 : i32
    %dma_start3A_117 = tpu.memref_slice %arg10[%dma_start3A_116] : memref<256xi32, #tpu.memory_space<vmem>> -> memref<64xi32, #tpu.memory_space<vmem>>
    %dma_start3A_118 = arith.constant 0 : i32
    %dma_start3A_119 = arith.constant 0 : i32
    %dma_start3A_120 = tpu.memref_slice %arg2[%dma_start3A_118, %dma_start3A_119] : memref<100000x128xf32, #tpu.memory_space<hbm>> -> memref<100000x128xf32, #tpu.memory_space<hbm>>
    tpu.enqueue_indirect_dma source(%dma_start3A_120 : memref<100000x128xf32, #tpu.memory_space<hbm>>) target(%arg14 : memref<64x128xf32, #tpu.memory_space<vmem>>) offsets(%dma_start3A_117 : memref<64xi32, #tpu.memory_space<vmem>>) semaphore(%arg29 : memref<!tpu.dma_semaphore, #tpu.memory_space<semaphore_mem>>)
    %dma_start3A_121 = arith.constant 192 : i32
    %dma_start3A_122 = tpu.memref_slice %arg9[%dma_start3A_121] : memref<256xi32, #tpu.memory_space<vmem>> -> memref<64xi32, #tpu.memory_space<vmem>>
    %dma_start3A_123 = arith.constant 0 : i32
    %dma_start3A_124 = arith.constant 0 : i32
    %dma_start3A_125 = tpu.memref_slice %arg3[%dma_start3A_123, %dma_start3A_124] : memref<100000x128xf32, #tpu.memory_space<hbm>> -> memref<100000x128xf32, #tpu.memory_space<hbm>>
    tpu.enqueue_indirect_dma source(%dma_start3A_125 : memref<100000x128xf32, #tpu.memory_space<hbm>>) target(%arg17 : memref<64x128xf32, #tpu.memory_space<vmem>>) offsets(%dma_start3A_122 : memref<64xi32, #tpu.memory_space<vmem>>) semaphore(%arg32 : memref<!tpu.dma_semaphore, #tpu.memory_space<semaphore_mem>>)
    %dma_start3A_126 = arith.constant 192 : i32
    %dma_start3A_127 = tpu.memref_slice %arg10[%dma_start3A_126] : memref<256xi32, #tpu.memory_space<vmem>> -> memref<64xi32, #tpu.memory_space<vmem>>
    %dma_start3A_128 = arith.constant 0 : i32
    %dma_start3A_129 = arith.constant 0 : i32
    %dma_start3A_130 = tpu.memref_slice %arg3[%dma_start3A_128, %dma_start3A_129] : memref<100000x128xf32, #tpu.memory_space<hbm>> -> memref<100000x128xf32, #tpu.memory_space<hbm>>
    tpu.enqueue_indirect_dma source(%dma_start3A_130 : memref<100000x128xf32, #tpu.memory_space<hbm>>) target(%arg20 : memref<64x128xf32, #tpu.memory_space<vmem>>) offsets(%dma_start3A_127 : memref<64xi32, #tpu.memory_space<vmem>>) semaphore(%arg35 : memref<!tpu.dma_semaphore, #tpu.memory_space<semaphore_mem>>)
    %add3A_131 = arith.constant 64 : i32
    %add3A_132 = arith.addi %mul3A_2, %add3A_131 : i32
    %dma_wait3A_133 = arith.constant 64 : i32
    %dma_wait3A_134 = tpu.memref_slice %arg9[%dma_wait3A_133] : memref<256xi32, #tpu.memory_space<vmem>> -> memref<64xi32, #tpu.memory_space<vmem>>
    %dma_wait3A_135 = arith.constant 0 : i32
    %dma_wait3A_136 = arith.constant 0 : i32
    %dma_wait3A_137 = tpu.memref_slice %arg2[%dma_wait3A_135, %dma_wait3A_136] : memref<100000x128xf32, #tpu.memory_space<hbm>> -> memref<100000x128xf32, #tpu.memory_space<hbm>>
    tpu.wait_indirect_dma semaphore(%arg27 : memref<!tpu.dma_semaphore, #tpu.memory_space<semaphore_mem>>) src(%dma_wait3A_137 : memref<100000x128xf32, #tpu.memory_space<hbm>>) dst(%arg12 : memref<64x128xf32, #tpu.memory_space<vmem>>)
    %dma_wait3A_138 = arith.constant 64 : i32
    %dma_wait3A_139 = tpu.memref_slice %arg10[%dma_wait3A_138] : memref<256xi32, #tpu.memory_space<vmem>> -> memref<64xi32, #tpu.memory_space<vmem>>
    %dma_wait3A_140 = arith.constant 0 : i32
    %dma_wait3A_141 = arith.constant 0 : i32
    %dma_wait3A_142 = tpu.memref_slice %arg2[%dma_wait3A_140, %dma_wait3A_141] : memref<100000x128xf32, #tpu.memory_space<hbm>> -> memref<100000x128xf32, #tpu.memory_space<hbm>>
    tpu.wait_indirect_dma semaphore(%arg30 : memref<!tpu.dma_semaphore, #tpu.memory_space<semaphore_mem>>) src(%dma_wait3A_142 : memref<100000x128xf32, #tpu.memory_space<hbm>>) dst(%arg15 : memref<64x128xf32, #tpu.memory_space<vmem>>)
    %scan3A_143 = arith.constant 0 : i32
    %scan3A_144 = arith.constant 64 : i32
    %scan3A_145 = arith.addi %scan3A_143, %scan3A_144 : i32
    %scan3A_146 = arith.constant 1 : i32
    scf.for %scan3A_284 = %scan3A_143 to %scan3A_145 step %scan3A_146  : i32 {
      %mul3A_285 = arith.constant 1 : i32
      %mul3A_286 = arith.muli %scan3A_284, %mul3A_285 : i32
      %add3A_287 = arith.constant 0 : i32
      %add3A_288 = arith.addi %add3A_287, %mul3A_286 : i32
      %get3A = arith.index_cast %add3A_288 : i32 to index
      %get3A_289 = arith.constant 0 : index
      %get3A_290 = tpu.vector_load %arg12[%get3A, %get3A_289] {strides = array<i32>} : memref<64x128xf32, #tpu.memory_space<vmem>>, vector<1x16xf32>,
      %get3A_291 = vector.shape_cast %get3A_290 : vector<1x16xf32> to vector<1x16xf32>
      %get3A_292 = arith.index_cast %add3A_288 : i32 to index
      %get3A_293 = arith.constant 0 : index
      %get3A_294 = tpu.vector_load %arg15[%get3A_292, %get3A_293] {strides = array<i32>} : memref<64x128xf32, #tpu.memory_space<vmem>>, vector<1x16xf32>,
      %get3A_295 = vector.shape_cast %get3A_294 : vector<1x16xf32> to vector<1x16xf32>
      %mul3A_296 = arith.mulf %get3A_291, %get3A_295 : vector<1x16xf32>
      %swap3A = arith.index_cast %add3A_288 : i32 to index
      %swap3A_297 = arith.constant 0 : index
      %swap3A_298 = tpu.vector_load %arg24[%swap3A, %swap3A_297] {strides = array<i32>} : memref<64x128xf32, #tpu.memory_space<vmem>>, vector<1x16xf32>,
      %swap3A_299 = vector.shape_cast %swap3A_298 : vector<1x16xf32> to vector<1x16xf32>
      %swap3A_300 = vector.shape_cast %mul3A_296 : vector<1x16xf32> to vector<1x16xf32>
      tpu.vector_store %arg24[%swap3A, %swap3A_297], %swap3A_300 {strides = array<i32>} : memref<64x128xf32, #tpu.memory_space<vmem>>, vector<1x16xf32>,
      %get3A_301 = arith.index_cast %add3A_288 : i32 to index
      %get3A_302 = arith.constant 16 : index
      %get3A_303 = tpu.vector_load %arg12[%get3A_301, %get3A_302] {strides = array<i32>} : memref<64x128xf32, #tpu.memory_space<vmem>>, vector<1x16xf32>,
      %get3A_304 = vector.shape_cast %get3A_303 : vector<1x16xf32> to vector<1x16xf32>
      %get3A_305 = arith.index_cast %add3A_288 : i32 to index
      %get3A_306 = arith.constant 16 : index
      %get3A_307 = tpu.vector_load %arg15[%get3A_305, %get3A_306] {strides = array<i32>} : memref<64x128xf32, #tpu.memory_space<vmem>>, vector<1x16xf32>,
      %get3A_308 = vector.shape_cast %get3A_307 : vector<1x16xf32> to vector<1x16xf32>
      %mul3A_309 = arith.mulf %get3A_304, %get3A_308 : vector<1x16xf32>
      %swap3A_310 = arith.index_cast %add3A_288 : i32 to index
      %swap3A_311 = arith.constant 16 : index
      %swap3A_312 = tpu.vector_load %arg24[%swap3A_310, %swap3A_311] {strides = array<i32>} : memref<64x128xf32, #tpu.memory_space<vmem>>, vector<1x16xf32>,
      %swap3A_313 = vector.shape_cast %swap3A_312 : vector<1x16xf32> to vector<1x16xf32>
      %swap3A_314 = vector.shape_cast %mul3A_309 : vector<1x16xf32> to vector<1x16xf32>
      tpu.vector_store %arg24[%swap3A_310, %swap3A_311], %swap3A_314 {strides = array<i32>} : memref<64x128xf32, #tpu.memory_space<vmem>>, vector<1x16xf32>,
      %get3A_315 = arith.index_cast %add3A_288 : i32 to index
      %get3A_316 = arith.constant 32 : index
      %get3A_317 = tpu.vector_load %arg12[%get3A_315, %get3A_316] {strides = array<i32>} : memref<64x128xf32, #tpu.memory_space<vmem>>, vector<1x16xf32>,
      %get3A_318 = vector.shape_cast %get3A_317 : vector<1x16xf32> to vector<1x16xf32>
      %get3A_319 = arith.index_cast %add3A_288 : i32 to index
      %get3A_320 = arith.constant 32 : index
      %get3A_321 = tpu.vector_load %arg15[%get3A_319, %get3A_320] {strides = array<i32>} : memref<64x128xf32, #tpu.memory_space<vmem>>, vector<1x16xf32>,
      %get3A_322 = vector.shape_cast %get3A_321 : vector<1x16xf32> to vector<1x16xf32>
      %mul3A_323 = arith.mulf %get3A_318, %get3A_322 : vector<1x16xf32>
      %swap3A_324 = arith.index_cast %add3A_288 : i32 to index
      %swap3A_325 = arith.constant 32 : index
      %swap3A_326 = tpu.vector_load %arg24[%swap3A_324, %swap3A_325] {strides = array<i32>} : memref<64x128xf32, #tpu.memory_space<vmem>>, vector<1x16xf32>,
      %swap3A_327 = vector.shape_cast %swap3A_326 : vector<1x16xf32> to vector<1x16xf32>
      %swap3A_328 = vector.shape_cast %mul3A_323 : vector<1x16xf32> to vector<1x16xf32>
      tpu.vector_store %arg24[%swap3A_324, %swap3A_325], %swap3A_328 {strides = array<i32>} : memref<64x128xf32, #tpu.memory_space<vmem>>, vector<1x16xf32>,
      %get3A_329 = arith.index_cast %add3A_288 : i32 to index
      %get3A_330 = arith.constant 48 : index
      %get3A_331 = tpu.vector_load %arg12[%get3A_329, %get3A_330] {strides = array<i32>} : memref<64x128xf32, #tpu.memory_space<vmem>>, vector<1x16xf32>,
      %get3A_332 = vector.shape_cast %get3A_331 : vector<1x16xf32> to vector<1x16xf32>
      %get3A_333 = arith.index_cast %add3A_288 : i32 to index
      %get3A_334 = arith.constant 48 : index
      %get3A_335 = tpu.vector_load %arg15[%get3A_333, %get3A_334] {strides = array<i32>} : memref<64x128xf32, #tpu.memory_space<vmem>>, vector<1x16xf32>,
      %get3A_336 = vector.shape_cast %get3A_335 : vector<1x16xf32> to vector<1x16xf32>
      %mul3A_337 = arith.mulf %get3A_332, %get3A_336 : vector<1x16xf32>
      %swap3A_338 = arith.index_cast %add3A_288 : i32 to index
      %swap3A_339 = arith.constant 48 : index
      %swap3A_340 = tpu.vector_load %arg24[%swap3A_338, %swap3A_339] {strides = array<i32>} : memref<64x128xf32, #tpu.memory_space<vmem>>, vector<1x16xf32>,
      %swap3A_341 = vector.shape_cast %swap3A_340 : vector<1x16xf32> to vector<1x16xf32>
      %swap3A_342 = vector.shape_cast %mul3A_337 : vector<1x16xf32> to vector<1x16xf32>
      tpu.vector_store %arg24[%swap3A_338, %swap3A_339], %swap3A_342 {strides = array<i32>} : memref<64x128xf32, #tpu.memory_space<vmem>>, vector<1x16xf32>,
      %get3A_343 = arith.index_cast %add3A_288 : i32 to index
      %get3A_344 = arith.constant 64 : index
      %get3A_345 = tpu.vector_load %arg12[%get3A_343, %get3A_344] {strides = array<i32>} : memref<64x128xf32, #tpu.memory_space<vmem>>, vector<1x16xf32>,
      %get3A_346 = vector.shape_cast %get3A_345 : vector<1x16xf32> to vector<1x16xf32>
      %get3A_347 = arith.index_cast %add3A_288 : i32 to index
      %get3A_348 = arith.constant 64 : index
      %get3A_349 = tpu.vector_load %arg15[%get3A_347, %get3A_348] {strides = array<i32>} : memref<64x128xf32, #tpu.memory_space<vmem>>, vector<1x16xf32>,
      %get3A_350 = vector.shape_cast %get3A_349 : vector<1x16xf32> to vector<1x16xf32>
      %mul3A_351 = arith.mulf %get3A_346, %get3A_350 : vector<1x16xf32>
      %swap3A_352 = arith.index_cast %add3A_288 : i32 to index
      %swap3A_353 = arith.constant 64 : index
      %swap3A_354 = tpu.vector_load %arg24[%swap3A_352, %swap3A_353] {strides = array<i32>} : memref<64x128xf32, #tpu.memory_space<vmem>>, vector<1x16xf32>,
      %swap3A_355 = vector.shape_cast %swap3A_354 : vector<1x16xf32> to vector<1x16xf32>
      %swap3A_356 = vector.shape_cast %mul3A_351 : vector<1x16xf32> to vector<1x16xf32>
      tpu.vector_store %arg24[%swap3A_352, %swap3A_353], %swap3A_356 {strides = array<i32>} : memref<64x128xf32, #tpu.memory_space<vmem>>, vector<1x16xf32>,
      %get3A_357 = arith.index_cast %add3A_288 : i32 to index
      %get3A_358 = arith.constant 80 : index
      %get3A_359 = tpu.vector_load %arg12[%get3A_357, %get3A_358] {strides = array<i32>} : memref<64x128xf32, #tpu.memory_space<vmem>>, vector<1x16xf32>,
      %get3A_360 = vector.shape_cast %get3A_359 : vector<1x16xf32> to vector<1x16xf32>
      %get3A_361 = arith.index_cast %add3A_288 : i32 to index
      %get3A_362 = arith.constant 80 : index
      %get3A_363 = tpu.vector_load %arg15[%get3A_361, %get3A_362] {strides = array<i32>} : memref<64x128xf32, #tpu.memory_space<vmem>>, vector<1x16xf32>,
      %get3A_364 = vector.shape_cast %get3A_363 : vector<1x16xf32> to vector<1x16xf32>
      %mul3A_365 = arith.mulf %get3A_360, %get3A_364 : vector<1x16xf32>
      %swap3A_366 = arith.index_cast %add3A_288 : i32 to index
      %swap3A_367 = arith.constant 80 : index
      %swap3A_368 = tpu.vector_load %arg24[%swap3A_366, %swap3A_367] {strides = array<i32>} : memref<64x128xf32, #tpu.memory_space<vmem>>, vector<1x16xf32>,
      %swap3A_369 = vector.shape_cast %swap3A_368 : vector<1x16xf32> to vector<1x16xf32>
      %swap3A_370 = vector.shape_cast %mul3A_365 : vector<1x16xf32> to vector<1x16xf32>
      tpu.vector_store %arg24[%swap3A_366, %swap3A_367], %swap3A_370 {strides = array<i32>} : memref<64x128xf32, #tpu.memory_space<vmem>>, vector<1x16xf32>,
      %get3A_371 = arith.index_cast %add3A_288 : i32 to index
      %get3A_372 = arith.constant 96 : index
      %get3A_373 = tpu.vector_load %arg12[%get3A_371, %get3A_372] {strides = array<i32>} : memref<64x128xf32, #tpu.memory_space<vmem>>, vector<1x16xf32>,
      %get3A_374 = vector.shape_cast %get3A_373 : vector<1x16xf32> to vector<1x16xf32>
      %get3A_375 = arith.index_cast %add3A_288 : i32 to index
      %get3A_376 = arith.constant 96 : index
      %get3A_377 = tpu.vector_load %arg15[%get3A_375, %get3A_376] {strides = array<i32>} : memref<64x128xf32, #tpu.memory_space<vmem>>, vector<1x16xf32>,
      %get3A_378 = vector.shape_cast %get3A_377 : vector<1x16xf32> to vector<1x16xf32>
      %mul3A_379 = arith.mulf %get3A_374, %get3A_378 : vector<1x16xf32>
      %swap3A_380 = arith.index_cast %add3A_288 : i32 to index
      %swap3A_381 = arith.constant 96 : index
      %swap3A_382 = tpu.vector_load %arg24[%swap3A_380, %swap3A_381] {strides = array<i32>} : memref<64x128xf32, #tpu.memory_space<vmem>>, vector<1x16xf32>,
      %swap3A_383 = vector.shape_cast %swap3A_382 : vector<1x16xf32> to vector<1x16xf32>
      %swap3A_384 = vector.shape_cast %mul3A_379 : vector<1x16xf32> to vector<1x16xf32>
      tpu.vector_store %arg24[%swap3A_380, %swap3A_381], %swap3A_384 {strides = array<i32>} : memref<64x128xf32, #tpu.memory_space<vmem>>, vector<1x16xf32>,
      %get3A_385 = arith.index_cast %add3A_288 : i32 to index
      %get3A_386 = arith.constant 112 : index
      %get3A_387 = tpu.vector_load %arg12[%get3A_385, %get3A_386] {strides = array<i32>} : memref<64x128xf32, #tpu.memory_space<vmem>>, vector<1x16xf32>,
      %get3A_388 = vector.shape_cast %get3A_387 : vector<1x16xf32> to vector<1x16xf32>
      %get3A_389 = arith.index_cast %add3A_288 : i32 to index
      %get3A_390 = arith.constant 112 : index
      %get3A_391 = tpu.vector_load %arg15[%get3A_389, %get3A_390] {strides = array<i32>} : memref<64x128xf32, #tpu.memory_space<vmem>>, vector<1x16xf32>,
      %get3A_392 = vector.shape_cast %get3A_391 : vector<1x16xf32> to vector<1x16xf32>
      %mul3A_393 = arith.mulf %get3A_388, %get3A_392 : vector<1x16xf32>
      %swap3A_394 = arith.index_cast %add3A_288 : i32 to index
      %swap3A_395 = arith.constant 112 : index
      %swap3A_396 = tpu.vector_load %arg24[%swap3A_394, %swap3A_395] {strides = array<i32>} : memref<64x128xf32, #tpu.memory_space<vmem>>, vector<1x16xf32>,
      %swap3A_397 = vector.shape_cast %swap3A_396 : vector<1x16xf32> to vector<1x16xf32>
      %swap3A_398 = vector.shape_cast %mul3A_393 : vector<1x16xf32> to vector<1x16xf32>
      tpu.vector_store %arg24[%swap3A_394, %swap3A_395], %swap3A_398 {strides = array<i32>} : memref<64x128xf32, #tpu.memory_space<vmem>>, vector<1x16xf32>,
    }
    %scan3A_147 = arith.constant 64 : i32
    %dma_start3A_148 = arith.constant 0 : i32
    %dma_start3A_149 = tpu.memref_slice %arg6[%add3A_132, %dma_start3A_148] : memref<8192x128xf32, #tpu.memory_space<hbm>> -> memref<64x128xf32, #tpu.memory_space<hbm>>
    %dma_start3A_150 = arith.constant 0 : i32
    %dma_start3A_151 = tpu.memref_slice %arg6[%add3A_132, %dma_start3A_150] : memref<8192x128xf32, #tpu.memory_space<hbm>> -> memref<64x128xf32, #tpu.memory_space<hbm>>
    tpu.enqueue_dma source(%arg24 : memref<64x128xf32, #tpu.memory_space<vmem>>) target(%dma_start3A_151 : memref<64x128xf32, #tpu.memory_space<hbm>>) target_semaphore(%arg54 : memref<!tpu.dma_semaphore, #tpu.memory_space<semaphore_mem>>)
    %dma_wait3A_152 = arith.constant 64 : i32
    %dma_wait3A_153 = tpu.memref_slice %arg9[%dma_wait3A_152] : memref<256xi32, #tpu.memory_space<vmem>> -> memref<64xi32, #tpu.memory_space<vmem>>
    %dma_wait3A_154 = arith.constant 0 : i32
    %dma_wait3A_155 = arith.constant 0 : i32
    %dma_wait3A_156 = tpu.memref_slice %arg3[%dma_wait3A_154, %dma_wait3A_155] : memref<100000x128xf32, #tpu.memory_space<hbm>> -> memref<100000x128xf32, #tpu.memory_space<hbm>>
    tpu.wait_indirect_dma semaphore(%arg33 : memref<!tpu.dma_semaphore, #tpu.memory_space<semaphore_mem>>) src(%dma_wait3A_156 : memref<100000x128xf32, #tpu.memory_space<hbm>>) dst(%arg18 : memref<64x128xf32, #tpu.memory_space<vmem>>)
    %dma_start3A_157 = arith.constant 0 : i32
    %dma_start3A_158 = tpu.memref_slice %arg7[%add3A_132, %dma_start3A_157] : memref<8192x128xf32, #tpu.memory_space<hbm>> -> memref<64x128xf32, #tpu.memory_space<hbm>>
    %dma_start3A_159 = arith.constant 0 : i32
    %dma_start3A_160 = tpu.memref_slice %arg7[%add3A_132, %dma_start3A_159] : memref<8192x128xf32, #tpu.memory_space<hbm>> -> memref<64x128xf32, #tpu.memory_space<hbm>>
    tpu.enqueue_dma source(%arg18 : memref<64x128xf32, #tpu.memory_space<vmem>>) target(%dma_start3A_160 : memref<64x128xf32, #tpu.memory_space<hbm>>) target_semaphore(%arg48 : memref<!tpu.dma_semaphore, #tpu.memory_space<semaphore_mem>>)
    %dma_wait3A_161 = arith.constant 64 : i32
    %dma_wait3A_162 = tpu.memref_slice %arg10[%dma_wait3A_161] : memref<256xi32, #tpu.memory_space<vmem>> -> memref<64xi32, #tpu.memory_space<vmem>>
    %dma_wait3A_163 = arith.constant 0 : i32
    %dma_wait3A_164 = arith.constant 0 : i32
    %dma_wait3A_165 = tpu.memref_slice %arg3[%dma_wait3A_163, %dma_wait3A_164] : memref<100000x128xf32, #tpu.memory_space<hbm>> -> memref<100000x128xf32, #tpu.memory_space<hbm>>
    tpu.wait_indirect_dma semaphore(%arg36 : memref<!tpu.dma_semaphore, #tpu.memory_space<semaphore_mem>>) src(%dma_wait3A_165 : memref<100000x128xf32, #tpu.memory_space<hbm>>) dst(%arg21 : memref<64x128xf32, #tpu.memory_space<vmem>>)
    %dma_start3A_166 = arith.constant 0 : i32
    %dma_start3A_167 = tpu.memref_slice %arg8[%add3A_132, %dma_start3A_166] : memref<8192x128xf32, #tpu.memory_space<hbm>> -> memref<64x128xf32, #tpu.memory_space<hbm>>
    %dma_start3A_168 = arith.constant 0 : i32
    %dma_start3A_169 = tpu.memref_slice %arg8[%add3A_132, %dma_start3A_168] : memref<8192x128xf32, #tpu.memory_space<hbm>> -> memref<64x128xf32, #tpu.memory_space<hbm>>
    tpu.enqueue_dma source(%arg21 : memref<64x128xf32, #tpu.memory_space<vmem>>) target(%dma_start3A_169 : memref<64x128xf32, #tpu.memory_space<hbm>>) target_semaphore(%arg51 : memref<!tpu.dma_semaphore, #tpu.memory_space<semaphore_mem>>)
    %add3A_170 = arith.constant 128 : i32
    %add3A_171 = arith.addi %mul3A_2, %add3A_170 : i32
    %dma_wait3A_172 = arith.constant 128 : i32
    %dma_wait3A_173 = tpu.memref_slice %arg9[%dma_wait3A_172] : memref<256xi32, #tpu.memory_space<vmem>> -> memref<64xi32, #tpu.memory_space<vmem>>
    %dma_wait3A_174 = arith.constant 0 : i32
    %dma_wait3A_175 = arith.constant 0 : i32
    %dma_wait3A_176 = tpu.memref_slice %arg2[%dma_wait3A_174, %dma_wait3A_175] : memref<100000x128xf32, #tpu.memory_space<hbm>> -> memref<100000x128xf32, #tpu.memory_space<hbm>>
    tpu.wait_indirect_dma semaphore(%arg28 : memref<!tpu.dma_semaphore, #tpu.memory_space<semaphore_mem>>) src(%dma_wait3A_176 : memref<100000x128xf32, #tpu.memory_space<hbm>>) dst(%arg13 : memref<64x128xf32, #tpu.memory_space<vmem>>)
    %dma_wait3A_177 = arith.constant 128 : i32
    %dma_wait3A_178 = tpu.memref_slice %arg10[%dma_wait3A_177] : memref<256xi32, #tpu.memory_space<vmem>> -> memref<64xi32, #tpu.memory_space<vmem>>
    %dma_wait3A_179 = arith.constant 0 : i32
    %dma_wait3A_180 = arith.constant 0 : i32
    %dma_wait3A_181 = tpu.memref_slice %arg2[%dma_wait3A_179, %dma_wait3A_180] : memref<100000x128xf32, #tpu.memory_space<hbm>> -> memref<100000x128xf32, #tpu.memory_space<hbm>>
    tpu.wait_indirect_dma semaphore(%arg31 : memref<!tpu.dma_semaphore, #tpu.memory_space<semaphore_mem>>) src(%dma_wait3A_181 : memref<100000x128xf32, #tpu.memory_space<hbm>>) dst(%arg16 : memref<64x128xf32, #tpu.memory_space<vmem>>)
    %scan3A_182 = arith.constant 0 : i32
    %scan3A_183 = arith.constant 64 : i32
    %scan3A_184 = arith.addi %scan3A_182, %scan3A_183 : i32
    %scan3A_185 = arith.constant 1 : i32
    scf.for %scan3A_284 = %scan3A_182 to %scan3A_184 step %scan3A_185  : i32 {
      %mul3A_285 = arith.constant 1 : i32
      %mul3A_286 = arith.muli %scan3A_284, %mul3A_285 : i32
      %add3A_287 = arith.constant 0 : i32
      %add3A_288 = arith.addi %add3A_287, %mul3A_286 : i32
      %get3A = arith.index_cast %add3A_288 : i32 to index
      %get3A_289 = arith.constant 0 : index
      %get3A_290 = tpu.vector_load %arg13[%get3A, %get3A_289] {strides = array<i32>} : memref<64x128xf32, #tpu.memory_space<vmem>>, vector<1x16xf32>,
      %get3A_291 = vector.shape_cast %get3A_290 : vector<1x16xf32> to vector<1x16xf32>
      %get3A_292 = arith.index_cast %add3A_288 : i32 to index
      %get3A_293 = arith.constant 0 : index
      %get3A_294 = tpu.vector_load %arg16[%get3A_292, %get3A_293] {strides = array<i32>} : memref<64x128xf32, #tpu.memory_space<vmem>>, vector<1x16xf32>,
      %get3A_295 = vector.shape_cast %get3A_294 : vector<1x16xf32> to vector<1x16xf32>
      %mul3A_296 = arith.mulf %get3A_291, %get3A_295 : vector<1x16xf32>
      %swap3A = arith.index_cast %add3A_288 : i32 to index
      %swap3A_297 = arith.constant 0 : index
      %swap3A_298 = tpu.vector_load %arg25[%swap3A, %swap3A_297] {strides = array<i32>} : memref<64x128xf32, #tpu.memory_space<vmem>>, vector<1x16xf32>,
      %swap3A_299 = vector.shape_cast %swap3A_298 : vector<1x16xf32> to vector<1x16xf32>
      %swap3A_300 = vector.shape_cast %mul3A_296 : vector<1x16xf32> to vector<1x16xf32>
      tpu.vector_store %arg25[%swap3A, %swap3A_297], %swap3A_300 {strides = array<i32>} : memref<64x128xf32, #tpu.memory_space<vmem>>, vector<1x16xf32>,
      %get3A_301 = arith.index_cast %add3A_288 : i32 to index
      %get3A_302 = arith.constant 16 : index
      %get3A_303 = tpu.vector_load %arg13[%get3A_301, %get3A_302] {strides = array<i32>} : memref<64x128xf32, #tpu.memory_space<vmem>>, vector<1x16xf32>,
      %get3A_304 = vector.shape_cast %get3A_303 : vector<1x16xf32> to vector<1x16xf32>
      %get3A_305 = arith.index_cast %add3A_288 : i32 to index
      %get3A_306 = arith.constant 16 : index
      %get3A_307 = tpu.vector_load %arg16[%get3A_305, %get3A_306] {strides = array<i32>} : memref<64x128xf32, #tpu.memory_space<vmem>>, vector<1x16xf32>,
      %get3A_308 = vector.shape_cast %get3A_307 : vector<1x16xf32> to vector<1x16xf32>
      %mul3A_309 = arith.mulf %get3A_304, %get3A_308 : vector<1x16xf32>
      %swap3A_310 = arith.index_cast %add3A_288 : i32 to index
      %swap3A_311 = arith.constant 16 : index
      %swap3A_312 = tpu.vector_load %arg25[%swap3A_310, %swap3A_311] {strides = array<i32>} : memref<64x128xf32, #tpu.memory_space<vmem>>, vector<1x16xf32>,
      %swap3A_313 = vector.shape_cast %swap3A_312 : vector<1x16xf32> to vector<1x16xf32>
      %swap3A_314 = vector.shape_cast %mul3A_309 : vector<1x16xf32> to vector<1x16xf32>
      tpu.vector_store %arg25[%swap3A_310, %swap3A_311], %swap3A_314 {strides = array<i32>} : memref<64x128xf32, #tpu.memory_space<vmem>>, vector<1x16xf32>,
      %get3A_315 = arith.index_cast %add3A_288 : i32 to index
      %get3A_316 = arith.constant 32 : index
      %get3A_317 = tpu.vector_load %arg13[%get3A_315, %get3A_316] {strides = array<i32>} : memref<64x128xf32, #tpu.memory_space<vmem>>, vector<1x16xf32>,
      %get3A_318 = vector.shape_cast %get3A_317 : vector<1x16xf32> to vector<1x16xf32>
      %get3A_319 = arith.index_cast %add3A_288 : i32 to index
      %get3A_320 = arith.constant 32 : index
      %get3A_321 = tpu.vector_load %arg16[%get3A_319, %get3A_320] {strides = array<i32>} : memref<64x128xf32, #tpu.memory_space<vmem>>, vector<1x16xf32>,
      %get3A_322 = vector.shape_cast %get3A_321 : vector<1x16xf32> to vector<1x16xf32>
      %mul3A_323 = arith.mulf %get3A_318, %get3A_322 : vector<1x16xf32>
      %swap3A_324 = arith.index_cast %add3A_288 : i32 to index
      %swap3A_325 = arith.constant 32 : index
      %swap3A_326 = tpu.vector_load %arg25[%swap3A_324, %swap3A_325] {strides = array<i32>} : memref<64x128xf32, #tpu.memory_space<vmem>>, vector<1x16xf32>,
      %swap3A_327 = vector.shape_cast %swap3A_326 : vector<1x16xf32> to vector<1x16xf32>
      %swap3A_328 = vector.shape_cast %mul3A_323 : vector<1x16xf32> to vector<1x16xf32>
      tpu.vector_store %arg25[%swap3A_324, %swap3A_325], %swap3A_328 {strides = array<i32>} : memref<64x128xf32, #tpu.memory_space<vmem>>, vector<1x16xf32>,
      %get3A_329 = arith.index_cast %add3A_288 : i32 to index
      %get3A_330 = arith.constant 48 : index
      %get3A_331 = tpu.vector_load %arg13[%get3A_329, %get3A_330] {strides = array<i32>} : memref<64x128xf32, #tpu.memory_space<vmem>>, vector<1x16xf32>,
      %get3A_332 = vector.shape_cast %get3A_331 : vector<1x16xf32> to vector<1x16xf32>
      %get3A_333 = arith.index_cast %add3A_288 : i32 to index
      %get3A_334 = arith.constant 48 : index
      %get3A_335 = tpu.vector_load %arg16[%get3A_333, %get3A_334] {strides = array<i32>} : memref<64x128xf32, #tpu.memory_space<vmem>>, vector<1x16xf32>,
      %get3A_336 = vector.shape_cast %get3A_335 : vector<1x16xf32> to vector<1x16xf32>
      %mul3A_337 = arith.mulf %get3A_332, %get3A_336 : vector<1x16xf32>
      %swap3A_338 = arith.index_cast %add3A_288 : i32 to index
      %swap3A_339 = arith.constant 48 : index
      %swap3A_340 = tpu.vector_load %arg25[%swap3A_338, %swap3A_339] {strides = array<i32>} : memref<64x128xf32, #tpu.memory_space<vmem>>, vector<1x16xf32>,
      %swap3A_341 = vector.shape_cast %swap3A_340 : vector<1x16xf32> to vector<1x16xf32>
      %swap3A_342 = vector.shape_cast %mul3A_337 : vector<1x16xf32> to vector<1x16xf32>
      tpu.vector_store %arg25[%swap3A_338, %swap3A_339], %swap3A_342 {strides = array<i32>} : memref<64x128xf32, #tpu.memory_space<vmem>>, vector<1x16xf32>,
      %get3A_343 = arith.index_cast %add3A_288 : i32 to index
      %get3A_344 = arith.constant 64 : index
      %get3A_345 = tpu.vector_load %arg13[%get3A_343, %get3A_344] {strides = array<i32>} : memref<64x128xf32, #tpu.memory_space<vmem>>, vector<1x16xf32>,
      %get3A_346 = vector.shape_cast %get3A_345 : vector<1x16xf32> to vector<1x16xf32>
      %get3A_347 = arith.index_cast %add3A_288 : i32 to index
      %get3A_348 = arith.constant 64 : index
      %get3A_349 = tpu.vector_load %arg16[%get3A_347, %get3A_348] {strides = array<i32>} : memref<64x128xf32, #tpu.memory_space<vmem>>, vector<1x16xf32>,
      %get3A_350 = vector.shape_cast %get3A_349 : vector<1x16xf32> to vector<1x16xf32>
      %mul3A_351 = arith.mulf %get3A_346, %get3A_350 : vector<1x16xf32>
      %swap3A_352 = arith.index_cast %add3A_288 : i32 to index
      %swap3A_353 = arith.constant 64 : index
      %swap3A_354 = tpu.vector_load %arg25[%swap3A_352, %swap3A_353] {strides = array<i32>} : memref<64x128xf32, #tpu.memory_space<vmem>>, vector<1x16xf32>,
      %swap3A_355 = vector.shape_cast %swap3A_354 : vector<1x16xf32> to vector<1x16xf32>
      %swap3A_356 = vector.shape_cast %mul3A_351 : vector<1x16xf32> to vector<1x16xf32>
      tpu.vector_store %arg25[%swap3A_352, %swap3A_353], %swap3A_356 {strides = array<i32>} : memref<64x128xf32, #tpu.memory_space<vmem>>, vector<1x16xf32>,
      %get3A_357 = arith.index_cast %add3A_288 : i32 to index
      %get3A_358 = arith.constant 80 : index
      %get3A_359 = tpu.vector_load %arg13[%get3A_357, %get3A_358] {strides = array<i32>} : memref<64x128xf32, #tpu.memory_space<vmem>>, vector<1x16xf32>,
      %get3A_360 = vector.shape_cast %get3A_359 : vector<1x16xf32> to vector<1x16xf32>
      %get3A_361 = arith.index_cast %add3A_288 : i32 to index
      %get3A_362 = arith.constant 80 : index
      %get3A_363 = tpu.vector_load %arg16[%get3A_361, %get3A_362] {strides = array<i32>} : memref<64x128xf32, #tpu.memory_space<vmem>>, vector<1x16xf32>,
      %get3A_364 = vector.shape_cast %get3A_363 : vector<1x16xf32> to vector<1x16xf32>
      %mul3A_365 = arith.mulf %get3A_360, %get3A_364 : vector<1x16xf32>
      %swap3A_366 = arith.index_cast %add3A_288 : i32 to index
      %swap3A_367 = arith.constant 80 : index
      %swap3A_368 = tpu.vector_load %arg25[%swap3A_366, %swap3A_367] {strides = array<i32>} : memref<64x128xf32, #tpu.memory_space<vmem>>, vector<1x16xf32>,
      %swap3A_369 = vector.shape_cast %swap3A_368 : vector<1x16xf32> to vector<1x16xf32>
      %swap3A_370 = vector.shape_cast %mul3A_365 : vector<1x16xf32> to vector<1x16xf32>
      tpu.vector_store %arg25[%swap3A_366, %swap3A_367], %swap3A_370 {strides = array<i32>} : memref<64x128xf32, #tpu.memory_space<vmem>>, vector<1x16xf32>,
      %get3A_371 = arith.index_cast %add3A_288 : i32 to index
      %get3A_372 = arith.constant 96 : index
      %get3A_373 = tpu.vector_load %arg13[%get3A_371, %get3A_372] {strides = array<i32>} : memref<64x128xf32, #tpu.memory_space<vmem>>, vector<1x16xf32>,
      %get3A_374 = vector.shape_cast %get3A_373 : vector<1x16xf32> to vector<1x16xf32>
      %get3A_375 = arith.index_cast %add3A_288 : i32 to index
      %get3A_376 = arith.constant 96 : index
      %get3A_377 = tpu.vector_load %arg16[%get3A_375, %get3A_376] {strides = array<i32>} : memref<64x128xf32, #tpu.memory_space<vmem>>, vector<1x16xf32>,
      %get3A_378 = vector.shape_cast %get3A_377 : vector<1x16xf32> to vector<1x16xf32>
      %mul3A_379 = arith.mulf %get3A_374, %get3A_378 : vector<1x16xf32>
      %swap3A_380 = arith.index_cast %add3A_288 : i32 to index
      %swap3A_381 = arith.constant 96 : index
      %swap3A_382 = tpu.vector_load %arg25[%swap3A_380, %swap3A_381] {strides = array<i32>} : memref<64x128xf32, #tpu.memory_space<vmem>>, vector<1x16xf32>,
      %swap3A_383 = vector.shape_cast %swap3A_382 : vector<1x16xf32> to vector<1x16xf32>
      %swap3A_384 = vector.shape_cast %mul3A_379 : vector<1x16xf32> to vector<1x16xf32>
      tpu.vector_store %arg25[%swap3A_380, %swap3A_381], %swap3A_384 {strides = array<i32>} : memref<64x128xf32, #tpu.memory_space<vmem>>, vector<1x16xf32>,
      %get3A_385 = arith.index_cast %add3A_288 : i32 to index
      %get3A_386 = arith.constant 112 : index
      %get3A_387 = tpu.vector_load %arg13[%get3A_385, %get3A_386] {strides = array<i32>} : memref<64x128xf32, #tpu.memory_space<vmem>>, vector<1x16xf32>,
      %get3A_388 = vector.shape_cast %get3A_387 : vector<1x16xf32> to vector<1x16xf32>
      %get3A_389 = arith.index_cast %add3A_288 : i32 to index
      %get3A_390 = arith.constant 112 : index
      %get3A_391 = tpu.vector_load %arg16[%get3A_389, %get3A_390] {strides = array<i32>} : memref<64x128xf32, #tpu.memory_space<vmem>>, vector<1x16xf32>,
      %get3A_392 = vector.shape_cast %get3A_391 : vector<1x16xf32> to vector<1x16xf32>
      %mul3A_393 = arith.mulf %get3A_388, %get3A_392 : vector<1x16xf32>
      %swap3A_394 = arith.index_cast %add3A_288 : i32 to index
      %swap3A_395 = arith.constant 112 : index
      %swap3A_396 = tpu.vector_load %arg25[%swap3A_394, %swap3A_395] {strides = array<i32>} : memref<64x128xf32, #tpu.memory_space<vmem>>, vector<1x16xf32>,
      %swap3A_397 = vector.shape_cast %swap3A_396 : vector<1x16xf32> to vector<1x16xf32>
      %swap3A_398 = vector.shape_cast %mul3A_393 : vector<1x16xf32> to vector<1x16xf32>
      tpu.vector_store %arg25[%swap3A_394, %swap3A_395], %swap3A_398 {strides = array<i32>} : memref<64x128xf32, #tpu.memory_space<vmem>>, vector<1x16xf32>,
    }
    %scan3A_186 = arith.constant 64 : i32
    %dma_start3A_187 = arith.constant 0 : i32
    %dma_start3A_188 = tpu.memref_slice %arg6[%add3A_171, %dma_start3A_187] : memref<8192x128xf32, #tpu.memory_space<hbm>> -> memref<64x128xf32, #tpu.memory_space<hbm>>
    %dma_start3A_189 = arith.constant 0 : i32
    %dma_start3A_190 = tpu.memref_slice %arg6[%add3A_171, %dma_start3A_189] : memref<8192x128xf32, #tpu.memory_space<hbm>> -> memref<64x128xf32, #tpu.memory_space<hbm>>
    tpu.enqueue_dma source(%arg25 : memref<64x128xf32, #tpu.memory_space<vmem>>) target(%dma_start3A_190 : memref<64x128xf32, #tpu.memory_space<hbm>>) target_semaphore(%arg55 : memref<!tpu.dma_semaphore, #tpu.memory_space<semaphore_mem>>)
    %dma_wait3A_191 = arith.constant 128 : i32
    %dma_wait3A_192 = tpu.memref_slice %arg9[%dma_wait3A_191] : memref<256xi32, #tpu.memory_space<vmem>> -> memref<64xi32, #tpu.memory_space<vmem>>
    %dma_wait3A_193 = arith.constant 0 : i32
    %dma_wait3A_194 = arith.constant 0 : i32
    %dma_wait3A_195 = tpu.memref_slice %arg3[%dma_wait3A_193, %dma_wait3A_194] : memref<100000x128xf32, #tpu.memory_space<hbm>> -> memref<100000x128xf32, #tpu.memory_space<hbm>>
    tpu.wait_indirect_dma semaphore(%arg34 : memref<!tpu.dma_semaphore, #tpu.memory_space<semaphore_mem>>) src(%dma_wait3A_195 : memref<100000x128xf32, #tpu.memory_space<hbm>>) dst(%arg19 : memref<64x128xf32, #tpu.memory_space<vmem>>)
    %dma_start3A_196 = arith.constant 0 : i32
    %dma_start3A_197 = tpu.memref_slice %arg7[%add3A_171, %dma_start3A_196] : memref<8192x128xf32, #tpu.memory_space<hbm>> -> memref<64x128xf32, #tpu.memory_space<hbm>>
    %dma_start3A_198 = arith.constant 0 : i32
    %dma_start3A_199 = tpu.memref_slice %arg7[%add3A_171, %dma_start3A_198] : memref<8192x128xf32, #tpu.memory_space<hbm>> -> memref<64x128xf32, #tpu.memory_space<hbm>>
    tpu.enqueue_dma source(%arg19 : memref<64x128xf32, #tpu.memory_space<vmem>>) target(%dma_start3A_199 : memref<64x128xf32, #tpu.memory_space<hbm>>) target_semaphore(%arg49 : memref<!tpu.dma_semaphore, #tpu.memory_space<semaphore_mem>>)
    %dma_wait3A_200 = arith.constant 128 : i32
    %dma_wait3A_201 = tpu.memref_slice %arg10[%dma_wait3A_200] : memref<256xi32, #tpu.memory_space<vmem>> -> memref<64xi32, #tpu.memory_space<vmem>>
    %dma_wait3A_202 = arith.constant 0 : i32
    %dma_wait3A_203 = arith.constant 0 : i32
    %dma_wait3A_204 = tpu.memref_slice %arg3[%dma_wait3A_202, %dma_wait3A_203] : memref<100000x128xf32, #tpu.memory_space<hbm>> -> memref<100000x128xf32, #tpu.memory_space<hbm>>
    tpu.wait_indirect_dma semaphore(%arg37 : memref<!tpu.dma_semaphore, #tpu.memory_space<semaphore_mem>>) src(%dma_wait3A_204 : memref<100000x128xf32, #tpu.memory_space<hbm>>) dst(%arg22 : memref<64x128xf32, #tpu.memory_space<vmem>>)
    %dma_start3A_205 = arith.constant 0 : i32
    %dma_start3A_206 = tpu.memref_slice %arg8[%add3A_171, %dma_start3A_205] : memref<8192x128xf32, #tpu.memory_space<hbm>> -> memref<64x128xf32, #tpu.memory_space<hbm>>
    %dma_start3A_207 = arith.constant 0 : i32
    %dma_start3A_208 = tpu.memref_slice %arg8[%add3A_171, %dma_start3A_207] : memref<8192x128xf32, #tpu.memory_space<hbm>> -> memref<64x128xf32, #tpu.memory_space<hbm>>
    tpu.enqueue_dma source(%arg22 : memref<64x128xf32, #tpu.memory_space<vmem>>) target(%dma_start3A_208 : memref<64x128xf32, #tpu.memory_space<hbm>>) target_semaphore(%arg52 : memref<!tpu.dma_semaphore, #tpu.memory_space<semaphore_mem>>)
    %add3A_209 = arith.constant 192 : i32
    %add3A_210 = arith.addi %mul3A_2, %add3A_209 : i32
    %dma_wait3A_211 = arith.constant 192 : i32
    %dma_wait3A_212 = tpu.memref_slice %arg9[%dma_wait3A_211] : memref<256xi32, #tpu.memory_space<vmem>> -> memref<64xi32, #tpu.memory_space<vmem>>
    %dma_wait3A_213 = arith.constant 0 : i32
    %dma_wait3A_214 = arith.constant 0 : i32
    %dma_wait3A_215 = tpu.memref_slice %arg2[%dma_wait3A_213, %dma_wait3A_214] : memref<100000x128xf32, #tpu.memory_space<hbm>> -> memref<100000x128xf32, #tpu.memory_space<hbm>>
    tpu.wait_indirect_dma semaphore(%arg26 : memref<!tpu.dma_semaphore, #tpu.memory_space<semaphore_mem>>) src(%dma_wait3A_215 : memref<100000x128xf32, #tpu.memory_space<hbm>>) dst(%arg11 : memref<64x128xf32, #tpu.memory_space<vmem>>)
    %dma_wait3A_216 = arith.constant 192 : i32
    %dma_wait3A_217 = tpu.memref_slice %arg10[%dma_wait3A_216] : memref<256xi32, #tpu.memory_space<vmem>> -> memref<64xi32, #tpu.memory_space<vmem>>
    %dma_wait3A_218 = arith.constant 0 : i32
    %dma_wait3A_219 = arith.constant 0 : i32
    %dma_wait3A_220 = tpu.memref_slice %arg2[%dma_wait3A_218, %dma_wait3A_219] : memref<100000x128xf32, #tpu.memory_space<hbm>> -> memref<100000x128xf32, #tpu.memory_space<hbm>>
    tpu.wait_indirect_dma semaphore(%arg29 : memref<!tpu.dma_semaphore, #tpu.memory_space<semaphore_mem>>) src(%dma_wait3A_220 : memref<100000x128xf32, #tpu.memory_space<hbm>>) dst(%arg14 : memref<64x128xf32, #tpu.memory_space<vmem>>)
    %scan3A_221 = arith.constant 0 : i32
    %scan3A_222 = arith.constant 64 : i32
    %scan3A_223 = arith.addi %scan3A_221, %scan3A_222 : i32
    %scan3A_224 = arith.constant 1 : i32
    scf.for %scan3A_284 = %scan3A_221 to %scan3A_223 step %scan3A_224  : i32 {
      %mul3A_285 = arith.constant 1 : i32
      %mul3A_286 = arith.muli %scan3A_284, %mul3A_285 : i32
      %add3A_287 = arith.constant 0 : i32
      %add3A_288 = arith.addi %add3A_287, %mul3A_286 : i32
      %get3A = arith.index_cast %add3A_288 : i32 to index
      %get3A_289 = arith.constant 0 : index
      %get3A_290 = tpu.vector_load %arg11[%get3A, %get3A_289] {strides = array<i32>} : memref<64x128xf32, #tpu.memory_space<vmem>>, vector<1x16xf32>,
      %get3A_291 = vector.shape_cast %get3A_290 : vector<1x16xf32> to vector<1x16xf32>
      %get3A_292 = arith.index_cast %add3A_288 : i32 to index
      %get3A_293 = arith.constant 0 : index
      %get3A_294 = tpu.vector_load %arg14[%get3A_292, %get3A_293] {strides = array<i32>} : memref<64x128xf32, #tpu.memory_space<vmem>>, vector<1x16xf32>,
      %get3A_295 = vector.shape_cast %get3A_294 : vector<1x16xf32> to vector<1x16xf32>
      %mul3A_296 = arith.mulf %get3A_291, %get3A_295 : vector<1x16xf32>
      %swap3A = arith.index_cast %add3A_288 : i32 to index
      %swap3A_297 = arith.constant 0 : index
      %swap3A_298 = tpu.vector_load %arg23[%swap3A, %swap3A_297] {strides = array<i32>} : memref<64x128xf32, #tpu.memory_space<vmem>>, vector<1x16xf32>,
      %swap3A_299 = vector.shape_cast %swap3A_298 : vector<1x16xf32> to vector<1x16xf32>
      %swap3A_300 = vector.shape_cast %mul3A_296 : vector<1x16xf32> to vector<1x16xf32>
      tpu.vector_store %arg23[%swap3A, %swap3A_297], %swap3A_300 {strides = array<i32>} : memref<64x128xf32, #tpu.memory_space<vmem>>, vector<1x16xf32>,
      %get3A_301 = arith.index_cast %add3A_288 : i32 to index
      %get3A_302 = arith.constant 16 : index
      %get3A_303 = tpu.vector_load %arg11[%get3A_301, %get3A_302] {strides = array<i32>} : memref<64x128xf32, #tpu.memory_space<vmem>>, vector<1x16xf32>,
      %get3A_304 = vector.shape_cast %get3A_303 : vector<1x16xf32> to vector<1x16xf32>
      %get3A_305 = arith.index_cast %add3A_288 : i32 to index
      %get3A_306 = arith.constant 16 : index
      %get3A_307 = tpu.vector_load %arg14[%get3A_305, %get3A_306] {strides = array<i32>} : memref<64x128xf32, #tpu.memory_space<vmem>>, vector<1x16xf32>,
      %get3A_308 = vector.shape_cast %get3A_307 : vector<1x16xf32> to vector<1x16xf32>
      %mul3A_309 = arith.mulf %get3A_304, %get3A_308 : vector<1x16xf32>
      %swap3A_310 = arith.index_cast %add3A_288 : i32 to index
      %swap3A_311 = arith.constant 16 : index
      %swap3A_312 = tpu.vector_load %arg23[%swap3A_310, %swap3A_311] {strides = array<i32>} : memref<64x128xf32, #tpu.memory_space<vmem>>, vector<1x16xf32>,
      %swap3A_313 = vector.shape_cast %swap3A_312 : vector<1x16xf32> to vector<1x16xf32>
      %swap3A_314 = vector.shape_cast %mul3A_309 : vector<1x16xf32> to vector<1x16xf32>
      tpu.vector_store %arg23[%swap3A_310, %swap3A_311], %swap3A_314 {strides = array<i32>} : memref<64x128xf32, #tpu.memory_space<vmem>>, vector<1x16xf32>,
      %get3A_315 = arith.index_cast %add3A_288 : i32 to index
      %get3A_316 = arith.constant 32 : index
      %get3A_317 = tpu.vector_load %arg11[%get3A_315, %get3A_316] {strides = array<i32>} : memref<64x128xf32, #tpu.memory_space<vmem>>, vector<1x16xf32>,
      %get3A_318 = vector.shape_cast %get3A_317 : vector<1x16xf32> to vector<1x16xf32>
      %get3A_319 = arith.index_cast %add3A_288 : i32 to index
      %get3A_320 = arith.constant 32 : index
      %get3A_321 = tpu.vector_load %arg14[%get3A_319, %get3A_320] {strides = array<i32>} : memref<64x128xf32, #tpu.memory_space<vmem>>, vector<1x16xf32>,
      %get3A_322 = vector.shape_cast %get3A_321 : vector<1x16xf32> to vector<1x16xf32>
      %mul3A_323 = arith.mulf %get3A_318, %get3A_322 : vector<1x16xf32>
      %swap3A_324 = arith.index_cast %add3A_288 : i32 to index
      %swap3A_325 = arith.constant 32 : index
      %swap3A_326 = tpu.vector_load %arg23[%swap3A_324, %swap3A_325] {strides = array<i32>} : memref<64x128xf32, #tpu.memory_space<vmem>>, vector<1x16xf32>,
      %swap3A_327 = vector.shape_cast %swap3A_326 : vector<1x16xf32> to vector<1x16xf32>
      %swap3A_328 = vector.shape_cast %mul3A_323 : vector<1x16xf32> to vector<1x16xf32>
      tpu.vector_store %arg23[%swap3A_324, %swap3A_325], %swap3A_328 {strides = array<i32>} : memref<64x128xf32, #tpu.memory_space<vmem>>, vector<1x16xf32>,
      %get3A_329 = arith.index_cast %add3A_288 : i32 to index
      %get3A_330 = arith.constant 48 : index
      %get3A_331 = tpu.vector_load %arg11[%get3A_329, %get3A_330] {strides = array<i32>} : memref<64x128xf32, #tpu.memory_space<vmem>>, vector<1x16xf32>,
      %get3A_332 = vector.shape_cast %get3A_331 : vector<1x16xf32> to vector<1x16xf32>
      %get3A_333 = arith.index_cast %add3A_288 : i32 to index
      %get3A_334 = arith.constant 48 : index
      %get3A_335 = tpu.vector_load %arg14[%get3A_333, %get3A_334] {strides = array<i32>} : memref<64x128xf32, #tpu.memory_space<vmem>>, vector<1x16xf32>,
      %get3A_336 = vector.shape_cast %get3A_335 : vector<1x16xf32> to vector<1x16xf32>
      %mul3A_337 = arith.mulf %get3A_332, %get3A_336 : vector<1x16xf32>
      %swap3A_338 = arith.index_cast %add3A_288 : i32 to index
      %swap3A_339 = arith.constant 48 : index
      %swap3A_340 = tpu.vector_load %arg23[%swap3A_338, %swap3A_339] {strides = array<i32>} : memref<64x128xf32, #tpu.memory_space<vmem>>, vector<1x16xf32>,
      %swap3A_341 = vector.shape_cast %swap3A_340 : vector<1x16xf32> to vector<1x16xf32>
      %swap3A_342 = vector.shape_cast %mul3A_337 : vector<1x16xf32> to vector<1x16xf32>
      tpu.vector_store %arg23[%swap3A_338, %swap3A_339], %swap3A_342 {strides = array<i32>} : memref<64x128xf32, #tpu.memory_space<vmem>>, vector<1x16xf32>,
      %get3A_343 = arith.index_cast %add3A_288 : i32 to index
      %get3A_344 = arith.constant 64 : index
      %get3A_345 = tpu.vector_load %arg11[%get3A_343, %get3A_344] {strides = array<i32>} : memref<64x128xf32, #tpu.memory_space<vmem>>, vector<1x16xf32>,
      %get3A_346 = vector.shape_cast %get3A_345 : vector<1x16xf32> to vector<1x16xf32>
      %get3A_347 = arith.index_cast %add3A_288 : i32 to index
      %get3A_348 = arith.constant 64 : index
      %get3A_349 = tpu.vector_load %arg14[%get3A_347, %get3A_348] {strides = array<i32>} : memref<64x128xf32, #tpu.memory_space<vmem>>, vector<1x16xf32>,
      %get3A_350 = vector.shape_cast %get3A_349 : vector<1x16xf32> to vector<1x16xf32>
      %mul3A_351 = arith.mulf %get3A_346, %get3A_350 : vector<1x16xf32>
      %swap3A_352 = arith.index_cast %add3A_288 : i32 to index
      %swap3A_353 = arith.constant 64 : index
      %swap3A_354 = tpu.vector_load %arg23[%swap3A_352, %swap3A_353] {strides = array<i32>} : memref<64x128xf32, #tpu.memory_space<vmem>>, vector<1x16xf32>,
      %swap3A_355 = vector.shape_cast %swap3A_354 : vector<1x16xf32> to vector<1x16xf32>
      %swap3A_356 = vector.shape_cast %mul3A_351 : vector<1x16xf32> to vector<1x16xf32>
      tpu.vector_store %arg23[%swap3A_352, %swap3A_353], %swap3A_356 {strides = array<i32>} : memref<64x128xf32, #tpu.memory_space<vmem>>, vector<1x16xf32>,
      %get3A_357 = arith.index_cast %add3A_288 : i32 to index
      %get3A_358 = arith.constant 80 : index
      %get3A_359 = tpu.vector_load %arg11[%get3A_357, %get3A_358] {strides = array<i32>} : memref<64x128xf32, #tpu.memory_space<vmem>>, vector<1x16xf32>,
      %get3A_360 = vector.shape_cast %get3A_359 : vector<1x16xf32> to vector<1x16xf32>
      %get3A_361 = arith.index_cast %add3A_288 : i32 to index
      %get3A_362 = arith.constant 80 : index
      %get3A_363 = tpu.vector_load %arg14[%get3A_361, %get3A_362] {strides = array<i32>} : memref<64x128xf32, #tpu.memory_space<vmem>>, vector<1x16xf32>,
      %get3A_364 = vector.shape_cast %get3A_363 : vector<1x16xf32> to vector<1x16xf32>
      %mul3A_365 = arith.mulf %get3A_360, %get3A_364 : vector<1x16xf32>
      %swap3A_366 = arith.index_cast %add3A_288 : i32 to index
      %swap3A_367 = arith.constant 80 : index
      %swap3A_368 = tpu.vector_load %arg23[%swap3A_366, %swap3A_367] {strides = array<i32>} : memref<64x128xf32, #tpu.memory_space<vmem>>, vector<1x16xf32>,
      %swap3A_369 = vector.shape_cast %swap3A_368 : vector<1x16xf32> to vector<1x16xf32>
      %swap3A_370 = vector.shape_cast %mul3A_365 : vector<1x16xf32> to vector<1x16xf32>
      tpu.vector_store %arg23[%swap3A_366, %swap3A_367], %swap3A_370 {strides = array<i32>} : memref<64x128xf32, #tpu.memory_space<vmem>>, vector<1x16xf32>,
      %get3A_371 = arith.index_cast %add3A_288 : i32 to index
      %get3A_372 = arith.constant 96 : index
      %get3A_373 = tpu.vector_load %arg11[%get3A_371, %get3A_372] {strides = array<i32>} : memref<64x128xf32, #tpu.memory_space<vmem>>, vector<1x16xf32>,
      %get3A_374 = vector.shape_cast %get3A_373 : vector<1x16xf32> to vector<1x16xf32>
      %get3A_375 = arith.index_cast %add3A_288 : i32 to index
      %get3A_376 = arith.constant 96 : index
      %get3A_377 = tpu.vector_load %arg14[%get3A_375, %get3A_376] {strides = array<i32>} : memref<64x128xf32, #tpu.memory_space<vmem>>, vector<1x16xf32>,
      %get3A_378 = vector.shape_cast %get3A_377 : vector<1x16xf32> to vector<1x16xf32>
      %mul3A_379 = arith.mulf %get3A_374, %get3A_378 : vector<1x16xf32>
      %swap3A_380 = arith.index_cast %add3A_288 : i32 to index
      %swap3A_381 = arith.constant 96 : index
      %swap3A_382 = tpu.vector_load %arg23[%swap3A_380, %swap3A_381] {strides = array<i32>} : memref<64x128xf32, #tpu.memory_space<vmem>>, vector<1x16xf32>,
      %swap3A_383 = vector.shape_cast %swap3A_382 : vector<1x16xf32> to vector<1x16xf32>
      %swap3A_384 = vector.shape_cast %mul3A_379 : vector<1x16xf32> to vector<1x16xf32>
      tpu.vector_store %arg23[%swap3A_380, %swap3A_381], %swap3A_384 {strides = array<i32>} : memref<64x128xf32, #tpu.memory_space<vmem>>, vector<1x16xf32>,
      %get3A_385 = arith.index_cast %add3A_288 : i32 to index
      %get3A_386 = arith.constant 112 : index
      %get3A_387 = tpu.vector_load %arg11[%get3A_385, %get3A_386] {strides = array<i32>} : memref<64x128xf32, #tpu.memory_space<vmem>>, vector<1x16xf32>,
      %get3A_388 = vector.shape_cast %get3A_387 : vector<1x16xf32> to vector<1x16xf32>
      %get3A_389 = arith.index_cast %add3A_288 : i32 to index
      %get3A_390 = arith.constant 112 : index
      %get3A_391 = tpu.vector_load %arg14[%get3A_389, %get3A_390] {strides = array<i32>} : memref<64x128xf32, #tpu.memory_space<vmem>>, vector<1x16xf32>,
      %get3A_392 = vector.shape_cast %get3A_391 : vector<1x16xf32> to vector<1x16xf32>
      %mul3A_393 = arith.mulf %get3A_388, %get3A_392 : vector<1x16xf32>
      %swap3A_394 = arith.index_cast %add3A_288 : i32 to index
      %swap3A_395 = arith.constant 112 : index
      %swap3A_396 = tpu.vector_load %arg23[%swap3A_394, %swap3A_395] {strides = array<i32>} : memref<64x128xf32, #tpu.memory_space<vmem>>, vector<1x16xf32>,
      %swap3A_397 = vector.shape_cast %swap3A_396 : vector<1x16xf32> to vector<1x16xf32>
      %swap3A_398 = vector.shape_cast %mul3A_393 : vector<1x16xf32> to vector<1x16xf32>
      tpu.vector_store %arg23[%swap3A_394, %swap3A_395], %swap3A_398 {strides = array<i32>} : memref<64x128xf32, #tpu.memory_space<vmem>>, vector<1x16xf32>,
    }
    %scan3A_225 = arith.constant 64 : i32
    %dma_start3A_226 = arith.constant 0 : i32
    %dma_start3A_227 = tpu.memref_slice %arg6[%add3A_210, %dma_start3A_226] : memref<8192x128xf32, #tpu.memory_space<hbm>> -> memref<64x128xf32, #tpu.memory_space<hbm>>
    %dma_start3A_228 = arith.constant 0 : i32
    %dma_start3A_229 = tpu.memref_slice %arg6[%add3A_210, %dma_start3A_228] : memref<8192x128xf32, #tpu.memory_space<hbm>> -> memref<64x128xf32, #tpu.memory_space<hbm>>
    tpu.enqueue_dma source(%arg23 : memref<64x128xf32, #tpu.memory_space<vmem>>) target(%dma_start3A_229 : memref<64x128xf32, #tpu.memory_space<hbm>>) target_semaphore(%arg53 : memref<!tpu.dma_semaphore, #tpu.memory_space<semaphore_mem>>)
    %dma_wait3A_230 = arith.constant 192 : i32
    %dma_wait3A_231 = tpu.memref_slice %arg9[%dma_wait3A_230] : memref<256xi32, #tpu.memory_space<vmem>> -> memref<64xi32, #tpu.memory_space<vmem>>
    %dma_wait3A_232 = arith.constant 0 : i32
    %dma_wait3A_233 = arith.constant 0 : i32
    %dma_wait3A_234 = tpu.memref_slice %arg3[%dma_wait3A_232, %dma_wait3A_233] : memref<100000x128xf32, #tpu.memory_space<hbm>> -> memref<100000x128xf32, #tpu.memory_space<hbm>>
    tpu.wait_indirect_dma semaphore(%arg32 : memref<!tpu.dma_semaphore, #tpu.memory_space<semaphore_mem>>) src(%dma_wait3A_234 : memref<100000x128xf32, #tpu.memory_space<hbm>>) dst(%arg17 : memref<64x128xf32, #tpu.memory_space<vmem>>)
    %dma_start3A_235 = arith.constant 0 : i32
    %dma_start3A_236 = tpu.memref_slice %arg7[%add3A_210, %dma_start3A_235] : memref<8192x128xf32, #tpu.memory_space<hbm>> -> memref<64x128xf32, #tpu.memory_space<hbm>>
    %dma_start3A_237 = arith.constant 0 : i32
    %dma_start3A_238 = tpu.memref_slice %arg7[%add3A_210, %dma_start3A_237] : memref<8192x128xf32, #tpu.memory_space<hbm>> -> memref<64x128xf32, #tpu.memory_space<hbm>>
    tpu.enqueue_dma source(%arg17 : memref<64x128xf32, #tpu.memory_space<vmem>>) target(%dma_start3A_238 : memref<64x128xf32, #tpu.memory_space<hbm>>) target_semaphore(%arg47 : memref<!tpu.dma_semaphore, #tpu.memory_space<semaphore_mem>>)
    %dma_wait3A_239 = arith.constant 192 : i32
    %dma_wait3A_240 = tpu.memref_slice %arg10[%dma_wait3A_239] : memref<256xi32, #tpu.memory_space<vmem>> -> memref<64xi32, #tpu.memory_space<vmem>>
    %dma_wait3A_241 = arith.constant 0 : i32
    %dma_wait3A_242 = arith.constant 0 : i32
    %dma_wait3A_243 = tpu.memref_slice %arg3[%dma_wait3A_241, %dma_wait3A_242] : memref<100000x128xf32, #tpu.memory_space<hbm>> -> memref<100000x128xf32, #tpu.memory_space<hbm>>
    tpu.wait_indirect_dma semaphore(%arg35 : memref<!tpu.dma_semaphore, #tpu.memory_space<semaphore_mem>>) src(%dma_wait3A_243 : memref<100000x128xf32, #tpu.memory_space<hbm>>) dst(%arg20 : memref<64x128xf32, #tpu.memory_space<vmem>>)
    %dma_start3A_244 = arith.constant 0 : i32
    %dma_start3A_245 = tpu.memref_slice %arg8[%add3A_210, %dma_start3A_244] : memref<8192x128xf32, #tpu.memory_space<hbm>> -> memref<64x128xf32, #tpu.memory_space<hbm>>
    %dma_start3A_246 = arith.constant 0 : i32
    %dma_start3A_247 = tpu.memref_slice %arg8[%add3A_210, %dma_start3A_246] : memref<8192x128xf32, #tpu.memory_space<hbm>> -> memref<64x128xf32, #tpu.memory_space<hbm>>
    tpu.enqueue_dma source(%arg20 : memref<64x128xf32, #tpu.memory_space<vmem>>) target(%dma_start3A_247 : memref<64x128xf32, #tpu.memory_space<hbm>>) target_semaphore(%arg50 : memref<!tpu.dma_semaphore, #tpu.memory_space<semaphore_mem>>)
    %dma_wait3A_248 = arith.constant 0 : i32
    %dma_wait3A_249 = tpu.memref_slice %arg6[%add3A_132, %dma_wait3A_248] : memref<8192x128xf32, #tpu.memory_space<hbm>> -> memref<64x128xf32, #tpu.memory_space<hbm>>
    %dma_wait3A_250 = arith.constant 0 : i32
    %dma_wait3A_251 = tpu.memref_slice %arg6[%add3A_132, %dma_wait3A_250] : memref<8192x128xf32, #tpu.memory_space<hbm>> -> memref<64x128xf32, #tpu.memory_space<hbm>>
    tpu.wait_dma2 semaphore(%arg54 : memref<!tpu.dma_semaphore, #tpu.memory_space<semaphore_mem>>) src(%arg24 : memref<64x128xf32, #tpu.memory_space<vmem>>) dst(%dma_wait3A_251 : memref<64x128xf32, #tpu.memory_space<hbm>>)
    %dma_wait3A_252 = arith.constant 0 : i32
    %dma_wait3A_253 = tpu.memref_slice %arg7[%add3A_132, %dma_wait3A_252] : memref<8192x128xf32, #tpu.memory_space<hbm>> -> memref<64x128xf32, #tpu.memory_space<hbm>>
    %dma_wait3A_254 = arith.constant 0 : i32
    %dma_wait3A_255 = tpu.memref_slice %arg7[%add3A_132, %dma_wait3A_254] : memref<8192x128xf32, #tpu.memory_space<hbm>> -> memref<64x128xf32, #tpu.memory_space<hbm>>
    tpu.wait_dma2 semaphore(%arg48 : memref<!tpu.dma_semaphore, #tpu.memory_space<semaphore_mem>>) src(%arg18 : memref<64x128xf32, #tpu.memory_space<vmem>>) dst(%dma_wait3A_255 : memref<64x128xf32, #tpu.memory_space<hbm>>)
    %dma_wait3A_256 = arith.constant 0 : i32
    %dma_wait3A_257 = tpu.memref_slice %arg8[%add3A_132, %dma_wait3A_256] : memref<8192x128xf32, #tpu.memory_space<hbm>> -> memref<64x128xf32, #tpu.memory_space<hbm>>
    %dma_wait3A_258 = arith.constant 0 : i32
    %dma_wait3A_259 = tpu.memref_slice %arg8[%add3A_132, %dma_wait3A_258] : memref<8192x128xf32, #tpu.memory_space<hbm>> -> memref<64x128xf32, #tpu.memory_space<hbm>>
    tpu.wait_dma2 semaphore(%arg51 : memref<!tpu.dma_semaphore, #tpu.memory_space<semaphore_mem>>) src(%arg21 : memref<64x128xf32, #tpu.memory_space<vmem>>) dst(%dma_wait3A_259 : memref<64x128xf32, #tpu.memory_space<hbm>>)
    %dma_wait3A_260 = arith.constant 0 : i32
    %dma_wait3A_261 = tpu.memref_slice %arg6[%add3A_171, %dma_wait3A_260] : memref<8192x128xf32, #tpu.memory_space<hbm>> -> memref<64x128xf32, #tpu.memory_space<hbm>>
    %dma_wait3A_262 = arith.constant 0 : i32
    %dma_wait3A_263 = tpu.memref_slice %arg6[%add3A_171, %dma_wait3A_262] : memref<8192x128xf32, #tpu.memory_space<hbm>> -> memref<64x128xf32, #tpu.memory_space<hbm>>
    tpu.wait_dma2 semaphore(%arg55 : memref<!tpu.dma_semaphore, #tpu.memory_space<semaphore_mem>>) src(%arg25 : memref<64x128xf32, #tpu.memory_space<vmem>>) dst(%dma_wait3A_263 : memref<64x128xf32, #tpu.memory_space<hbm>>)
    %dma_wait3A_264 = arith.constant 0 : i32
    %dma_wait3A_265 = tpu.memref_slice %arg7[%add3A_171, %dma_wait3A_264] : memref<8192x128xf32, #tpu.memory_space<hbm>> -> memref<64x128xf32, #tpu.memory_space<hbm>>
    %dma_wait3A_266 = arith.constant 0 : i32
    %dma_wait3A_267 = tpu.memref_slice %arg7[%add3A_171, %dma_wait3A_266] : memref<8192x128xf32, #tpu.memory_space<hbm>> -> memref<64x128xf32, #tpu.memory_space<hbm>>
    tpu.wait_dma2 semaphore(%arg49 : memref<!tpu.dma_semaphore, #tpu.memory_space<semaphore_mem>>) src(%arg19 : memref<64x128xf32, #tpu.memory_space<vmem>>) dst(%dma_wait3A_267 : memref<64x128xf32, #tpu.memory_space<hbm>>)
    %dma_wait3A_268 = arith.constant 0 : i32
    %dma_wait3A_269 = tpu.memref_slice %arg8[%add3A_171, %dma_wait3A_268] : memref<8192x128xf32, #tpu.memory_space<hbm>> -> memref<64x128xf32, #tpu.memory_space<hbm>>
    %dma_wait3A_270 = arith.constant 0 : i32
    %dma_wait3A_271 = tpu.memref_slice %arg8[%add3A_171, %dma_wait3A_270] : memref<8192x128xf32, #tpu.memory_space<hbm>> -> memref<64x128xf32, #tpu.memory_space<hbm>>
    tpu.wait_dma2 semaphore(%arg52 : memref<!tpu.dma_semaphore, #tpu.memory_space<semaphore_mem>>) src(%arg22 : memref<64x128xf32, #tpu.memory_space<vmem>>) dst(%dma_wait3A_271 : memref<64x128xf32, #tpu.memory_space<hbm>>)
    %dma_wait3A_272 = arith.constant 0 : i32
    %dma_wait3A_273 = tpu.memref_slice %arg6[%add3A_210, %dma_wait3A_272] : memref<8192x128xf32, #tpu.memory_space<hbm>> -> memref<64x128xf32, #tpu.memory_space<hbm>>
    %dma_wait3A_274 = arith.constant 0 : i32
    %dma_wait3A_275 = tpu.memref_slice %arg6[%add3A_210, %dma_wait3A_274] : memref<8192x128xf32, #tpu.memory_space<hbm>> -> memref<64x128xf32, #tpu.memory_space<hbm>>
    tpu.wait_dma2 semaphore(%arg53 : memref<!tpu.dma_semaphore, #tpu.memory_space<semaphore_mem>>) src(%arg23 : memref<64x128xf32, #tpu.memory_space<vmem>>) dst(%dma_wait3A_275 : memref<64x128xf32, #tpu.memory_space<hbm>>)
    %dma_wait3A_276 = arith.constant 0 : i32
    %dma_wait3A_277 = tpu.memref_slice %arg7[%add3A_210, %dma_wait3A_276] : memref<8192x128xf32, #tpu.memory_space<hbm>> -> memref<64x128xf32, #tpu.memory_space<hbm>>
    %dma_wait3A_278 = arith.constant 0 : i32
    %dma_wait3A_279 = tpu.memref_slice %arg7[%add3A_210, %dma_wait3A_278] : memref<8192x128xf32, #tpu.memory_space<hbm>> -> memref<64x128xf32, #tpu.memory_space<hbm>>
    tpu.wait_dma2 semaphore(%arg47 : memref<!tpu.dma_semaphore, #tpu.memory_space<semaphore_mem>>) src(%arg17 : memref<64x128xf32, #tpu.memory_space<vmem>>) dst(%dma_wait3A_279 : memref<64x128xf32, #tpu.memory_space<hbm>>)
    %dma_wait3A_280 = arith.constant 0 : i32
    %dma_wait3A_281 = tpu.memref_slice %arg8[%add3A_210, %dma_wait3A_280] : memref<8192x128xf32, #tpu.memory_space<hbm>> -> memref<64x128xf32, #tpu.memory_space<hbm>>
    %dma_wait3A_282 = arith.constant 0 : i32
    %dma_wait3A_283 = tpu.memref_slice %arg8[%add3A_210, %dma_wait3A_282] : memref<8192x128xf32, #tpu.memory_space<hbm>> -> memref<64x128xf32, #tpu.memory_space<hbm>>
    tpu.wait_dma2 semaphore(%arg50 : memref<!tpu.dma_semaphore, #tpu.memory_space<semaphore_mem>>) src(%arg20 : memref<64x128xf32, #tpu.memory_space<vmem>>) dst(%dma_wait3A_283 : memref<64x128xf32, #tpu.memory_space<hbm>>)
    return
  }
}

module attributes {stable_mosaic.version = 14 : i64} {
  func.func @_tc_body(%arg0: i32, %arg1: memref<2048x128xf32, #tpu.memory_space<vmem>>, %arg2: memref<2048x128xf32, #tpu.memory_space<vmem>>, %arg3: memref<2048x128xf32, #tpu.memory_space<vmem>>, %arg4: memref<128x128xf32, #tpu.memory_space<vmem>>, %arg5: memref<128x128xf32, #tpu.memory_space<vmem>>, %arg6: memref<1x128xf32, #tpu.memory_space<vmem>>, %arg7: memref<128x64xf32, #tpu.memory_space<vmem>>, %arg8: memref<1x64xf32, #tpu.memory_space<vmem>>, %arg9: memref<64x32xf32, #tpu.memory_space<vmem>>, %arg10: memref<1x32xf32, #tpu.memory_space<vmem>>, %arg11: memref<1x128xf32, #tpu.memory_space<vmem>>, %arg12: memref<1x32xf32, #tpu.memory_space<vmem>>, %arg13: memref<1x1xf32, #tpu.memory_space<vmem>>, %arg14: memref<1x2048xf32, #tpu.memory_space<vmem>>) attributes {dimension_semantics = [#tpu.dimension_semantics<parallel>], iteration_bounds = array<i64: 4>, scalar_prefetch = 0 : i64, scratch_operands = 0 : i64, tpu.core_type = #tpu.core_type<tc>, window_params = [{transform_indices = @transform_0, window_bounds = array<i64: 2048, 128>}, {transform_indices = @transform_1, window_bounds = array<i64: 2048, 128>}, {transform_indices = @transform_2, window_bounds = array<i64: 2048, 128>}, {pipeline_mode = #tpu.pipeline_mode<synchronous>, transform_indices = @transform_3, window_bounds = array<i64: 128, 128>}, {pipeline_mode = #tpu.pipeline_mode<synchronous>, transform_indices = @transform_4, window_bounds = array<i64: 128, 128>}, {pipeline_mode = #tpu.pipeline_mode<synchronous>, transform_indices = @transform_5, window_bounds = array<i64: 1, 128>}, {pipeline_mode = #tpu.pipeline_mode<synchronous>, transform_indices = @transform_6, window_bounds = array<i64: 128, 64>}, {pipeline_mode = #tpu.pipeline_mode<synchronous>, transform_indices = @transform_7, window_bounds = array<i64: 1, 64>}, {pipeline_mode = #tpu.pipeline_mode<synchronous>, transform_indices = @transform_8, window_bounds = array<i64: 64, 32>}, {pipeline_mode = #tpu.pipeline_mode<synchronous>, transform_indices = @transform_9, window_bounds = array<i64: 1, 32>}, {pipeline_mode = #tpu.pipeline_mode<synchronous>, transform_indices = @transform_10, window_bounds = array<i64: 1, 128>}, {pipeline_mode = #tpu.pipeline_mode<synchronous>, transform_indices = @transform_11, window_bounds = array<i64: 1, 32>}, {pipeline_mode = #tpu.pipeline_mode<synchronous>, transform_indices = @transform_12, window_bounds = array<i64: 1, 1>}, {transform_indices = @transform_13, window_bounds = array<i64: 1, 2048>}]} {
    %get3A = arith.constant 0 : index
    %get3A_0 = arith.constant 0 : index
    %get3A_1 = vector.load %arg2[%get3A, %get3A_0] : memref<2048x128xf32, #tpu.memory_space<vmem>>, vector<2048x128xf32>
    %get3A_2 = arith.constant 0 : index
    %get3A_3 = arith.constant 0 : index
    %get3A_4 = vector.load %arg4[%get3A_2, %get3A_3] : memref<128x128xf32, #tpu.memory_space<vmem>>, vector<128x128xf32>
    %convert_element_type3A = arith.truncf %get3A_1 : vector<2048x128xf32> to vector<2048x128xbf16>
    %convert_element_type3A_5 = arith.truncf %get3A_4 : vector<128x128xf32> to vector<128x128xbf16>
    %dot_general3A = arith.constant dense<0.000000e+00> : vector<2048x128xf32>
    %dot_general3A_6 = tpu.matmul %convert_element_type3A, %convert_element_type3A_5, %dot_general3A {dimension_numbers = #tpu.dot_dimension_numbers<[1], [0], [0], [1], [0, 0, 1, 1], [], []>, transpose_lhs_hint = false} : vector<2048x128xbf16>, vector<128x128xbf16>, vector<2048x128xf32> -> vector<2048x128xf32>
    %get3A_7 = arith.constant 0 : index
    %get3A_8 = arith.constant 0 : index
    %get3A_9 = vector.load %arg3[%get3A_7, %get3A_8] : memref<2048x128xf32, #tpu.memory_space<vmem>>, vector<2048x128xf32>
    %get3A_10 = arith.constant 0 : index
    %get3A_11 = arith.constant 0 : index
    %get3A_12 = vector.load %arg5[%get3A_10, %get3A_11] : memref<128x128xf32, #tpu.memory_space<vmem>>, vector<128x128xf32>
    %convert_element_type3A_13 = arith.truncf %get3A_9 : vector<2048x128xf32> to vector<2048x128xbf16>
    %convert_element_type3A_14 = arith.truncf %get3A_12 : vector<128x128xf32> to vector<128x128xbf16>
    %dot_general3A_15 = arith.constant dense<0.000000e+00> : vector<2048x128xf32>
    %dot_general3A_16 = tpu.matmul %convert_element_type3A_13, %convert_element_type3A_14, %dot_general3A_15 {dimension_numbers = #tpu.dot_dimension_numbers<[1], [0], [0], [1], [0, 0, 1, 1], [], []>, transpose_lhs_hint = false} : vector<2048x128xbf16>, vector<128x128xbf16>, vector<2048x128xf32> -> vector<2048x128xf32>
    %add3A = arith.addf %dot_general3A_6, %dot_general3A_16 : vector<2048x128xf32>
    %get3A_17 = arith.constant 0 : index
    %get3A_18 = arith.constant 0 : index
    %get3A_19 = vector.load %arg6[%get3A_17, %get3A_18] : memref<1x128xf32, #tpu.memory_space<vmem>>, vector<1x128xf32>
    %add3A_20 = vector.broadcast %get3A_19 : vector<1x128xf32> to vector<2048x128xf32>
    %add3A_21 = arith.addf %add3A, %add3A_20 : vector<2048x128xf32>
    %max3A = arith.constant 0.000000e+00 : f32
    %max3A_22 = vector.broadcast %max3A : f32 to vector<2048x128xf32>
    %max3A_23 = arith.maximumf %add3A_21, %max3A_22 : vector<2048x128xf32>
    %get3A_24 = arith.constant 0 : index
    %get3A_25 = arith.constant 0 : index
    %get3A_26 = vector.load %arg7[%get3A_24, %get3A_25] : memref<128x64xf32, #tpu.memory_space<vmem>>, vector<128x64xf32>
    %convert_element_type3A_27 = arith.truncf %max3A_23 : vector<2048x128xf32> to vector<2048x128xbf16>
    %convert_element_type3A_28 = arith.truncf %get3A_26 : vector<128x64xf32> to vector<128x64xbf16>
    %dot_general3A_29 = arith.constant dense<0.000000e+00> : vector<2048x64xf32>
    %dot_general3A_30 = tpu.matmul %convert_element_type3A_27, %convert_element_type3A_28, %dot_general3A_29 {dimension_numbers = #tpu.dot_dimension_numbers<[1], [0], [0], [1], [0, 0, 1, 1], [], []>, transpose_lhs_hint = false} : vector<2048x128xbf16>, vector<128x64xbf16>, vector<2048x64xf32> -> vector<2048x64xf32>
    %get3A_31 = arith.constant 0 : index
    %get3A_32 = arith.constant 0 : index
    %get3A_33 = vector.load %arg8[%get3A_31, %get3A_32] : memref<1x64xf32, #tpu.memory_space<vmem>>, vector<1x64xf32>
    %add3A_34 = vector.broadcast %get3A_33 : vector<1x64xf32> to vector<2048x64xf32>
    %add3A_35 = arith.addf %dot_general3A_30, %add3A_34 : vector<2048x64xf32>
    %max3A_36 = arith.constant 0.000000e+00 : f32
    %max3A_37 = vector.broadcast %max3A_36 : f32 to vector<2048x64xf32>
    %max3A_38 = arith.maximumf %add3A_35, %max3A_37 : vector<2048x64xf32>
    %get3A_39 = arith.constant 0 : index
    %get3A_40 = arith.constant 0 : index
    %get3A_41 = vector.load %arg9[%get3A_39, %get3A_40] : memref<64x32xf32, #tpu.memory_space<vmem>>, vector<64x32xf32>
    %convert_element_type3A_42 = arith.truncf %max3A_38 : vector<2048x64xf32> to vector<2048x64xbf16>
    %convert_element_type3A_43 = arith.truncf %get3A_41 : vector<64x32xf32> to vector<64x32xbf16>
    %dot_general3A_44 = arith.constant dense<0.000000e+00> : vector<2048x32xf32>
    %dot_general3A_45 = tpu.matmul %convert_element_type3A_42, %convert_element_type3A_43, %dot_general3A_44 {dimension_numbers = #tpu.dot_dimension_numbers<[1], [0], [0], [1], [0, 0, 1, 1], [], []>, transpose_lhs_hint = false} : vector<2048x64xbf16>, vector<64x32xbf16>, vector<2048x32xf32> -> vector<2048x32xf32>
    %get3A_46 = arith.constant 0 : index
    %get3A_47 = arith.constant 0 : index
    %get3A_48 = vector.load %arg10[%get3A_46, %get3A_47] : memref<1x32xf32, #tpu.memory_space<vmem>>, vector<1x32xf32>
    %add3A_49 = vector.broadcast %get3A_48 : vector<1x32xf32> to vector<2048x32xf32>
    %add3A_50 = arith.addf %dot_general3A_45, %add3A_49 : vector<2048x32xf32>
    %max3A_51 = arith.constant 0.000000e+00 : f32
    %max3A_52 = vector.broadcast %max3A_51 : f32 to vector<2048x32xf32>
    %max3A_53 = arith.maximumf %add3A_50, %max3A_52 : vector<2048x32xf32>
    %get3A_54 = arith.constant 0 : index
    %get3A_55 = arith.constant 0 : index
    %get3A_56 = vector.load %arg11[%get3A_54, %get3A_55] : memref<1x128xf32, #tpu.memory_space<vmem>>, vector<1x128xf32>
    %get3A_57 = arith.constant 0 : index
    %get3A_58 = arith.constant 0 : index
    %get3A_59 = vector.load %arg1[%get3A_57, %get3A_58] : memref<2048x128xf32, #tpu.memory_space<vmem>>, vector<2048x128xf32>
    %dot_general3A_60 = arith.constant dense<0.000000e+00> : vector<1x2048xf32>
    %dot_general3A_61 = tpu.matmul %get3A_56, %get3A_59, %dot_general3A_60 {dimension_numbers = #tpu.dot_dimension_numbers<[1], [1], [0], [0], [0, 0, 1, 0], [], []>, transpose_lhs_hint = false} : vector<1x128xf32>, vector<2048x128xf32>, vector<1x2048xf32> -> vector<1x2048xf32>
    %get3A_62 = arith.constant 0 : index
    %get3A_63 = arith.constant 0 : index
    %get3A_64 = vector.load %arg12[%get3A_62, %get3A_63] : memref<1x32xf32, #tpu.memory_space<vmem>>, vector<1x32xf32>
    %dot_general3A_65 = arith.constant dense<0.000000e+00> : vector<1x2048xf32>
    %dot_general3A_66 = tpu.matmul %get3A_64, %max3A_53, %dot_general3A_65 {dimension_numbers = #tpu.dot_dimension_numbers<[1], [1], [0], [0], [0, 0, 1, 0], [], []>, transpose_lhs_hint = false} : vector<1x32xf32>, vector<2048x32xf32>, vector<1x2048xf32> -> vector<1x2048xf32>
    %add3A_67 = arith.addf %dot_general3A_61, %dot_general3A_66 : vector<1x2048xf32>
    %get3A_68 = arith.constant 0 : index
    %get3A_69 = arith.constant 0 : index
    %get3A_70 = vector.load %arg13[%get3A_68, %get3A_69] : memref<1x1xf32, #tpu.memory_space<vmem>>, vector<1x1xf32>
    %add3A_71 = vector.broadcast %get3A_70 : vector<1x1xf32> to vector<1x2048xf32>
    %add3A_72 = arith.addf %add3A_67, %add3A_71 : vector<1x2048xf32>
    %logistic3A = arith.negf %add3A_72 : vector<1x2048xf32>
    %logistic3A_73 = math.exp %logistic3A : vector<1x2048xf32>
    %logistic3A_74 = arith.constant 1.000000e+00 : f32
    %logistic3A_75 = vector.broadcast %logistic3A_74 : f32 to vector<1x2048xf32>
    %logistic3A_76 = arith.addf %logistic3A_75, %logistic3A_73 : vector<1x2048xf32>
    %logistic3A_77 = arith.divf %logistic3A_75, %logistic3A_76 : vector<1x2048xf32>
    %swap3A = arith.constant 0 : index
    %swap3A_78 = arith.constant 0 : index
    %swap3A_79 = vector.load %arg14[%swap3A, %swap3A_78] : memref<1x2048xf32, #tpu.memory_space<vmem>>, vector<1x2048xf32>
    tpu.vector_store %arg14[%swap3A, %swap3A_78], %logistic3A_77 {strides = array<i32>} : memref<1x2048xf32, #tpu.memory_space<vmem>>, vector<1x2048xf32>,
    return
  }
  func.func @transform_0(%arg0: i32) -> (i32, i32) {
    %c0_i32 = arith.constant 0 : i32
    %c0_i32_0 = arith.constant 0 : i32
    return %arg0, %c0_i32 : i32, i32
  }
  func.func @transform_1(%arg0: i32) -> (i32, i32) {
    %c0_i32 = arith.constant 0 : i32
    %c0_i32_0 = arith.constant 0 : i32
    return %arg0, %c0_i32 : i32, i32
  }
  func.func @transform_2(%arg0: i32) -> (i32, i32) {
    %c0_i32 = arith.constant 0 : i32
    %c0_i32_0 = arith.constant 0 : i32
    return %arg0, %c0_i32 : i32, i32
  }
  func.func @transform_3(%arg0: i32) -> (i32, i32) {
    %c0_i32 = arith.constant 0 : i32
    %c0_i32_0 = arith.constant 0 : i32
    %c0_i32_1 = arith.constant 0 : i32
    return %c0_i32, %c0_i32_0 : i32, i32
  }
  func.func @transform_4(%arg0: i32) -> (i32, i32) {
    %c0_i32 = arith.constant 0 : i32
    %c0_i32_0 = arith.constant 0 : i32
    %c0_i32_1 = arith.constant 0 : i32
    return %c0_i32, %c0_i32_0 : i32, i32
  }
  func.func @transform_5(%arg0: i32) -> (i32, i32) {
    %c0_i32 = arith.constant 0 : i32
    %c0_i32_0 = arith.constant 0 : i32
    %c0_i32_1 = arith.constant 0 : i32
    return %c0_i32, %c0_i32_0 : i32, i32
  }
  func.func @transform_6(%arg0: i32) -> (i32, i32) {
    %c0_i32 = arith.constant 0 : i32
    %c0_i32_0 = arith.constant 0 : i32
    %c0_i32_1 = arith.constant 0 : i32
    return %c0_i32, %c0_i32_0 : i32, i32
  }
  func.func @transform_7(%arg0: i32) -> (i32, i32) {
    %c0_i32 = arith.constant 0 : i32
    %c0_i32_0 = arith.constant 0 : i32
    %c0_i32_1 = arith.constant 0 : i32
    return %c0_i32, %c0_i32_0 : i32, i32
  }
  func.func @transform_8(%arg0: i32) -> (i32, i32) {
    %c0_i32 = arith.constant 0 : i32
    %c0_i32_0 = arith.constant 0 : i32
    %c0_i32_1 = arith.constant 0 : i32
    return %c0_i32, %c0_i32_0 : i32, i32
  }
  func.func @transform_9(%arg0: i32) -> (i32, i32) {
    %c0_i32 = arith.constant 0 : i32
    %c0_i32_0 = arith.constant 0 : i32
    %c0_i32_1 = arith.constant 0 : i32
    return %c0_i32, %c0_i32_0 : i32, i32
  }
  func.func @transform_10(%arg0: i32) -> (i32, i32) {
    %c0_i32 = arith.constant 0 : i32
    %c0_i32_0 = arith.constant 0 : i32
    %c0_i32_1 = arith.constant 0 : i32
    return %c0_i32, %c0_i32_0 : i32, i32
  }
  func.func @transform_11(%arg0: i32) -> (i32, i32) {
    %c0_i32 = arith.constant 0 : i32
    %c0_i32_0 = arith.constant 0 : i32
    %c0_i32_1 = arith.constant 0 : i32
    return %c0_i32, %c0_i32_0 : i32, i32
  }
  func.func @transform_12(%arg0: i32) -> (i32, i32) {
    %c0_i32 = arith.constant 0 : i32
    %c0_i32_0 = arith.constant 0 : i32
    %c0_i32_1 = arith.constant 0 : i32
    return %c0_i32, %c0_i32_0 : i32, i32
  }
  func.func @transform_13(%arg0: i32) -> (i32, i32) {
    %c0_i32 = arith.constant 0 : i32
    %c0_i32_0 = arith.constant 0 : i32
    return %c0_i32, %arg0 : i32, i32
  }
}

</mosaic_0001>

<sc_bundles>
// kernel: kernel.6.cloned.1.call-start
scs
__scs_entry_jumppad:
0x0: {  	(pc) =	sbr.rel $0x88, $3  }
0x1: {  	(tag) =	ssettag $0x0;
	lr =	simm.s32 $0x1  }
0x2: {  	[smem:$0x3F96] =	sst lr;
	_ =	strace $0xD0000000  }
0x3: {  	_ = 	snop  }
0x4: {  	_ = 	snop  }
0x5: {  	_ = 	snop  }
0x6: {  	_ = 	snop  }
0x7: {  	_ = 	snop  }
__scs_overlays_trampoline_lowered:
0x8: {  	[smem:$0x3FA5] =	sst s0  }
0x9: {  	[smem:$0x3FA6] =	sst s1  }
0xa: {  	[smem:$0x3FA7] =	sst s2  }
0xb: {  	[smem:$0x3FA8] =	sst s3  }
0xc: {  	[smem:$0x3FA9] =	sst s4  }
0xd: {  	[smem:$0x3FAA] =	sst s5  }
0xe: {  	[smem:$0x3FAB] =	sst s6  }
0xf: {  	[smem:$0x3FAC] =	sst s7  }
0x10: {  	[smem:$0x3FAD] =	sst s8  }
0x11: {  	[smem:$0x3FAE] =	sst s9;
	s0 =	simm.s32 @!p0 $0x0  }
0x12: {  	s1 =	sld [smem:$0x3F94];
	s0 =	simm.s32 @p0 $0x1  }
0x13: {  	[smem:$0x3FAF] =	sst s0;
	s0 =	simm.s32 @!p1 $0x0  }
0x14: {  	s2 =	sld [smem:$0x3F93];
	s0 =	simm.s32 @p1 $0x1  }
0x15: {  	[smem:$0x3FB0] =	sst s0;
	s0 =	simm.s32 @!p2 $0x0  }
0x16: {  	s3 =	sld [smem:$0x3FDB];
	s0 =	simm.s32 @p2 $0x1  }
0x17: {  	s4 =	simm.s32 $0x1BF5;
	[smem:$0x3FB2] =	sst s0  }
0x18: {  	s0 =	sld [smem:$0x3F95];
	_ =	swait.ge [sflag:s4], $0x0  }
0x19: {  	s7 =	sld [smem:$0x3F96]  }
0x1a: {  	s8 =	sadd.s32 $0xFFFFE003, lr  }
0x1b: {  	s9 =	sadd.s32 $0xFFFFFEF7, lr;
	s5 =	simm.s32 $0xFFFFFFFF;
	p2 =	slt.u32 s8, $0xFFFFF086  }
0x1c: {  	p1 =	slt.u32 s9, $0xF7A;
	s5 =	simm.s32 @!p2 $0x0  }
0x1d: {  	s5 =	simm.s32 @p1 $0x1;
	p0 =	seq.s32 s7, s2  }
0x1e: {  	s7 =	smul.u32 @!p0 $0xF7A, s2;
	p2 =	seq.s32 @!p0 s5, $0x0  }
0x1f: {  	s9 =	smul.u32 $0xF7A, s1;
	s8 =	simm.s32 @!p0 $0x1BF5;
	p2 =	por !p2, p0  }
0x20: {  	[sflag:s8] =	ssyncset.s32 @!p0 $0xFFFFF086;
	s6 =	sadd.s32 @!p0 s3, s7;
	s7 =	simm.s32 @!p0 $0x108  }
0x21: {  	s3 =	sadd.s32 s3, s9;
	s6 =	sadd.s32 @!p0 $0x88, s6;
	s7 =	simm.s32 @p2 $0x1082  }
0x22: {  	[simem:s7], [sflag:s8] =	dma.local @!p0 [hbm:s6], $0xF7A  }
0x23: {  	s9 =	sor.u32 $0xD0000000, s2;
	s6 =	simm.s32 $0x108;
	_ =	swait.ge @!p0 [sflag:s8], $0x0  }
0x24: {  	s3 =	sadd.s32 $0x88, s3;
	s6 =	simm.s32 @!p1 $0x1082;
	[sflag:s4] =	ssyncset.s32 $0xFFFFF086  }
0x25: {  	[simem:s6], [sflag:s4] =	dma.local [hbm:s3], $0xF7A  }
0x26: {  	[smem:$0x3F96] =	sst s1;
	(tag) =	ssettag s2;
	_ =	strace s9  }
0x27: {  	s1 =	sld [smem:$0x3FA6]  }
0x28: {  	s2 =	sld [smem:$0x3FA7]  }
0x29: {  	s4 =	sld [smem:$0x3FA9]  }
0x2a: {  	p0 =	seq.s32 s5, $0x0;
	s5 =	sld [smem:$0x3FAA]  }
0x2b: {  	s6 =	sld [smem:$0x3FAB]  }
0x2c: {  	s7 =	sld [smem:$0x3FAC]  }
0x2d: {  	s3 =	simm.s32 $0x108;
	s8 =	sld [smem:$0x3FAD]  }
0x2e: {  	s3 =	simm.s32 @!p0 $0x1082;
	s9 =	sld [smem:$0x3FAE]  }
0x2f: {  	lr =	sadd.s32 s0, s3;
	s0 =	sld [smem:$0x3FA5]  }
0x30: {  	s3 =	sld [smem:$0x3FA8]  }
0x31: {  	[smem:$0x3FB1] =	sst s10  }
0x32: {  	s10 =	sld [smem:$0x3FAF];
	_ =	sdelay $0x3  }
0x33: {  	p0 =	seq.s32 s10, $0x1;
	s10 =	sld [smem:$0x3FB1];
	_ =	sdelay $0x3  }
0x34: {  	[smem:$0x3FB1] =	sst s10  }
0x35: {  	s10 =	sld [smem:$0x3FB0];
	_ =	sdelay $0x3  }
0x36: {  	p1 =	seq.s32 s10, $0x1;
	s10 =	sld [smem:$0x3FB1];
	_ =	sdelay $0x3  }
0x37: {  	[smem:$0x3FB1] =	sst s10  }
0x38: {  	s10 =	sld [smem:$0x3FB2]  }
0x39: {  	_ = 	snop;
	(pc) =	sbr.ind lr, $3  }
0x3a: {  	_ = 	snop  }
0x3b: {  	_ = 	snop  }
0x3c: {  	p2 =	seq.s32 s10, $0x1;
	s10 =	sld [smem:$0x3FB1]  }
0x3d: {  	_ =	shalt  }
0x3e: {  	_ =	shalt  }
0x3f: {  	_ =	shalt  }
0x40: {  	_ =	shalt  }
0x41: {  	_ =	shalt  }
0x42: {  	_ =	shalt  }
0x43: {  	_ =	shalt  }
0x44: {  	_ =	shalt  }
0x45: {  	_ =	shalt  }
0x46: {  	_ =	shalt  }
0x47: {  	_ =	shalt  }
0x48: {  	_ =	shalt  }
0x49: {  	_ =	shalt  }
0x4a: {  	_ =	shalt  }
0x4b: {  	_ =	shalt  }
0x4c: {  	_ =	shalt  }
0x4d: {  	_ =	shalt  }
0x4e: {  	_ =	shalt  }
0x4f: {  	_ =	shalt  }
0x50: {  	_ =	shalt  }
0x51: {  	_ =	shalt  }
0x52: {  	_ =	shalt  }
0x53: {  	_ =	shalt  }
0x54: {  	_ =	shalt  }
0x55: {  	_ =	shalt  }
0x56: {  	_ =	shalt  }
0x57: {  	_ =	shalt  }
0x58: {  	_ =	shalt  }
0x59: {  	_ =	shalt  }
0x5a: {  	_ =	shalt  }
0x5b: {  	_ =	shalt  }
0x5c: {  	_ =	shalt  }
0x5d: {  	_ =	shalt  }
0x5e: {  	_ =	shalt  }
0x5f: {  	_ =	shalt  }
0x60: {  	_ =	shalt  }
0x61: {  	_ =	shalt  }
0x62: {  	_ =	shalt  }
0x63: {  	_ =	shalt  }
0x64: {  	_ =	shalt  }
0x65: {  	_ =	shalt  }
0x66: {  	_ =	shalt  }
0x67: {  	_ =	shalt  }
0x68: {  	_ =	shalt  }
0x69: {  	_ =	shalt  }
0x6a: {  	_ =	shalt  }
0x6b: {  	_ =	shalt  }
0x6c: {  	_ =	shalt  }
0x6d: {  	_ =	shalt  }
0x6e: {  	_ =	shalt  }
0x6f: {  	_ =	shalt  }
0x70: {  	_ =	shalt  }
0x71: {  	_ =	shalt  }
0x72: {  	_ =	shalt  }
0x73: {  	_ =	shalt  }
0x74: {  	_ =	shalt  }
0x75: {  	_ =	shalt  }
0x76: {  	_ =	shalt  }
0x77: {  	_ =	shalt  }
0x78: {  	_ =	shalt  }
0x79: {  	_ =	shalt  }
0x7a: {  	_ =	shalt  }
0x7b: {  	_ =	shalt  }
0x7c: {  	_ =	shalt  }
0x7d: {  	_ =	shalt  }
0x7e: {  	_ =	shalt  }
0x7f: {  	_ =	shalt  }
0x80: {  	_ =	shalt  }
0x81: {  	_ =	shalt  }
0x82: {  	_ =	shalt  }
0x83: {  	_ =	shalt  }
0x84: {  	_ =	shalt  }
0x85: {  	_ =	shalt  }
0x86: {  	_ =	shalt  }
0x87: {  	_ =	shalt  }
.Lfunc_end0:
.L_simem_size_0:
called_computation_lowered:
.L_overlay_start_0:
0x88: {  	s2 =	sld [smem:$0x3FD9]  }
0x89: {  	s3 =	sld [smem:$0x3FFE];
	_ =	sdelay $0x1  }
0x8a: {  	s1 =	srdreg.scid  }
0x8b: {  	s0 =	sand.u32 $0x1, s1  }
0x8c: {  	s17 =	sshll.u32 s0, $0xA;
	s2 =	sadd.s32 s3, s2  }
0x8d: {  	s2 =	sadd.s32 s2, s17  }
0x8e: {  	[smem:$0x3FBD] =	sst s2  }
0x8f: {  	_ = 	snop  }
0x90: {  	s2 =	sld [smem:$0x3FC8]  }
0x91: {  	s18 =	sld [smem:$0x3FC7];
	(tm) =	ssettm $0x1  }
0x92: {  	s4 =	sld [smem:$0x3FFB];
	_ =	sdelay $0x3  }
0x93: {  	_ =	strace s4  }
0x94: {  	s4 =	sld [smem:$0x3FFC];
	_ =	sdelay $0x3  }
0x95: {  	_ =	strace s4  }
0x96: {  	s4 =	sld [smem:$0x3FFD];
	_ =	sdelay $0x3  }
0x97: {  	_ =	strace s4  }
0x98: {  	_ =	strace $0x8FFFFFFF  }
0x99: {  	s19 =	sld [smem:$0x3FDB];
	_ =	sdelay $0x1  }
0x9a: {  	s5 =	simm.s32 $_scs_section_size  }
0x9b: {  	s6 =	simm.s32 $_size__tile_overlayer_lowered;
	s7 =	simm.s32 $_tile_overlayer_lowered  }
0x9c: {  	s22 =	simm.s32 $0x1BFF;
	s21 =	sshll.u32 s7, $0x1;
	s4 =	sadd.s32 s5, s19  }
0x9d: {  	s8 =	simm.s32 $0x0;
	s20 =	sshll.u32 s6, $0x1;
	s6 =	sadd.s32 s21, s4  }
0x9e: {  	[timem:s8], [sflag:s22] =	dma.local [hbm:s6], s20  }
0x9f: {  	_ =	swait.ge [sflag:s22], s20  }
0xa0: {  	s5 =	ssub.s32 $0x0, s20;
	[sflag:s22] =	ssyncset.done $0x0  }
0xa1: {  	[sflag:s22] =	ssyncadd.s32 s5;
	_ =	sdelay $0x1  }
0xa2: {  	s23 =	simm.s32 $0x1B8B  }
0xa3: {  	_ =	swait.ge [sflag:s23], $0x1  }
0xa4: {  	[sflag:s23] =	ssyncset.done $0x0  }
0xa5: {  	s25 =	simm.s32 $0x1B8E;
	s24 =	sld [smem:$0x3FFE];
	[sflag:s23] =	ssyncadd.s32 $0xFFFFFFFF  }
0xa6: {  	s26 =	simm.s32 $execute0_lowered;
	[smem:$0x3FD2] =	sst s25  }
0xa7: {  	s6 =	sshll.u32 s26, $0x1;
	_ =	strace $0x80000046;
	[dreg:$0x1] =	wrdreg $0xFFFFFFFF  }
0xa8: {  	s28 =	simm.s32 $_size_execute0_lowered;
	s4 =	sadd.s32 s4, s6;
	[dreg:$0x0] =	wrdreg $0x0  }
0xa9: {  	s6 =	sshll.u32 s28, $0x1;
	[dreg:$0x2] =	wrdreg s4  }
0xaa: {  	[dreg:$0x3] =	wrdreg s6  }
0xab: {  	[dreg:$0x4] =	wrdreg $0xC0  }
0xac: {  	_ =	task [dreg:s8], $0x5FFFF  }
0xad: {  	[dreg:$0x1] =	wrdreg $0xFFFFFFFF  }
0xae: {  	[dreg:$0x0] =	wrdreg $0x60  }
0xaf: {  	[dreg:$0x2] =	wrdreg s2  }
0xb0: {  	[dreg:$0x3] =	wrdreg s18  }
0xb1: {  	[dreg:$0x4] =	wrdreg s24  }
0xb2: {  	[dreg:$0x5] =	wrdreg $0x9  }
0xb3: {  	_ =	task.clear_ibuf [dreg:s8], $0x6FFFF;
	_ =	strace $0x90000046  }
0xb4: {  	s29 =	simm.s32 $0x9;
	_ =	strace $0x80000048  }
0xb5: {  	_ =	swait.ge [sflag:s29], $0x1  }
0xb6: {  	[sflag:s29] =	ssyncadd.s32 $0xFFFFFFFF  }
0xb7: {  	_ =	strace $0x90000048  }
0xb8: {  	_ =	sfence  }
0xb9: {  	s30 =	sld [smem:$0x0];
	_ =	sdelay $0x2  }
0xba: {  	s31 =	sshll.u32 s1, $0xD;
	s1 =	sshrl.u32 s1, $0x2  }
0xbb: {  	s3 =	sand.u32 $0x4000, s31;
	s1 =	sadd.s32 s1, s30  }
0xbc: {  	s0 =	sor.u32 s3, s0;
	s1 =	sshll.u32 s1, $0x11  }
0xbd: {  	s0 =	sor.u32 s1, s0  }
0xbe: {  	s0 =	sadd.s32 $0x8F2B, s0  }
0xbf: {  	[sflag:s0] =	ssyncadd.remote.s32 $0x1  }
0xc0: {  	_ =	sfence.sel $0xFFFF  }
0xc1: {  	[dreg:$0x0] =	wrdreg $0xFFFFFFFF;
	(pc) =	sbr.abs _section_cstart, $3  }
0xc2: {  	[dreg:$0x1] =	wrdreg $0xFFFFFFFF  }
0xc3: {  	_ =	task.clear_ibuf [dreg:s8], $0x2FFFF;
	_ =	strace $0x9FFFFFFF  }
0xc4: {  	(tm) =	ssettm $0x7FFFFFFF  }
0xc5: {  	_ =	shalt  }
tec
execute0_lowered:
.L_overlay_start_1:
0x0: {  	(tag) =	ssettag $0x1  }
0x1: {  	s1 =	rddreg [dreg:$0x0];
	s0 =	srdreg.scid  }
0x2: {  	s3 =	rddreg [dreg:$0x1];
	s4 =	stileid.u32  }
0x3: {  	s2 =	rddreg [dreg:$0x2];
	s10 =	simm.s32 $0xA;
	s11 =	simm.s32 $0x13  }
0x4: {  	s12 =	simm.s32 $0xD;
	s13 =	simm.s32 $0x10;
	s29 =	simm.s32 $0x3  }
0x5: {  	s31 =	simm.s32 $0xC;
	s30 =	simm.s32 $0x11;
	s28 =	simm.s32 $0x15  }
0x6: {  	s0 =	sand.u32 $0x1, s0;
	s5 =	sshll.u32 s4, $0x9;
	s4 =	simm.s32 $0x0  }
0x7: {  	s7 =	sadd.s32 $0x3A00, s2;
	s8 =	sadd.s32 $0x23A00, s2;
	s6 =	sshll.u32 s0, $0x8  }
0x8: {  	[smem:$0x7FF] =	sst s4;
	s0 =	ssub.s32 $0x2, s0;
	s5 =	sor.u32 s6, s5  }
0x9: {  	s9 =	sshrl.u32 s0, $0x1;
	s6 =	sshrl.u32 s5, $0x3;
	s5 =	sshll.u32 s5, $0x4  }
0xa: {  	_ =	strace $0x80000047;
	s0 =	ssub.s32 s0, s9;
	s15 =	sadd.s32 s7, s5  }
0xb: {  	s9 =	simm.s32 $0x7;
	s16 =	sadd.s32 s8, s5;
	[dreg:$0x6] =	wrdreg s15  }
0xc: {  	s6 =	sadd.s32 s6, s2;
	s0 =	smax.u32 s0, $0x1;
	[dreg:$0x7] =	wrdreg s16  }
0xd: {  	s2 =	sadd.s32 $0x43A00, s2;
	s14 =	sadd.s32 $0x3600, s6;
	[dreg:$0x12] =	wrdreg s0  }
0xe: {  	s18 =	sor.u32 $0x400, s5;
	s6 =	sadd.s32 $0x3200, s6;
	[dreg:$0x4] =	wrdreg s14  }
0xf: {  	s21 =	sor.u32 $0x800, s5;
	s17 =	sadd.s32 s2, s5;
	[dreg:$0x5] =	wrdreg s6  }
0x10: {  	s19 =	sadd.s32 s7, s18;
	s20 =	sadd.s32 s8, s18;
	[dreg:$0x8] =	wrdreg s17  }
0x11: {  	s22 =	sadd.s32 s7, s21;
	s5 =	sor.u32 $0xC00, s5;
	[dreg:$0x9] =	wrdreg s19  }
0x12: {  	s23 =	sadd.s32 s8, s21;
	s24 =	sadd.s32 s2, s21;
	[dreg:$0xa] =	wrdreg s20  }
0x13: {  	s15 =	simm.s32 $0x5;
	s16 =	simm.s32 $0x8;
	[dreg:$0xc] =	wrdreg s22  }
0x14: {  	s0 =	simm.s32 $0xE;
	s6 =	sadd.s32 s2, s18;
	[dreg:$0xd] =	wrdreg s23  }
0x15: {  	[dreg:$0xe] =	wrdreg s24;
	s25 =	sadd.s32 s7, s5;
	s26 =	sadd.s32 s8, s5  }
0x16: {  	s2 =	sadd.s32 s2, s5;
	s20 =	simm.s32 $0x16;
	s22 =	simm.s32 $0x40  }
0x17: {  	s7 =	simm.s32 $0x4;
	s17 =	simm.s32 $0xB;
	[dreg:$0xb] =	wrdreg s6  }
0x18: {  	s18 =	simm.s32 $0x6;
	s19 =	simm.s32 $0x9;
	[dreg:$0xf] =	wrdreg s25  }
0x19: {  	s5 =	simm.s32 $0xF;
	s8 =	simm.s32 $0x12;
	[dreg:$0x10] =	wrdreg s26  }
0x1a: {  	s23 =	simm.s32 $0x0;
	[dreg:$0x11] =	wrdreg s2;
	s25 =	simm.s32 $0xC200  }
0x1b: {  	s26 =	simm.s32 $0x12200;
	s6 =	simm.s32 $0x1;
	s2 =	simm.s32 $0x14  }
.LBB2_1:
0x1c: {  	s14 =	rddreg [dreg:$0x4]  }
0x1d: {  	[tilespmem:s4], [sflag:$0x16] =	stream.linear.gather [hbm4b:s14+s4], $0x100, $0x38;
	[tilespmem:$0x1E200] =	vst v63  }
0x1e: {  	_ =	swait.ge [sflag:s20], $0x100  }
0x1f: {  	[sflag:s20] =	ssyncset.done $0x0  }
0x20: {  	s21 =	simm.s32 $0x100;
	s24 =	rddreg [dreg:$0x5];
	[sflag:s20] =	ssyncadd.s32 $0xFFFFFF00  }
0x21: {  	[tilespmem:s21], [sflag:$0x16] =	stream.linear.gather [hbm4b:s24+s4], $0x100, $0x38;
	[tilespmem:$0x1E200] =	vst v63  }
0x22: {  	_ =	swait.ge [sflag:s20], $0x100  }
0x23: {  	[sflag:s20] =	ssyncset.done $0x0  }
0x24: {  	s24 =	simm.s32 $0x200;
	[sflag:s20] =	ssyncadd.s32 $0xFFFFFF00  }
0x25: {  	[tilespmem:s24], [sflag:$0x1] =	stream.indirect.gather [hbm4b:s1+s22], $0x80, s4, s22, $0xb8;
	[tilespmem:$0x1E200] =	vst v63  }
0x26: {  	s24 =	simm.s32 $0x6200  }
0x27: {  	[tilespmem:s24], [sflag:$0x4] =	stream.indirect.gather [hbm4b:s1+s22], $0x80, s21, s22, $0xb8;
	[tilespmem:$0x1E200] =	vst v63  }
0x28: {  	_ = 	snop  }
0x29: {  	[tilespmem:s25], [sflag:$0x7] =	stream.indirect.gather [hbm4b:s3+s22], $0x80, s4, s22, $0xb8;
	[tilespmem:$0x1E200] =	vst v63  }
0x2a: {  	_ = 	snop  }
0x2b: {  	[tilespmem:s26], [sflag:$0xA] =	stream.indirect.gather [hbm4b:s3+s22], $0x80, s21, s22, $0xb8;
	[tilespmem:$0x1E200] =	vst v63  }
0x2c: {  	s21 =	simm.s32 $0x2200  }
0x2d: {  	[tilespmem:s21], [sflag:$0x2] =	stream.indirect.gather [hbm4b:s1+s22], $0x80, s22, s22, $0xb8;
	[tilespmem:$0x1E200] =	vst v63  }
0x2e: {  	s14 =	simm.s32 $0x140;
	s24 =	simm.s32 $0x8200  }
0x2f: {  	[tilespmem:s24], [sflag:$0x5] =	stream.indirect.gather [hbm4b:s1+s22], $0x80, s14, s22, $0xb8;
	[tilespmem:$0x1E200] =	vst v63  }
0x30: {  	s24 =	simm.s32 $0xE200  }
0x31: {  	[tilespmem:s24], [sflag:$0x8] =	stream.indirect.gather [hbm4b:s3+s22], $0x80, s22, s22, $0xb8;
	[tilespmem:$0x1E200] =	vst v63  }
0x32: {  	s24 =	simm.s32 $0x14200  }
0x33: {  	[tilespmem:s24], [sflag:$0xB] =	stream.indirect.gather [hbm4b:s3+s22], $0x80, s14, s22, $0xb8;
	[tilespmem:$0x1E200] =	vst v63  }
0x34: {  	s14 =	simm.s32 $0x80;
	s24 =	simm.s32 $0x4200  }
0x35: {  	[tilespmem:s24], [sflag:$0x3] =	stream.indirect.gather [hbm4b:s1+s22], $0x80, s14, s22, $0xb8;
	[tilespmem:$0x1E200] =	vst v63  }
0x36: {  	s21 =	simm.s32 $0x180;
	s24 =	simm.s32 $0xA200  }
0x37: {  	[tilespmem:s24], [sflag:$0x6] =	stream.indirect.gather [hbm4b:s1+s22], $0x80, s21, s22, $0xb8;
	[tilespmem:$0x1E200] =	vst v63  }
0x38: {  	s24 =	simm.s32 $0x10200  }
0x39: {  	[tilespmem:s24], [sflag:$0x9] =	stream.indirect.gather [hbm4b:s3+s22], $0x80, s14, s22, $0xb8;
	[tilespmem:$0x1E200] =	vst v63  }
0x3a: {  	s24 =	simm.s32 $0x16200  }
0x3b: {  	[tilespmem:s24], [sflag:$0xC] =	stream.indirect.gather [hbm4b:s3+s22], $0x80, s21, s22, $0xb8;
	[tilespmem:$0x1E200] =	vst v63  }
0x3c: {  	_ =	swait.ge [sflag:s6], $0x2000  }
0x3d: {  	[sflag:s6] =	ssyncset.done $0x0  }
0x3e: {  	[sflag:s6] =	ssyncadd.s32 $0xFFFFE000  }
0x3f: {  	_ =	swait.ge [sflag:s7], $0x2000  }
0x40: {  	[sflag:s7] =	ssyncset.done $0x0  }
0x41: {  	s24 =	simm.s32 $0x0;
	[sflag:s7] =	ssyncadd.s32 $0xFFFFE000  }
0x42: {  	v0 =	vld [tilespmem:s24+$0x270]  }
0x43: {  	v1 =	vld [tilespmem:s24+$0x6270]  }
0x44: {  	v2 =	vld [tilespmem:s24+$0x200]  }
0x45: {  	v3 =	vld [tilespmem:s24+$0x6200]  }
0x46: {  	v4 =	vld [tilespmem:s24+$0x210]  }
0x47: {  	v5 =	vld [tilespmem:s24+$0x6210]  }
0x48: {  	v6 =	vld [tilespmem:s24+$0x220]  }
0x49: {  	v7 =	vld [tilespmem:s24+$0x230]  }
0x4a: {  	v0 =	vmul.f32 v1, v0;
	v1 =	vld [tilespmem:s24+$0x6220]  }
0x4b: {  	v8 =	vld [tilespmem:s24+$0x6230]  }
0x4c: {  	v9 =	vld [tilespmem:s24+$0x6240];
	v2 =	vmul.f32 v3, v2  }
0x4d: {  	[tilespmem:s24+$0x18270] =	vst v0;
	v0 =	vmul.f32 v5, v4;
	v5 =	vld [tilespmem:s24+$0x240]  }
0x4e: {  	v3 =	vld [tilespmem:s24+$0x6250];
	[tilespmem:s24+$0x18200] =	vst v2  }
0x4f: {  	v2 =	vld [tilespmem:s24+$0x250];
	[tilespmem:s24+$0x18210] =	vst v0;
	v0 =	vmul.f32 v1, v6  }
0x50: {  	v4 =	vld [tilespmem:s24+$0x6260];
	v6 =	vmul.f32 v8, v7  }
0x51: {  	s21 =	simm.s32 $0x80;
	[tilespmem:s24+$0x18220] =	vst v0;
	v0 =	vld [tilespmem:s24+$0x260]  }
0x52: {  	s14 =	simm.s32 $0x400;
	v5 =	vmul.f32 v9, v5;
	v1 =	vld [tilespmem:s21+$0x270];
	[tilespmem:s24+$0x18230] =	vst v6  }
.LBB2_2:
0x53: {  	p0 =	sne.s32 s14, $0x7E00;
	v6 =	vld [tilespmem:s21+$0x6270]  }
0x54: {  	v7 =	vld [tilespmem:s21+$0x200];
	[tilespmem:s24+$0x18240] =	vst v5;
	v2 =	vmul.f32 v3, v2  }
0x55: {  	v3 =	vld [tilespmem:s21+$0x6200]  }
0x56: {  	v5 =	vld [tilespmem:s21+$0x210];
	[tilespmem:s24+$0x18250] =	vst v2;
	v0 =	vmul.f32 v4, v0  }
0x57: {  	v2 =	vld [tilespmem:s21+$0x6210]  }
0x58: {  	v4 =	vld [tilespmem:s21+$0x220];
	v1 =	vmul.f32 v6, v1;
	[tilespmem:s24+$0x18260] =	vst v0;
	s24 =	smov.u32 s21  }
0x59: {  	v0 =	vld [tilespmem:s24+$0x6220]  }
0x5a: {  	v3 =	vmul.f32 v3, v7;
	v6 =	vld [tilespmem:s24+$0x230];
	[tilespmem:s24+$0x18270] =	vst v1  }
0x5b: {  	v1 =	vld [tilespmem:s24+$0x6230]  }
0x5c: {  	[tilespmem:s24+$0x18200] =	vst v3;
	v2 =	vmul.f32 v2, v5;
	v5 =	vld [tilespmem:s24+$0x240]  }
0x5d: {  	v7 =	vld [tilespmem:s24+$0x6240]  }
.Ltmp0:
0x5e: {  	[tilespmem:s24+$0x18210] =	vst v2;
	v0 =	vmul.f32 v0, v4;
	v2 =	vld [tilespmem:s24+$0x250];
	(pc) =	sbr.rel @p0 .LBB2_2-.Ltmp0, $4  }
0x5f: {  	v3 =	vld [tilespmem:s24+$0x6250]  }
0x60: {  	[tilespmem:s24+$0x18220] =	vst v0;
	v6 =	vmul.f32 v1, v6;
	v0 =	vld [tilespmem:s24+$0x260]  }
0x61: {  	s21 =	sshra.s32 s14, $0x2;
	v4 =	vld [tilespmem:s24+$0x6260]  }
0x62: {  	s14 =	sadd.s32 $0x200, s14;
	v1 =	vld [tilespmem:s21+$0x270];
	[tilespmem:s24+$0x18230] =	vst v6;
	v5 =	vmul.f32 v7, v5  }
0x63: {  	v6 =	vld [tilespmem:s21+$0x6270]  }
0x64: {  	v7 =	vld [tilespmem:s21+$0x200];
	[tilespmem:s24+$0x18240] =	vst v5;
	v2 =	vmul.f32 v3, v2  }
0x65: {  	v3 =	vld [tilespmem:s21+$0x6200]  }
0x66: {  	v5 =	vld [tilespmem:s21+$0x210];
	[tilespmem:s24+$0x18250] =	vst v2;
	v0 =	vmul.f32 v4, v0  }
0x67: {  	v2 =	vld [tilespmem:s21+$0x6210]  }
0x68: {  	v4 =	vld [tilespmem:s21+$0x220];
	[tilespmem:s24+$0x18260] =	vst v0  }
0x69: {  	v0 =	vmul.f32 v6, v1;
	v1 =	vld [tilespmem:s21+$0x6220]  }
0x6a: {  	v6 =	vld [tilespmem:s21+$0x230]  }
0x6b: {  	v3 =	vmul.f32 v3, v7;
	[tilespmem:s21+$0x18270] =	vst v0;
	v0 =	vld [tilespmem:s21+$0x6230]  }
0x6c: {  	v7 =	vld [tilespmem:s21+$0x6260]  }
0x6d: {  	[tilespmem:s21+$0x18200] =	vst v3;
	v2 =	vmul.f32 v2, v5;
	v3 =	vld [tilespmem:s21+$0x240]  }
0x6e: {  	v5 =	vld [tilespmem:s21+$0x6240]  }
0x6f: {  	[tilespmem:s21+$0x18210] =	vst v2;
	v1 =	vmul.f32 v1, v4;
	v2 =	vld [tilespmem:s21+$0x250]  }
0x70: {  	v4 =	vld [tilespmem:s21+$0x6250]  }
0x71: {  	[tilespmem:s21+$0x18220] =	vst v1;
	v1 =	vld [tilespmem:s21+$0x260];
	_ =	sdelay $0x1  }
0x72: {  	v0 =	vmul.f32 v0, v6  }
0x73: {  	v3 =	vmul.f32 v5, v3  }
0x74: {  	[tilespmem:s21+$0x18230] =	vst v0;
	v0 =	vmul.f32 v4, v2  }
0x75: {  	[tilespmem:s21+$0x18240] =	vst v3;
	v1 =	vmul.f32 v7, v1  }
0x76: {  	[tilespmem:s21+$0x18250] =	vst v0  }
0x77: {  	s14 =	simm.s32 $0x0;
	s24 =	simm.s32 $0x18200;
	[tilespmem:s21+$0x18260] =	vst v1;
	s21 =	rddreg [dreg:$0x6]  }
0x78: {  	[hbm4b:s21+s14] =	stream.linear.scatter [tilespmem:s24], [sflag:$0x13], $0x2000, $0x38;
	[tilespmem:$0x1E200] =	vst v63  }
0x79: {  	_ =	swait.ge [sflag:s9], $0x2000  }
0x7a: {  	[sflag:s9] =	ssyncset.done $0x0  }
0x7b: {  	s24 =	rddreg [dreg:$0x7];
	[sflag:s9] =	ssyncadd.s32 $0xFFFFE000  }
0x7c: {  	[hbm4b:s24+s14] =	stream.linear.scatter [tilespmem:s25], [sflag:$0xD], $0x2000, $0x38;
	[tilespmem:$0x1E200] =	vst v63  }
0x7d: {  	_ =	swait.ge [sflag:s10], $0x2000  }
0x7e: {  	[sflag:s10] =	ssyncset.done $0x0  }
0x7f: {  	s24 =	rddreg [dreg:$0x8];
	[sflag:s10] =	ssyncadd.s32 $0xFFFFE000  }
0x80: {  	[hbm4b:s24+s14] =	stream.linear.scatter [tilespmem:s26], [sflag:$0x10], $0x2000, $0x38;
	[tilespmem:$0x1E200] =	vst v63  }
0x81: {  	_ =	swait.ge [sflag:s11], $0x2000  }
0x82: {  	[sflag:s11] =	ssyncset.done $0x0  }
0x83: {  	[sflag:s11] =	ssyncadd.s32 $0xFFFFE000  }
0x84: {  	_ =	swait.ge [sflag:s12], $0x2000  }
0x85: {  	[sflag:s12] =	ssyncset.done $0x0  }
0x86: {  	[sflag:s12] =	ssyncadd.s32 $0xFFFFE000  }
0x87: {  	_ =	swait.ge [sflag:s13], $0x2000  }
0x88: {  	[sflag:s13] =	ssyncset.done $0x0  }
0x89: {  	s21 =	simm.s32 $0xC0;
	s24 =	simm.s32 $0x200;
	[sflag:s13] =	ssyncadd.s32 $0xFFFFE000  }
0x8a: {  	[tilespmem:s24], [sflag:$0x1] =	stream.indirect.gather [hbm4b:s1+s22], $0x80, s21, s22, $0xb8;
	[tilespmem:$0x1E200] =	vst v63  }
0x8b: {  	s14 =	simm.s32 $0x6200;
	s24 =	simm.s32 $0x1C0  }
0x8c: {  	[tilespmem:s14], [sflag:$0x4] =	stream.indirect.gather [hbm4b:s1+s22], $0x80, s24, s22, $0xb8;
	[tilespmem:$0x1E200] =	vst v63  }
0x8d: {  	_ = 	snop  }
0x8e: {  	[tilespmem:s25], [sflag:$0x7] =	stream.indirect.gather [hbm4b:s3+s22], $0x80, s21, s22, $0xb8;
	[tilespmem:$0x1E200] =	vst v63  }
0x8f: {  	_ = 	snop  }
0x90: {  	[tilespmem:s26], [sflag:$0xA] =	stream.indirect.gather [hbm4b:s3+s22], $0x80, s24, s22, $0xb8;
	[tilespmem:$0x1E200] =	vst v63  }
0x91: {  	s24 =	simm.s32 $0x2  }
0x92: {  	_ =	swait.ge [sflag:s24], $0x2000  }
0x93: {  	[sflag:s24] =	ssyncset.done $0x0  }
0x94: {  	[sflag:s24] =	ssyncadd.s32 $0xFFFFE000  }
0x95: {  	_ =	swait.ge [sflag:s15], $0x2000  }
0x96: {  	[sflag:s15] =	ssyncset.done $0x0  }
0x97: {  	s24 =	simm.s32 $0x0;
	[sflag:s15] =	ssyncadd.s32 $0xFFFFE000  }
0x98: {  	v0 =	vld [tilespmem:s24+$0x2270]  }
0x99: {  	v1 =	vld [tilespmem:s24+$0x8270]  }
0x9a: {  	v2 =	vld [tilespmem:s24+$0x2200]  }
0x9b: {  	v3 =	vld [tilespmem:s24+$0x8200]  }
0x9c: {  	v4 =	vld [tilespmem:s24+$0x2210]  }
0x9d: {  	v5 =	vld [tilespmem:s24+$0x8210]  }
0x9e: {  	v6 =	vld [tilespmem:s24+$0x2220]  }
0x9f: {  	v7 =	vld [tilespmem:s24+$0x2230]  }
0xa0: {  	v0 =	vmul.f32 v1, v0;
	v1 =	vld [tilespmem:s24+$0x8220]  }
0xa1: {  	v8 =	vld [tilespmem:s24+$0x8230]  }
0xa2: {  	v9 =	vld [tilespmem:s24+$0x8240];
	v2 =	vmul.f32 v3, v2  }
0xa3: {  	[tilespmem:s24+$0x1A270] =	vst v0;
	v0 =	vmul.f32 v5, v4;
	v5 =	vld [tilespmem:s24+$0x2240]  }
0xa4: {  	v3 =	vld [tilespmem:s24+$0x8250];
	[tilespmem:s24+$0x1A200] =	vst v2  }
0xa5: {  	v2 =	vld [tilespmem:s24+$0x2250];
	[tilespmem:s24+$0x1A210] =	vst v0;
	v0 =	vmul.f32 v1, v6  }
0xa6: {  	v4 =	vld [tilespmem:s24+$0x8260];
	v6 =	vmul.f32 v8, v7  }
0xa7: {  	s21 =	simm.s32 $0x80;
	[tilespmem:s24+$0x1A220] =	vst v0;
	v0 =	vld [tilespmem:s24+$0x2260]  }
0xa8: {  	s14 =	simm.s32 $0x400;
	v5 =	vmul.f32 v9, v5;
	v1 =	vld [tilespmem:s21+$0x2270];
	[tilespmem:s24+$0x1A230] =	vst v6  }
.LBB2_4:
0xa9: {  	p0 =	sne.s32 s14, $0x7E00;
	v6 =	vld [tilespmem:s21+$0x8270]  }
0xaa: {  	v7 =	vld [tilespmem:s21+$0x2200];
	[tilespmem:s24+$0x1A240] =	vst v5;
	v2 =	vmul.f32 v3, v2  }
0xab: {  	v3 =	vld [tilespmem:s21+$0x8200]  }
0xac: {  	v5 =	vld [tilespmem:s21+$0x2210];
	[tilespmem:s24+$0x1A250] =	vst v2;
	v0 =	vmul.f32 v4, v0  }
0xad: {  	v2 =	vld [tilespmem:s21+$0x8210]  }
0xae: {  	v4 =	vld [tilespmem:s21+$0x2220];
	v1 =	vmul.f32 v6, v1;
	[tilespmem:s24+$0x1A260] =	vst v0;
	s24 =	smov.u32 s21  }
0xaf: {  	v0 =	vld [tilespmem:s24+$0x8220]  }
0xb0: {  	v3 =	vmul.f32 v3, v7;
	v6 =	vld [tilespmem:s24+$0x2230];
	[tilespmem:s24+$0x1A270] =	vst v1  }
0xb1: {  	v1 =	vld [tilespmem:s24+$0x8230]  }
0xb2: {  	[tilespmem:s24+$0x1A200] =	vst v3;
	v2 =	vmul.f32 v2, v5;
	v5 =	vld [tilespmem:s24+$0x2240]  }
0xb3: {  	v7 =	vld [tilespmem:s24+$0x8240]  }
.Ltmp1:
0xb4: {  	[tilespmem:s24+$0x1A210] =	vst v2;
	v0 =	vmul.f32 v0, v4;
	v2 =	vld [tilespmem:s24+$0x2250];
	(pc) =	sbr.rel @p0 .LBB2_4-.Ltmp1, $4  }
0xb5: {  	v3 =	vld [tilespmem:s24+$0x8250]  }
0xb6: {  	[tilespmem:s24+$0x1A220] =	vst v0;
	v6 =	vmul.f32 v1, v6;
	v0 =	vld [tilespmem:s24+$0x2260]  }
0xb7: {  	s21 =	sshra.s32 s14, $0x2;
	v4 =	vld [tilespmem:s24+$0x8260]  }
0xb8: {  	s14 =	sadd.s32 $0x200, s14;
	v1 =	vld [tilespmem:s21+$0x2270];
	[tilespmem:s24+$0x1A230] =	vst v6;
	v5 =	vmul.f32 v7, v5  }
0xb9: {  	v6 =	vld [tilespmem:s21+$0x8270]  }
0xba: {  	v7 =	vld [tilespmem:s21+$0x2200];
	[tilespmem:s24+$0x1A240] =	vst v5;
	v2 =	vmul.f32 v3, v2  }
0xbb: {  	v3 =	vld [tilespmem:s21+$0x8200]  }
0xbc: {  	v5 =	vld [tilespmem:s21+$0x2210];
	[tilespmem:s24+$0x1A250] =	vst v2;
	v0 =	vmul.f32 v4, v0  }
0xbd: {  	v2 =	vld [tilespmem:s21+$0x8210]  }
0xbe: {  	v4 =	vld [tilespmem:s21+$0x2220];
	[tilespmem:s24+$0x1A260] =	vst v0  }
0xbf: {  	v0 =	vmul.f32 v6, v1;
	v1 =	vld [tilespmem:s21+$0x8220]  }
0xc0: {  	v6 =	vld [tilespmem:s21+$0x2230]  }
0xc1: {  	v3 =	vmul.f32 v3, v7;
	[tilespmem:s21+$0x1A270] =	vst v0;
	v0 =	vld [tilespmem:s21+$0x8230]  }
0xc2: {  	v7 =	vld [tilespmem:s21+$0x8260]  }
0xc3: {  	[tilespmem:s21+$0x1A200] =	vst v3;
	v2 =	vmul.f32 v2, v5;
	v3 =	vld [tilespmem:s21+$0x2240]  }
0xc4: {  	v5 =	vld [tilespmem:s21+$0x8240]  }
0xc5: {  	[tilespmem:s21+$0x1A210] =	vst v2;
	v1 =	vmul.f32 v1, v4;
	v2 =	vld [tilespmem:s21+$0x2250]  }
0xc6: {  	v4 =	vld [tilespmem:s21+$0x8250]  }
0xc7: {  	[tilespmem:s21+$0x1A220] =	vst v1;
	v1 =	vld [tilespmem:s21+$0x2260];
	_ =	sdelay $0x1  }
0xc8: {  	v0 =	vmul.f32 v0, v6  }
0xc9: {  	v3 =	vmul.f32 v5, v3  }
0xca: {  	[tilespmem:s21+$0x1A230] =	vst v0;
	v0 =	vmul.f32 v4, v2  }
0xcb: {  	[tilespmem:s21+$0x1A240] =	vst v3;
	v1 =	vmul.f32 v7, v1  }
0xcc: {  	[tilespmem:s21+$0x1A250] =	vst v0  }
0xcd: {  	s14 =	simm.s32 $0x0;
	s24 =	simm.s32 $0x1A200;
	[tilespmem:s21+$0x1A260] =	vst v1;
	s21 =	rddreg [dreg:$0x9]  }
0xce: {  	[hbm4b:s21+s14] =	stream.linear.scatter [tilespmem:s24], [sflag:$0x14], $0x2000, $0x38;
	[tilespmem:$0x1E200] =	vst v63  }
0xcf: {  	_ =	swait.ge [sflag:s16], $0x2000  }
0xd0: {  	[sflag:s16] =	ssyncset.done $0x0  }
0xd1: {  	s24 =	simm.s32 $0xE200;
	s21 =	rddreg [dreg:$0xa];
	[sflag:s16] =	ssyncadd.s32 $0xFFFFE000  }
0xd2: {  	[hbm4b:s21+s14] =	stream.linear.scatter [tilespmem:s24], [sflag:$0xE], $0x2000, $0x38;
	[tilespmem:$0x1E200] =	vst v63  }
0xd3: {  	_ =	swait.ge [sflag:s17], $0x2000  }
0xd4: {  	[sflag:s17] =	ssyncset.done $0x0  }
0xd5: {  	s24 =	simm.s32 $0x14200;
	s21 =	rddreg [dreg:$0xb];
	[sflag:s17] =	ssyncadd.s32 $0xFFFFE000  }
0xd6: {  	[hbm4b:s21+s14] =	stream.linear.scatter [tilespmem:s24], [sflag:$0x11], $0x2000, $0x38;
	[tilespmem:$0x1E200] =	vst v63  }
0xd7: {  	_ =	swait.ge [sflag:s29], $0x2000  }
0xd8: {  	[sflag:s29] =	ssyncset.done $0x0  }
0xd9: {  	[sflag:s29] =	ssyncadd.s32 $0xFFFFE000  }
0xda: {  	_ =	swait.ge [sflag:s18], $0x2000  }
0xdb: {  	[sflag:s18] =	ssyncset.done $0x0  }
0xdc: {  	s24 =	simm.s32 $0x0;
	[sflag:s18] =	ssyncadd.s32 $0xFFFFE000  }
0xdd: {  	v0 =	vld [tilespmem:s24+$0x4270]  }
0xde: {  	v1 =	vld [tilespmem:s24+$0xA270]  }
0xdf: {  	v2 =	vld [tilespmem:s24+$0x4200]  }
0xe0: {  	v3 =	vld [tilespmem:s24+$0xA200]  }
0xe1: {  	v4 =	vld [tilespmem:s24+$0x4210]  }
0xe2: {  	v5 =	vld [tilespmem:s24+$0xA210]  }
0xe3: {  	v6 =	vld [tilespmem:s24+$0x4220]  }
0xe4: {  	v7 =	vld [tilespmem:s24+$0x4230]  }
0xe5: {  	v0 =	vmul.f32 v1, v0;
	v1 =	vld [tilespmem:s24+$0xA220]  }
0xe6: {  	v8 =	vld [tilespmem:s24+$0xA230]  }
0xe7: {  	v9 =	vld [tilespmem:s24+$0xA240];
	v2 =	vmul.f32 v3, v2  }
0xe8: {  	[tilespmem:s24+$0x1C270] =	vst v0;
	v0 =	vmul.f32 v5, v4;
	v5 =	vld [tilespmem:s24+$0x4240]  }
0xe9: {  	v3 =	vld [tilespmem:s24+$0xA250];
	[tilespmem:s24+$0x1C200] =	vst v2  }
0xea: {  	v2 =	vld [tilespmem:s24+$0x4250];
	[tilespmem:s24+$0x1C210] =	vst v0;
	v0 =	vmul.f32 v1, v6  }
0xeb: {  	v4 =	vld [tilespmem:s24+$0xA260];
	v6 =	vmul.f32 v8, v7  }
0xec: {  	s21 =	simm.s32 $0x80;
	[tilespmem:s24+$0x1C220] =	vst v0;
	v0 =	vld [tilespmem:s24+$0x4260]  }
0xed: {  	s14 =	simm.s32 $0x400;
	v5 =	vmul.f32 v9, v5;
	v1 =	vld [tilespmem:s21+$0x4270];
	[tilespmem:s24+$0x1C230] =	vst v6  }
.LBB2_6:
0xee: {  	p0 =	sne.s32 s14, $0x7E00;
	v6 =	vld [tilespmem:s21+$0xA270]  }
0xef: {  	v7 =	vld [tilespmem:s21+$0x4200];
	[tilespmem:s24+$0x1C240] =	vst v5;
	v2 =	vmul.f32 v3, v2  }
0xf0: {  	v3 =	vld [tilespmem:s21+$0xA200]  }
0xf1: {  	v5 =	vld [tilespmem:s21+$0x4210];
	[tilespmem:s24+$0x1C250] =	vst v2;
	v0 =	vmul.f32 v4, v0  }
0xf2: {  	v2 =	vld [tilespmem:s21+$0xA210]  }
0xf3: {  	v4 =	vld [tilespmem:s21+$0x4220];
	v1 =	vmul.f32 v6, v1;
	[tilespmem:s24+$0x1C260] =	vst v0;
	s24 =	smov.u32 s21  }
0xf4: {  	v0 =	vld [tilespmem:s24+$0xA220]  }
0xf5: {  	v3 =	vmul.f32 v3, v7;
	v6 =	vld [tilespmem:s24+$0x4230];
	[tilespmem:s24+$0x1C270] =	vst v1  }
0xf6: {  	v1 =	vld [tilespmem:s24+$0xA230]  }
0xf7: {  	[tilespmem:s24+$0x1C200] =	vst v3;
	v2 =	vmul.f32 v2, v5;
	v5 =	vld [tilespmem:s24+$0x4240]  }
0xf8: {  	v7 =	vld [tilespmem:s24+$0xA240]  }
.Ltmp2:
0xf9: {  	[tilespmem:s24+$0x1C210] =	vst v2;
	v0 =	vmul.f32 v0, v4;
	v2 =	vld [tilespmem:s24+$0x4250];
	(pc) =	sbr.rel @p0 .LBB2_6-.Ltmp2, $4  }
0xfa: {  	v3 =	vld [tilespmem:s24+$0xA250]  }
0xfb: {  	[tilespmem:s24+$0x1C220] =	vst v0;
	v6 =	vmul.f32 v1, v6;
	v0 =	vld [tilespmem:s24+$0x4260]  }
0xfc: {  	s21 =	sshra.s32 s14, $0x2;
	v4 =	vld [tilespmem:s24+$0xA260]  }
0xfd: {  	s14 =	sadd.s32 $0x200, s14;
	v1 =	vld [tilespmem:s21+$0x4270];
	[tilespmem:s24+$0x1C230] =	vst v6;
	v5 =	vmul.f32 v7, v5  }
0xfe: {  	v6 =	vld [tilespmem:s21+$0xA270]  }
0xff: {  	v7 =	vld [tilespmem:s21+$0x4200];
	[tilespmem:s24+$0x1C240] =	vst v5;
	v2 =	vmul.f32 v3, v2  }
0x100: {  	v3 =	vld [tilespmem:s21+$0xA200]  }
0x101: {  	v5 =	vld [tilespmem:s21+$0x4210];
	[tilespmem:s24+$0x1C250] =	vst v2;
	v0 =	vmul.f32 v4, v0  }
0x102: {  	v2 =	vld [tilespmem:s21+$0xA210]  }
0x103: {  	v4 =	vld [tilespmem:s21+$0x4220];
	[tilespmem:s24+$0x1C260] =	vst v0  }
0x104: {  	v0 =	vmul.f32 v6, v1;
	v1 =	vld [tilespmem:s21+$0xA220]  }
0x105: {  	v6 =	vld [tilespmem:s21+$0x4230]  }
0x106: {  	v3 =	vmul.f32 v3, v7;
	[tilespmem:s21+$0x1C270] =	vst v0;
	v0 =	vld [tilespmem:s21+$0xA230]  }
0x107: {  	v7 =	vld [tilespmem:s21+$0xA260]  }
0x108: {  	[tilespmem:s21+$0x1C200] =	vst v3;
	v2 =	vmul.f32 v2, v5;
	v3 =	vld [tilespmem:s21+$0x4240]  }
0x109: {  	v5 =	vld [tilespmem:s21+$0xA240]  }
0x10a: {  	[tilespmem:s21+$0x1C210] =	vst v2;
	v1 =	vmul.f32 v1, v4;
	v2 =	vld [tilespmem:s21+$0x4250]  }
0x10b: {  	v4 =	vld [tilespmem:s21+$0xA250]  }
0x10c: {  	[tilespmem:s21+$0x1C220] =	vst v1;
	v1 =	vld [tilespmem:s21+$0x4260];
	_ =	sdelay $0x1  }
0x10d: {  	v0 =	vmul.f32 v0, v6  }
0x10e: {  	v3 =	vmul.f32 v5, v3  }
0x10f: {  	[tilespmem:s21+$0x1C230] =	vst v0;
	v0 =	vmul.f32 v4, v2  }
0x110: {  	[tilespmem:s21+$0x1C240] =	vst v3;
	v1 =	vmul.f32 v7, v1  }
0x111: {  	[tilespmem:s21+$0x1C250] =	vst v0  }
0x112: {  	s14 =	simm.s32 $0x0;
	s24 =	simm.s32 $0x1C200;
	[tilespmem:s21+$0x1C260] =	vst v1;
	s21 =	rddreg [dreg:$0xc]  }
0x113: {  	[hbm4b:s21+s14] =	stream.linear.scatter [tilespmem:s24], [sflag:$0x15], $0x2000, $0x38;
	[tilespmem:$0x1E200] =	vst v63  }
0x114: {  	_ =	swait.ge [sflag:s19], $0x2000  }
0x115: {  	[sflag:s19] =	ssyncset.done $0x0  }
0x116: {  	s24 =	simm.s32 $0x10200;
	s21 =	rddreg [dreg:$0xd];
	[sflag:s19] =	ssyncadd.s32 $0xFFFFE000  }
0x117: {  	[hbm4b:s21+s14] =	stream.linear.scatter [tilespmem:s24], [sflag:$0xF], $0x2000, $0x38;
	[tilespmem:$0x1E200] =	vst v63  }
0x118: {  	_ =	swait.ge [sflag:s31], $0x2000  }
0x119: {  	[sflag:s31] =	ssyncset.done $0x0  }
0x11a: {  	s24 =	simm.s32 $0x16200;
	s21 =	rddreg [dreg:$0xe];
	[sflag:s31] =	ssyncadd.s32 $0xFFFFE000  }
0x11b: {  	[hbm4b:s21+s14] =	stream.linear.scatter [tilespmem:s24], [sflag:$0x12], $0x2000, $0x38;
	[tilespmem:$0x1E200] =	vst v63  }
0x11c: {  	_ =	swait.ge [sflag:s6], $0x2000  }
0x11d: {  	[sflag:s6] =	ssyncset.done $0x0  }
0x11e: {  	[sflag:s6] =	ssyncadd.s32 $0xFFFFE000  }
0x11f: {  	_ =	swait.ge [sflag:s7], $0x2000  }
0x120: {  	[sflag:s7] =	ssyncset.done $0x0  }
0x121: {  	s24 =	simm.s32 $0x0;
	[sflag:s7] =	ssyncadd.s32 $0xFFFFE000  }
0x122: {  	v0 =	vld [tilespmem:s24+$0x270]  }
0x123: {  	v1 =	vld [tilespmem:s24+$0x6270]  }
0x124: {  	v2 =	vld [tilespmem:s24+$0x200]  }
0x125: {  	v3 =	vld [tilespmem:s24+$0x6200]  }
0x126: {  	v4 =	vld [tilespmem:s24+$0x210]  }
0x127: {  	v5 =	vld [tilespmem:s24+$0x6210]  }
0x128: {  	v6 =	vld [tilespmem:s24+$0x220]  }
0x129: {  	v7 =	vld [tilespmem:s24+$0x230]  }
0x12a: {  	v0 =	vmul.f32 v1, v0;
	v1 =	vld [tilespmem:s24+$0x6220]  }
0x12b: {  	v8 =	vld [tilespmem:s24+$0x6230]  }
0x12c: {  	v9 =	vld [tilespmem:s24+$0x6240];
	v2 =	vmul.f32 v3, v2  }
0x12d: {  	[tilespmem:s24+$0x18270] =	vst v0;
	v0 =	vmul.f32 v5, v4;
	v5 =	vld [tilespmem:s24+$0x240]  }
0x12e: {  	v3 =	vld [tilespmem:s24+$0x6250];
	[tilespmem:s24+$0x18200] =	vst v2  }
0x12f: {  	v2 =	vld [tilespmem:s24+$0x250];
	[tilespmem:s24+$0x18210] =	vst v0;
	v0 =	vmul.f32 v1, v6  }
0x130: {  	v4 =	vld [tilespmem:s24+$0x6260];
	v6 =	vmul.f32 v8, v7  }
0x131: {  	s21 =	simm.s32 $0x80;
	[tilespmem:s24+$0x18220] =	vst v0;
	v0 =	vld [tilespmem:s24+$0x260]  }
0x132: {  	s14 =	simm.s32 $0x400;
	v5 =	vmul.f32 v9, v5;
	v1 =	vld [tilespmem:s21+$0x270];
	[tilespmem:s24+$0x18230] =	vst v6  }
.LBB2_8:
0x133: {  	p0 =	sne.s32 s14, $0x7E00;
	v6 =	vld [tilespmem:s21+$0x6270]  }
0x134: {  	v7 =	vld [tilespmem:s21+$0x200];
	[tilespmem:s24+$0x18240] =	vst v5;
	v2 =	vmul.f32 v3, v2  }
0x135: {  	v3 =	vld [tilespmem:s21+$0x6200]  }
0x136: {  	v5 =	vld [tilespmem:s21+$0x210];
	[tilespmem:s24+$0x18250] =	vst v2;
	v0 =	vmul.f32 v4, v0  }
0x137: {  	v2 =	vld [tilespmem:s21+$0x6210]  }
0x138: {  	v4 =	vld [tilespmem:s21+$0x220];
	v1 =	vmul.f32 v6, v1;
	[tilespmem:s24+$0x18260] =	vst v0;
	s24 =	smov.u32 s21  }
0x139: {  	v0 =	vld [tilespmem:s24+$0x6220]  }
0x13a: {  	v3 =	vmul.f32 v3, v7;
	v6 =	vld [tilespmem:s24+$0x230];
	[tilespmem:s24+$0x18270] =	vst v1  }
0x13b: {  	v1 =	vld [tilespmem:s24+$0x6230]  }
0x13c: {  	[tilespmem:s24+$0x18200] =	vst v3;
	v2 =	vmul.f32 v2, v5;
	v5 =	vld [tilespmem:s24+$0x240]  }
0x13d: {  	v7 =	vld [tilespmem:s24+$0x6240]  }
.Ltmp3:
0x13e: {  	[tilespmem:s24+$0x18210] =	vst v2;
	v0 =	vmul.f32 v0, v4;
	v2 =	vld [tilespmem:s24+$0x250];
	(pc) =	sbr.rel @p0 .LBB2_8-.Ltmp3, $4  }
0x13f: {  	v3 =	vld [tilespmem:s24+$0x6250]  }
0x140: {  	[tilespmem:s24+$0x18220] =	vst v0;
	v6 =	vmul.f32 v1, v6;
	v0 =	vld [tilespmem:s24+$0x260]  }
0x141: {  	s21 =	sshra.s32 s14, $0x2;
	v4 =	vld [tilespmem:s24+$0x6260]  }
0x142: {  	s14 =	sadd.s32 $0x200, s14;
	v1 =	vld [tilespmem:s21+$0x270];
	[tilespmem:s24+$0x18230] =	vst v6;
	v5 =	vmul.f32 v7, v5  }
0x143: {  	v6 =	vld [tilespmem:s21+$0x6270]  }
0x144: {  	v7 =	vld [tilespmem:s21+$0x200];
	[tilespmem:s24+$0x18240] =	vst v5;
	v2 =	vmul.f32 v3, v2  }
0x145: {  	v51 =	vld [tilespmem:s21+$0x6200]  }
0x146: {  	v5 =	vld [tilespmem:s21+$0x210];
	[tilespmem:s24+$0x18250] =	vst v2;
	v0 =	vmul.f32 v4, v0  }
0x147: {  	v2 =	vld [tilespmem:s21+$0x6210]  }
0x148: {  	v52 =	vld [tilespmem:s21+$0x220];
	[tilespmem:s24+$0x18260] =	vst v0  }
0x149: {  	v54 =	vld [tilespmem:s21+$0x6220]  }
0x14a: {  	v55 =	vld [tilespmem:s21+$0x230]  }
0x14b: {  	v56 =	vld [tilespmem:s21+$0x6230]  }
0x14c: {  	v57 =	vld [tilespmem:s21+$0x240]  }
0x14d: {  	v58 =	vld [tilespmem:s21+$0x6240]  }
0x14e: {  	v59 =	vld [tilespmem:s21+$0x250]  }
0x14f: {  	v53 =	vmul.f32 v6, v1;
	v60 =	vld [tilespmem:s21+$0x6250]  }
0x150: {  	v61 =	vld [tilespmem:s21+$0x260];
	v3 =	vmul.f32 v51, v7  }
0x151: {  	v62 =	vld [tilespmem:s21+$0x6260];
	[tilespmem:s21+$0x18270] =	vst v53;
	v2 =	vmul.f32 v2, v5  }
0x152: {  	[tilespmem:s21+$0x18200] =	vst v3;
	v1 =	vmul.f32 v54, v52  }
0x153: {  	[tilespmem:s21+$0x18210] =	vst v2;
	v0 =	vmul.f32 v56, v55  }
0x154: {  	v3 =	vmul.f32 v58, v57;
	[tilespmem:s21+$0x18220] =	vst v1  }
0x155: {  	v63 =	vmul.f32 v60, v59;
	[tilespmem:s21+$0x18230] =	vst v0  }
0x156: {  	[tilespmem:s21+$0x18240] =	vst v3;
	v1 =	vmul.f32 v62, v61  }
0x157: {  	[tilespmem:s21+$0x18250] =	vst v63  }
0x158: {  	s14 =	rddreg [dreg:$0xf];
	s24 =	simm.s32 $0x18200;
	[tilespmem:s21+$0x18260] =	vst v1  }
0x159: {  	[hbm4b:s14+s4] =	stream.linear.scatter [tilespmem:s24], [sflag:$0x13], $0x2000, $0x38;
	[tilespmem:$0x1E200] =	vst v63  }
0x15a: {  	_ =	swait.ge [sflag:s9], $0x2000  }
0x15b: {  	[sflag:s9] =	ssyncset.done $0x0  }
0x15c: {  	s24 =	rddreg [dreg:$0x10];
	[sflag:s9] =	ssyncadd.s32 $0xFFFFE000  }
0x15d: {  	[hbm4b:s24+s4] =	stream.linear.scatter [tilespmem:s25], [sflag:$0xD], $0x2000, $0x38;
	[tilespmem:$0x1E200] =	vst v63  }
0x15e: {  	_ =	swait.ge [sflag:s10], $0x2000  }
0x15f: {  	[sflag:s10] =	ssyncset.done $0x0  }
0x160: {  	s21 =	rddreg [dreg:$0x11];
	[sflag:s10] =	ssyncadd.s32 $0xFFFFE000  }
0x161: {  	[hbm4b:s21+s4] =	stream.linear.scatter [tilespmem:s26], [sflag:$0x10], $0x2000, $0x38;
	[tilespmem:$0x1E200] =	vst v63  }
0x162: {  	_ =	swait.ge [sflag:s2], $0x2000  }
0x163: {  	[sflag:s2] =	ssyncset.done $0x0  }
0x164: {  	[sflag:s2] =	ssyncadd.s32 $0xFFFFE000  }
0x165: {  	_ =	swait.ge [sflag:s0], $0x2000  }
0x166: {  	[sflag:s0] =	ssyncset.done $0x0  }
0x167: {  	[sflag:s0] =	ssyncadd.s32 $0xFFFFE000  }
0x168: {  	_ =	swait.ge [sflag:s30], $0x2000  }
0x169: {  	[sflag:s30] =	ssyncset.done $0x0  }
0x16a: {  	[sflag:s30] =	ssyncadd.s32 $0xFFFFE000  }
0x16b: {  	_ =	swait.ge [sflag:s28], $0x2000  }
0x16c: {  	[sflag:s28] =	ssyncset.done $0x0  }
0x16d: {  	[sflag:s28] =	ssyncadd.s32 $0xFFFFE000  }
0x16e: {  	_ =	swait.ge [sflag:s5], $0x2000  }
0x16f: {  	[sflag:s5] =	ssyncset.done $0x0  }
0x170: {  	[sflag:s5] =	ssyncadd.s32 $0xFFFFE000  }
0x171: {  	_ =	swait.ge [sflag:s8], $0x2000  }
0x172: {  	[sflag:s8] =	ssyncset.done $0x0  }
0x173: {  	[sflag:s8] =	ssyncadd.s32 $0xFFFFE000  }
0x174: {  	_ =	swait.ge [sflag:s11], $0x2000  }
0x175: {  	[sflag:s11] =	ssyncset.done $0x0  }
0x176: {  	[sflag:s11] =	ssyncadd.s32 $0xFFFFE000  }
0x177: {  	_ =	swait.ge [sflag:s12], $0x2000  }
0x178: {  	[sflag:s12] =	ssyncset.done $0x0  }
0x179: {  	[sflag:s12] =	ssyncadd.s32 $0xFFFFE000  }
0x17a: {  	_ =	swait.ge [sflag:s13], $0x2000  }
0x17b: {  	s23 =	sadd.s32 $0x1, s23;
	s24 =	rddreg [dreg:$0x12]  }
0x17c: {  	p0 =	sne.s32 s23, s24  }
.Ltmp4:
0x17d: {  	_ = 	snop;
	(pc) =	sbr.rel @p0 .LBB2_1-.Ltmp4, $3  }
0x17e: {  	_ =	sdelay $0x1  }
0x17f: {  	[sflag:s13] =	ssyncset.done $0x0  }
0x180: {  	[sflag:s13] =	ssyncadd.s32 $0xFFFFE000  }
0x181: {  	_ =	sfence.sel $0x180000  }
0x182: {  	[bflag:$0x0] =	sbarrier.arrive $0xFFFF  }
0x183: {  	_ =	strace $0x90000047  }
0x184: {  	s0 =	stileid.u32;
	[bflag:$0x2] =	sbarrier.arrive $0xFFFF  }
0x185: {  	p0 =	sne.s32 s0, $0x0;
	s0 =	rddreg [dreg:$0x3]  }
0x186: {  	s0 =	sadd.s32 @!p0 $0x100000, s0  }
0x187: {  	[sflag:s0] =	ssyncadd.tile.s32 @!p0 $0x1;
	_ =	shalt  }
.Lfunc_end2:
_tile_overlayer_lowered:
.L_overlay_start_2:
0x188: {  	(tag) =	ssettag $0x2  }
0x189: {  	s0 =	rddreg [dreg:$0x0];
	s2 =	stileid.u32  }
0x18a: {  	s1 =	rddreg [dreg:$0x1];
	p0 =	sne.s32 s2, $0x0  }
0x18b: {  	s3 =	rddreg [dreg:$0x2];
	[bflag:$0x3] =	sbarrier.arrive $0xFFFF;
	s2 =	simm.s32 @!p0 $0x1C16  }
0x18c: {  	[timem:s3], [sflag:s2] =	dma.local @!p0 [hbm:s0], s1  }
0x18d: {  	s0 =	simm.s32 @!p0 $0x16  }
0x18e: {  	_ =	swait.ge @!p0 [sflag:s0], s1  }
0x18f: {  	s1 =	ssub.s32 @!p0 $0x0, s1;
	[sflag:s0] =	ssyncset.done @!p0 $0x0  }
0x190: {  	[sflag:s0] =	ssyncadd.s32 @!p0 s1  }
0x191: {  	[bflag:$0x3] =	sbarrier.arrive $0xFFFF  }
0x192: {  	_ =	shalt  }

// kernel: kernel.9.cloned.1.call-start
scs
__scs_entry_jumppad:
0x0: {  	(pc) =	sbr.rel $0x88, $3  }
0x1: {  	(tag) =	ssettag $0x0;
	lr =	simm.s32 $0x1  }
0x2: {  	[smem:$0x3F96] =	sst lr;
	_ =	strace $0xD0000000  }
0x3: {  	_ = 	snop  }
0x4: {  	_ = 	snop  }
0x5: {  	_ = 	snop  }
0x6: {  	_ = 	snop  }
0x7: {  	_ = 	snop  }
__scs_overlays_trampoline_lowered:
0x8: {  	[smem:$0x3FA5] =	sst s0  }
0x9: {  	[smem:$0x3FA6] =	sst s1  }
0xa: {  	[smem:$0x3FA7] =	sst s2  }
0xb: {  	[smem:$0x3FA8] =	sst s3  }
0xc: {  	[smem:$0x3FA9] =	sst s4  }
0xd: {  	[smem:$0x3FAA] =	sst s5  }
0xe: {  	[smem:$0x3FAB] =	sst s6  }
0xf: {  	[smem:$0x3FAC] =	sst s7  }
0x10: {  	[smem:$0x3FAD] =	sst s8  }
0x11: {  	[smem:$0x3FAE] =	sst s9;
	s0 =	simm.s32 @!p0 $0x0  }
0x12: {  	s1 =	sld [smem:$0x3F94];
	s0 =	simm.s32 @p0 $0x1  }
0x13: {  	[smem:$0x3FAF] =	sst s0;
	s0 =	simm.s32 @!p1 $0x0  }
0x14: {  	s2 =	sld [smem:$0x3F93];
	s0 =	simm.s32 @p1 $0x1  }
0x15: {  	[smem:$0x3FB0] =	sst s0;
	s0 =	simm.s32 @!p2 $0x0  }
0x16: {  	s3 =	sld [smem:$0x3FDB];
	s0 =	simm.s32 @p2 $0x1  }
0x17: {  	s4 =	simm.s32 $0x1BF5;
	[smem:$0x3FB2] =	sst s0  }
0x18: {  	s0 =	sld [smem:$0x3F95];
	_ =	swait.ge [sflag:s4], $0x0  }
0x19: {  	s7 =	sld [smem:$0x3F96]  }
0x1a: {  	s8 =	sadd.s32 $0xFFFFE003, lr  }
0x1b: {  	s9 =	sadd.s32 $0xFFFFFEF7, lr;
	s5 =	simm.s32 $0xFFFFFFFF;
	p2 =	slt.u32 s8, $0xFFFFF086  }
0x1c: {  	p1 =	slt.u32 s9, $0xF7A;
	s5 =	simm.s32 @!p2 $0x0  }
0x1d: {  	s5 =	simm.s32 @p1 $0x1;
	p0 =	seq.s32 s7, s2  }
0x1e: {  	s7 =	smul.u32 @!p0 $0xF7A, s2;
	p2 =	seq.s32 @!p0 s5, $0x0  }
0x1f: {  	s9 =	smul.u32 $0xF7A, s1;
	s8 =	simm.s32 @!p0 $0x1BF5;
	p2 =	por !p2, p0  }
0x20: {  	[sflag:s8] =	ssyncset.s32 @!p0 $0xFFFFF086;
	s6 =	sadd.s32 @!p0 s3, s7;
	s7 =	simm.s32 @!p0 $0x108  }
0x21: {  	s3 =	sadd.s32 s3, s9;
	s6 =	sadd.s32 @!p0 $0x88, s6;
	s7 =	simm.s32 @p2 $0x1082  }
0x22: {  	[simem:s7], [sflag:s8] =	dma.local @!p0 [hbm:s6], $0xF7A  }
0x23: {  	s9 =	sor.u32 $0xD0000000, s2;
	s6 =	simm.s32 $0x108;
	_ =	swait.ge @!p0 [sflag:s8], $0x0  }
0x24: {  	s3 =	sadd.s32 $0x88, s3;
	s6 =	simm.s32 @!p1 $0x1082;
	[sflag:s4] =	ssyncset.s32 $0xFFFFF086  }
0x25: {  	[simem:s6], [sflag:s4] =	dma.local [hbm:s3], $0xF7A  }
0x26: {  	[smem:$0x3F96] =	sst s1;
	(tag) =	ssettag s2;
	_ =	strace s9  }
0x27: {  	s1 =	sld [smem:$0x3FA6]  }
0x28: {  	s2 =	sld [smem:$0x3FA7]  }
0x29: {  	s4 =	sld [smem:$0x3FA9]  }
0x2a: {  	p0 =	seq.s32 s5, $0x0;
	s5 =	sld [smem:$0x3FAA]  }
0x2b: {  	s6 =	sld [smem:$0x3FAB]  }
0x2c: {  	s7 =	sld [smem:$0x3FAC]  }
0x2d: {  	s3 =	simm.s32 $0x108;
	s8 =	sld [smem:$0x3FAD]  }
0x2e: {  	s3 =	simm.s32 @!p0 $0x1082;
	s9 =	sld [smem:$0x3FAE]  }
0x2f: {  	lr =	sadd.s32 s0, s3;
	s0 =	sld [smem:$0x3FA5]  }
0x30: {  	s3 =	sld [smem:$0x3FA8]  }
0x31: {  	[smem:$0x3FB1] =	sst s10  }
0x32: {  	s10 =	sld [smem:$0x3FAF];
	_ =	sdelay $0x3  }
0x33: {  	p0 =	seq.s32 s10, $0x1;
	s10 =	sld [smem:$0x3FB1];
	_ =	sdelay $0x3  }
0x34: {  	[smem:$0x3FB1] =	sst s10  }
0x35: {  	s10 =	sld [smem:$0x3FB0];
	_ =	sdelay $0x3  }
0x36: {  	p1 =	seq.s32 s10, $0x1;
	s10 =	sld [smem:$0x3FB1];
	_ =	sdelay $0x3  }
0x37: {  	[smem:$0x3FB1] =	sst s10  }
0x38: {  	s10 =	sld [smem:$0x3FB2]  }
0x39: {  	_ = 	snop;
	(pc) =	sbr.ind lr, $3  }
0x3a: {  	_ = 	snop  }
0x3b: {  	_ = 	snop  }
0x3c: {  	p2 =	seq.s32 s10, $0x1;
	s10 =	sld [smem:$0x3FB1]  }
0x3d: {  	_ =	shalt  }
0x3e: {  	_ =	shalt  }
0x3f: {  	_ =	shalt  }
0x40: {  	_ =	shalt  }
0x41: {  	_ =	shalt  }
0x42: {  	_ =	shalt  }
0x43: {  	_ =	shalt  }
0x44: {  	_ =	shalt  }
0x45: {  	_ =	shalt  }
0x46: {  	_ =	shalt  }
0x47: {  	_ =	shalt  }
0x48: {  	_ =	shalt  }
0x49: {  	_ =	shalt  }
0x4a: {  	_ =	shalt  }
0x4b: {  	_ =	shalt  }
0x4c: {  	_ =	shalt  }
0x4d: {  	_ =	shalt  }
0x4e: {  	_ =	shalt  }
0x4f: {  	_ =	shalt  }
0x50: {  	_ =	shalt  }
0x51: {  	_ =	shalt  }
0x52: {  	_ =	shalt  }
0x53: {  	_ =	shalt  }
0x54: {  	_ =	shalt  }
0x55: {  	_ =	shalt  }
0x56: {  	_ =	shalt  }
0x57: {  	_ =	shalt  }
0x58: {  	_ =	shalt  }
0x59: {  	_ =	shalt  }
0x5a: {  	_ =	shalt  }
0x5b: {  	_ =	shalt  }
0x5c: {  	_ =	shalt  }
0x5d: {  	_ =	shalt  }
0x5e: {  	_ =	shalt  }
0x5f: {  	_ =	shalt  }
0x60: {  	_ =	shalt  }
0x61: {  	_ =	shalt  }
0x62: {  	_ =	shalt  }
0x63: {  	_ =	shalt  }
0x64: {  	_ =	shalt  }
0x65: {  	_ =	shalt  }
0x66: {  	_ =	shalt  }
0x67: {  	_ =	shalt  }
0x68: {  	_ =	shalt  }
0x69: {  	_ =	shalt  }
0x6a: {  	_ =	shalt  }
0x6b: {  	_ =	shalt  }
0x6c: {  	_ =	shalt  }
0x6d: {  	_ =	shalt  }
0x6e: {  	_ =	shalt  }
0x6f: {  	_ =	shalt  }
0x70: {  	_ =	shalt  }
0x71: {  	_ =	shalt  }
0x72: {  	_ =	shalt  }
0x73: {  	_ =	shalt  }
0x74: {  	_ =	shalt  }
0x75: {  	_ =	shalt  }
0x76: {  	_ =	shalt  }
0x77: {  	_ =	shalt  }
0x78: {  	_ =	shalt  }
0x79: {  	_ =	shalt  }
0x7a: {  	_ =	shalt  }
0x7b: {  	_ =	shalt  }
0x7c: {  	_ =	shalt  }
0x7d: {  	_ =	shalt  }
0x7e: {  	_ =	shalt  }
0x7f: {  	_ =	shalt  }
0x80: {  	_ =	shalt  }
0x81: {  	_ =	shalt  }
0x82: {  	_ =	shalt  }
0x83: {  	_ =	shalt  }
0x84: {  	_ =	shalt  }
0x85: {  	_ =	shalt  }
0x86: {  	_ =	shalt  }
0x87: {  	_ =	shalt  }
.Lfunc_end0:
.L_simem_size_0:
called_computation.1_lowered:
.L_overlay_start_0:
0x88: {  	s2 =	sld [smem:$0x3FD9]  }
0x89: {  	s3 =	sld [smem:$0x3FFE];
	_ =	sdelay $0x1  }
0x8a: {  	s1 =	srdreg.scid  }
0x8b: {  	s0 =	sand.u32 $0x1, s1  }
0x8c: {  	s17 =	sshll.u32 s0, $0xA;
	s2 =	sadd.s32 s3, s2  }
0x8d: {  	s2 =	sadd.s32 s2, s17  }
0x8e: {  	[smem:$0x3FBD] =	sst s2  }
0x8f: {  	_ = 	snop  }
0x90: {  	s18 =	sld [smem:$0x3FC8]  }
0x91: {  	s4 =	sld [smem:$0x3FC7]  }
0x92: {  	s5 =	sld [smem:$0x3FD0];
	(tm) =	ssettm $0x1  }
0x93: {  	s19 =	sld [smem:$0x3FFB];
	_ =	sdelay $0x3  }
0x94: {  	_ =	strace s19  }
0x95: {  	s2 =	sld [smem:$0x3FFC];
	_ =	sdelay $0x3  }
0x96: {  	_ =	strace s2  }
0x97: {  	s2 =	sld [smem:$0x3FFD];
	_ =	sdelay $0x3  }
0x98: {  	_ =	strace s2  }
0x99: {  	_ =	strace $0x8FFFFFFF  }
0x9a: {  	s20 =	sld [smem:$0x3FDB];
	_ =	sdelay $0x1  }
0x9b: {  	s6 =	simm.s32 $_scs_section_size  }
0x9c: {  	s7 =	simm.s32 $_size__tile_overlayer_lowered;
	s8 =	simm.s32 $_tile_overlayer_lowered  }
0x9d: {  	s9 =	simm.s32 $0x1BFF;
	s21 =	sshll.u32 s8, $0x1;
	s6 =	sadd.s32 s6, s20  }
0x9e: {  	s22 =	simm.s32 $0x0;
	s7 =	sshll.u32 s7, $0x1;
	s8 =	sadd.s32 s21, s6  }
0x9f: {  	[timem:s22], [sflag:s9] =	dma.local [hbm:s8], s7  }
0xa0: {  	_ =	swait.ge [sflag:s9], s7  }
0xa1: {  	s7 =	ssub.s32 $0x0, s7;
	[sflag:s9] =	ssyncset.done $0x0  }
0xa2: {  	[sflag:s9] =	ssyncadd.s32 s7;
	_ =	sdelay $0x1  }
0xa3: {  	s23 =	simm.s32 $0x1B8B  }
0xa4: {  	_ =	swait.ge [sflag:s23], $0x1  }
0xa5: {  	[sflag:s23] =	ssyncset.done $0x0  }
0xa6: {  	[sflag:s23] =	ssyncadd.s32 $0xFFFFFFFF  }
0xa7: {  	s7 =	sld [smem:$0x0]  }
0xa8: {  	s8 =	sand.u32 $0xFFFFFFFE, s1  }
0xa9: {  	p0 =	sne.s32 s1, s8  }
0xaa: {  	s8 =	sshll.u32 @p0 s8, $0xE  }
0xab: {  	s8 =	sadd.s32 @p0 $0x11B8D, s8;
	s9 =	sshll.u32 @p0 s7, $0x11  }
0xac: {  	s8 =	sor.u32 @p0 s9, s8  }
0xad: {  	[sflag:s8] =	ssyncadd.remote.s32 @p0 $0x1;
	_ =	sdelay $0x1  }
0xae: {  	s8 =	simm.s32 @p0 $0x1B8D  }
0xaf: {  	_ =	swait.eq @p0 [sflag:s8], $0x1  }
0xb0: {  	[sflag:s8] =	ssyncadd.s32 @p0 $0xFFFFFFFF  }
0xb1: {  	s9 =	sshll.u32 @!p0 s1, $0xE  }
0xb2: {  	s9 =	sor.u32 @!p0 $0x4000, s9;
	s8 =	simm.s32 @!p0 $0x1B8D  }
0xb3: {  	s7 =	sshll.u32 @!p0 s7, $0x11;
	s9 =	sadd.s32 @!p0 $0x11B8D, s9;
	_ =	swait.eq @!p0 [sflag:s8], $0x1  }
0xb4: {  	s7 =	sor.u32 @!p0 s7, s9;
	[sflag:s8] =	ssyncadd.s32 @!p0 $0xFFFFFFFF  }
0xb5: {  	s25 =	simm.s32 $0x1B8E;
	s24 =	sld [smem:$0x3FFE];
	[sflag:s7] =	ssyncadd.remote.s32 @!p0 $0x1  }
0xb6: {  	s26 =	simm.s32 $execute0_lowered;
	[smem:$0x3FD2] =	sst s25  }
0xb7: {  	s8 =	sshll.u32 s26, $0x1;
	_ =	strace $0x80000049;
	[dreg:$0x1] =	wrdreg $0xFFFFFFFF  }
0xb8: {  	s28 =	simm.s32 $_size_execute0_lowered;
	s6 =	sadd.s32 s6, s8;
	[dreg:$0x0] =	wrdreg $0x0  }
0xb9: {  	s8 =	sshll.u32 s28, $0x1;
	[dreg:$0x2] =	wrdreg s6  }
0xba: {  	[dreg:$0x3] =	wrdreg s8  }
0xbb: {  	[dreg:$0x4] =	wrdreg $0xC0  }
0xbc: {  	_ =	task [dreg:s22], $0x5FFFF  }
0xbd: {  	[dreg:$0x1] =	wrdreg $0xFFFFFFFF  }
0xbe: {  	[dreg:$0x0] =	wrdreg $0x60  }
0xbf: {  	[dreg:$0x2] =	wrdreg s18  }
0xc0: {  	[dreg:$0x3] =	wrdreg s4  }
0xc1: {  	[dreg:$0x4] =	wrdreg s5  }
0xc2: {  	[dreg:$0x5] =	wrdreg s24  }
0xc3: {  	[dreg:$0x6] =	wrdreg $0xA  }
0xc4: {  	_ =	task.clear_ibuf [dreg:s22], $0x7FFFF;
	_ =	strace $0x90000049  }
0xc5: {  	s29 =	simm.s32 $0xA;
	_ =	strace $0x8000004B  }
0xc6: {  	_ =	swait.ge [sflag:s29], $0x1  }
0xc7: {  	[sflag:s29] =	ssyncadd.s32 $0xFFFFFFFF  }
0xc8: {  	_ =	strace $0x9000004B  }
0xc9: {  	_ =	sfence  }
0xca: {  	s30 =	sld [smem:$0x0];
	_ =	sdelay $0x2  }
0xcb: {  	s31 =	sshll.u32 s1, $0xD;
	s1 =	sshrl.u32 s1, $0x2  }
0xcc: {  	s4 =	sand.u32 $0x4000, s31;
	s1 =	sadd.s32 s1, s30  }
0xcd: {  	s0 =	sor.u32 s4, s0;
	s1 =	sshll.u32 s1, $0x11  }
0xce: {  	s0 =	sor.u32 s1, s0  }
0xcf: {  	s0 =	sadd.s32 $0x8F2B, s0  }
0xd0: {  	[sflag:s0] =	ssyncadd.remote.s32 $0x1  }
0xd1: {  	_ =	sfence.sel $0xFFFF  }
0xd2: {  	[dreg:$0x0] =	wrdreg $0xFFFFFFFF;
	(pc) =	sbr.abs _section_cstart, $3  }
0xd3: {  	[dreg:$0x1] =	wrdreg $0xFFFFFFFF  }
0xd4: {  	_ =	task.clear_ibuf [dreg:s22], $0x2FFFF;
	_ =	strace $0x9FFFFFFF  }
0xd5: {  	(tm) =	ssettm $0x7FFFFFFF  }
tec
execute0_lowered:
.L_overlay_start_1:
0x0: {  	(tag) =	ssettag $0x1  }
0x1: {  	s1 =	rddreg [dreg:$0x0]  }
0x2: {  	s2 =	rddreg [dreg:$0x1];
	s0 =	srdreg.scid  }
0x3: {  	s3 =	rddreg [dreg:$0x2];
	s4 =	stileid.u32  }
0x4: {  	s5 =	rddreg [dreg:$0x3];
	s12 =	simm.s32 $0xD;
	s29 =	simm.s32 $0x3  }
0x5: {  	s31 =	simm.s32 $0xC;
	s30 =	simm.s32 $0x11;
	s28 =	simm.s32 $0x15  }
0x6: {  	s0 =	sand.u32 $0x1, s0;
	s6 =	sshll.u32 s4, $0x9;
	s4 =	simm.s32 $0x0  }
0x7: {  	s9 =	sadd.s32 $0x63E00, s5;
	s10 =	sadd.s32 $0x83E00, s5;
	s7 =	sshll.u32 s0, $0x8  }
0x8: {  	[smem:$0x7FF] =	sst s4;
	s0 =	ssub.s32 $0x2, s0;
	s6 =	sor.u32 s7, s6  }
0x9: {  	_ =	strace $0x8000004A;
	s11 =	sshrl.u32 s0, $0x1;
	s7 =	sshrl.u32 s6, $0x3  }
0xa: {  	s0 =	ssub.s32 s0, s11;
	s6 =	sshll.u32 s6, $0x4;
	s3 =	sadd.s32 s3, s7  }
0xb: {  	s11 =	simm.s32 $0x13;
	s14 =	sadd.s32 s9, s6;
	[dreg:$0x5] =	wrdreg s3  }
0xc: {  	s8 =	sadd.s32 s7, s5;
	s15 =	sadd.s32 s10, s6;
	[dreg:$0x7] =	wrdreg s14  }
0xd: {  	s5 =	sadd.s32 $0xA3E00, s5;
	s0 =	smax.u32 s0, $0x1;
	[dreg:$0x8] =	wrdreg s15  }
0xe: {  	s17 =	sor.u32 $0x400, s6;
	s13 =	sadd.s32 $0x63A00, s8;
	[dreg:$0x13] =	wrdreg s0  }
0xf: {  	s20 =	sor.u32 $0x800, s6;
	s16 =	sadd.s32 s5, s6;
	[dreg:$0x6] =	wrdreg s13  }
0x10: {  	s22 =	sor.u32 $0xC00, s6;
	s18 =	sadd.s32 s9, s17;
	[dreg:$0x9] =	wrdreg s16  }
0x11: {  	s7 =	simm.s32 $0x4;
	s19 =	sadd.s32 s10, s17;
	[dreg:$0xa] =	wrdreg s18  }
0x12: {  	s3 =	sadd.s32 s5, s17;
	s21 =	sadd.s32 s9, s20;
	[dreg:$0xb] =	wrdreg s19  }
0x13: {  	s23 =	sadd.s32 s10, s20;
	s24 =	sadd.s32 s5, s20;
	[dreg:$0xc] =	wrdreg s3  }
0x14: {  	s25 =	sadd.s32 s9, s22;
	s26 =	sadd.s32 s10, s22;
	[dreg:$0xd] =	wrdreg s21  }
0x15: {  	s20 =	simm.s32 $0x16;
	s6 =	simm.s32 $0x1;
	[dreg:$0xe] =	wrdreg s23  }
0x16: {  	s9 =	simm.s32 $0x7;
	s10 =	simm.s32 $0xA;
	[dreg:$0xf] =	wrdreg s24  }
0x17: {  	s15 =	simm.s32 $0x5;
	s17 =	simm.s32 $0xB;
	[dreg:$0x10] =	wrdreg s25  }
0x18: {  	s0 =	simm.s32 $0xE;
	s8 =	simm.s32 $0x12;
	[dreg:$0x11] =	wrdreg s26  }
0x19: {  	s3 =	sadd.s32 s5, s22;
	s22 =	simm.s32 $0x40;
	s25 =	simm.s32 $0xC200  }
0x1a: {  	s26 =	simm.s32 $0x12200;
	s13 =	simm.s32 $0x10;
	s16 =	simm.s32 $0x8  }
0x1b: {  	s18 =	simm.s32 $0x6;
	s19 =	simm.s32 $0x9;
	s5 =	simm.s32 $0xF  }
0x1c: {  	s23 =	simm.s32 $0x0;
	[dreg:$0x12] =	wrdreg s3;
	s3 =	simm.s32 $0x14  }
.LBB2_1:
0x1d: {  	s14 =	rddreg [dreg:$0x5]  }
0x1e: {  	[tilespmem:s4], [sflag:$0x16] =	stream.linear.gather [hbm4b:s14+s4], $0x100, $0x38;
	[tilespmem:$0x1E200] =	vst v63  }
0x1f: {  	_ =	swait.ge [sflag:s20], $0x100  }
0x20: {  	[sflag:s20] =	ssyncset.done $0x0  }
0x21: {  	s21 =	simm.s32 $0x100;
	s24 =	rddreg [dreg:$0x6];
	[sflag:s20] =	ssyncadd.s32 $0xFFFFFF00  }
0x22: {  	[tilespmem:s21], [sflag:$0x16] =	stream.linear.gather [hbm4b:s24+s4], $0x100, $0x38;
	[tilespmem:$0x1E200] =	vst v63  }
0x23: {  	_ =	swait.ge [sflag:s20], $0x100  }
0x24: {  	[sflag:s20] =	ssyncset.done $0x0  }
0x25: {  	s24 =	simm.s32 $0x200;
	[sflag:s20] =	ssyncadd.s32 $0xFFFFFF00  }
0x26: {  	[tilespmem:s24], [sflag:$0x1] =	stream.indirect.gather [hbm4b:s1+s22], $0x80, s4, s22, $0xb8;
	[tilespmem:$0x1E200] =	vst v63  }
0x27: {  	s24 =	simm.s32 $0x6200  }
0x28: {  	[tilespmem:s24], [sflag:$0x4] =	stream.indirect.gather [hbm4b:s1+s22], $0x80, s21, s22, $0xb8;
	[tilespmem:$0x1E200] =	vst v63  }
0x29: {  	_ = 	snop  }
0x2a: {  	[tilespmem:s25], [sflag:$0x7] =	stream.indirect.gather [hbm4b:s2+s22], $0x80, s4, s22, $0xb8;
	[tilespmem:$0x1E200] =	vst v63  }
0x2b: {  	_ = 	snop  }
0x2c: {  	[tilespmem:s26], [sflag:$0xA] =	stream.indirect.gather [hbm4b:s2+s22], $0x80, s21, s22, $0xb8;
	[tilespmem:$0x1E200] =	vst v63  }
0x2d: {  	s21 =	simm.s32 $0x2200  }
0x2e: {  	[tilespmem:s21], [sflag:$0x2] =	stream.indirect.gather [hbm4b:s1+s22], $0x80, s22, s22, $0xb8;
	[tilespmem:$0x1E200] =	vst v63  }
0x2f: {  	s14 =	simm.s32 $0x140;
	s24 =	simm.s32 $0x8200  }
0x30: {  	[tilespmem:s24], [sflag:$0x5] =	stream.indirect.gather [hbm4b:s1+s22], $0x80, s14, s22, $0xb8;
	[tilespmem:$0x1E200] =	vst v63  }
0x31: {  	s24 =	simm.s32 $0xE200  }
0x32: {  	[tilespmem:s24], [sflag:$0x8] =	stream.indirect.gather [hbm4b:s2+s22], $0x80, s22, s22, $0xb8;
	[tilespmem:$0x1E200] =	vst v63  }
0x33: {  	s24 =	simm.s32 $0x14200  }
0x34: {  	[tilespmem:s24], [sflag:$0xB] =	stream.indirect.gather [hbm4b:s2+s22], $0x80, s14, s22, $0xb8;
	[tilespmem:$0x1E200] =	vst v63  }
0x35: {  	s14 =	simm.s32 $0x80;
	s24 =	simm.s32 $0x4200  }
0x36: {  	[tilespmem:s24], [sflag:$0x3] =	stream.indirect.gather [hbm4b:s1+s22], $0x80, s14, s22, $0xb8;
	[tilespmem:$0x1E200] =	vst v63  }
0x37: {  	s21 =	simm.s32 $0x180;
	s24 =	simm.s32 $0xA200  }
0x38: {  	[tilespmem:s24], [sflag:$0x6] =	stream.indirect.gather [hbm4b:s1+s22], $0x80, s21, s22, $0xb8;
	[tilespmem:$0x1E200] =	vst v63  }
0x39: {  	s24 =	simm.s32 $0x10200  }
0x3a: {  	[tilespmem:s24], [sflag:$0x9] =	stream.indirect.gather [hbm4b:s2+s22], $0x80, s14, s22, $0xb8;
	[tilespmem:$0x1E200] =	vst v63  }
0x3b: {  	s24 =	simm.s32 $0x16200  }
0x3c: {  	[tilespmem:s24], [sflag:$0xC] =	stream.indirect.gather [hbm4b:s2+s22], $0x80, s21, s22, $0xb8;
	[tilespmem:$0x1E200] =	vst v63  }
0x3d: {  	_ =	swait.ge [sflag:s6], $0x2000  }
0x3e: {  	[sflag:s6] =	ssyncset.done $0x0  }
0x3f: {  	[sflag:s6] =	ssyncadd.s32 $0xFFFFE000  }
0x40: {  	_ =	swait.ge [sflag:s7], $0x2000  }
0x41: {  	[sflag:s7] =	ssyncset.done $0x0  }
0x42: {  	s24 =	simm.s32 $0x0;
	[sflag:s7] =	ssyncadd.s32 $0xFFFFE000  }
0x43: {  	v0 =	vld [tilespmem:s24+$0x270]  }
0x44: {  	v1 =	vld [tilespmem:s24+$0x6270]  }
0x45: {  	v2 =	vld [tilespmem:s24+$0x200]  }
0x46: {  	v3 =	vld [tilespmem:s24+$0x6200]  }
0x47: {  	v4 =	vld [tilespmem:s24+$0x210]  }
0x48: {  	v5 =	vld [tilespmem:s24+$0x6210]  }
0x49: {  	v6 =	vld [tilespmem:s24+$0x220]  }
0x4a: {  	v7 =	vld [tilespmem:s24+$0x230]  }
0x4b: {  	v0 =	vmul.f32 v1, v0;
	v1 =	vld [tilespmem:s24+$0x6220]  }
0x4c: {  	v8 =	vld [tilespmem:s24+$0x6230]  }
0x4d: {  	v9 =	vld [tilespmem:s24+$0x6240];
	v2 =	vmul.f32 v3, v2  }
0x4e: {  	[tilespmem:s24+$0x18270] =	vst v0;
	v0 =	vmul.f32 v5, v4;
	v5 =	vld [tilespmem:s24+$0x240]  }
0x4f: {  	v3 =	vld [tilespmem:s24+$0x6250];
	[tilespmem:s24+$0x18200] =	vst v2  }
0x50: {  	v2 =	vld [tilespmem:s24+$0x250];
	[tilespmem:s24+$0x18210] =	vst v0;
	v0 =	vmul.f32 v1, v6  }
0x51: {  	v4 =	vld [tilespmem:s24+$0x6260];
	v6 =	vmul.f32 v8, v7  }
0x52: {  	s21 =	simm.s32 $0x80;
	[tilespmem:s24+$0x18220] =	vst v0;
	v0 =	vld [tilespmem:s24+$0x260]  }
0x53: {  	s14 =	simm.s32 $0x400;
	v5 =	vmul.f32 v9, v5;
	v1 =	vld [tilespmem:s21+$0x270];
	[tilespmem:s24+$0x18230] =	vst v6  }
.LBB2_2:
0x54: {  	p0 =	sne.s32 s14, $0x7E00;
	v6 =	vld [tilespmem:s21+$0x6270]  }
0x55: {  	v7 =	vld [tilespmem:s21+$0x200];
	[tilespmem:s24+$0x18240] =	vst v5;
	v2 =	vmul.f32 v3, v2  }
0x56: {  	v3 =	vld [tilespmem:s21+$0x6200]  }
0x57: {  	v5 =	vld [tilespmem:s21+$0x210];
	[tilespmem:s24+$0x18250] =	vst v2;
	v0 =	vmul.f32 v4, v0  }
0x58: {  	v2 =	vld [tilespmem:s21+$0x6210]  }
0x59: {  	v4 =	vld [tilespmem:s21+$0x220];
	v1 =	vmul.f32 v6, v1;
	[tilespmem:s24+$0x18260] =	vst v0;
	s24 =	smov.u32 s21  }
0x5a: {  	v0 =	vld [tilespmem:s24+$0x6220]  }
0x5b: {  	v3 =	vmul.f32 v3, v7;
	v6 =	vld [tilespmem:s24+$0x230];
	[tilespmem:s24+$0x18270] =	vst v1  }
0x5c: {  	v1 =	vld [tilespmem:s24+$0x6230]  }
0x5d: {  	[tilespmem:s24+$0x18200] =	vst v3;
	v2 =	vmul.f32 v2, v5;
	v5 =	vld [tilespmem:s24+$0x240]  }
0x5e: {  	v7 =	vld [tilespmem:s24+$0x6240]  }
.Ltmp0:
0x5f: {  	[tilespmem:s24+$0x18210] =	vst v2;
	v0 =	vmul.f32 v0, v4;
	v2 =	vld [tilespmem:s24+$0x250];
	(pc) =	sbr.rel @p0 .LBB2_2-.Ltmp0, $4  }
0x60: {  	v3 =	vld [tilespmem:s24+$0x6250]  }
0x61: {  	[tilespmem:s24+$0x18220] =	vst v0;
	v6 =	vmul.f32 v1, v6;
	v0 =	vld [tilespmem:s24+$0x260]  }
0x62: {  	s21 =	sshra.s32 s14, $0x2;
	v4 =	vld [tilespmem:s24+$0x6260]  }
0x63: {  	s14 =	sadd.s32 $0x200, s14;
	v1 =	vld [tilespmem:s21+$0x270];
	[tilespmem:s24+$0x18230] =	vst v6;
	v5 =	vmul.f32 v7, v5  }
0x64: {  	v6 =	vld [tilespmem:s21+$0x6270]  }
0x65: {  	v7 =	vld [tilespmem:s21+$0x200];
	[tilespmem:s24+$0x18240] =	vst v5;
	v2 =	vmul.f32 v3, v2  }
0x66: {  	v3 =	vld [tilespmem:s21+$0x6200]  }
0x67: {  	v5 =	vld [tilespmem:s21+$0x210];
	[tilespmem:s24+$0x18250] =	vst v2;
	v0 =	vmul.f32 v4, v0  }
0x68: {  	v2 =	vld [tilespmem:s21+$0x6210]  }
0x69: {  	v4 =	vld [tilespmem:s21+$0x220];
	[tilespmem:s24+$0x18260] =	vst v0  }
0x6a: {  	v0 =	vmul.f32 v6, v1;
	v1 =	vld [tilespmem:s21+$0x6220]  }
0x6b: {  	v6 =	vld [tilespmem:s21+$0x230]  }
0x6c: {  	v3 =	vmul.f32 v3, v7;
	[tilespmem:s21+$0x18270] =	vst v0;
	v0 =	vld [tilespmem:s21+$0x6230]  }
0x6d: {  	v7 =	vld [tilespmem:s21+$0x6260]  }
0x6e: {  	[tilespmem:s21+$0x18200] =	vst v3;
	v2 =	vmul.f32 v2, v5;
	v3 =	vld [tilespmem:s21+$0x240]  }
0x6f: {  	v5 =	vld [tilespmem:s21+$0x6240]  }
0x70: {  	[tilespmem:s21+$0x18210] =	vst v2;
	v1 =	vmul.f32 v1, v4;
	v2 =	vld [tilespmem:s21+$0x250]  }
0x71: {  	v4 =	vld [tilespmem:s21+$0x6250]  }
0x72: {  	[tilespmem:s21+$0x18220] =	vst v1;
	v1 =	vld [tilespmem:s21+$0x260];
	_ =	sdelay $0x1  }
0x73: {  	v0 =	vmul.f32 v0, v6  }
0x74: {  	v3 =	vmul.f32 v5, v3  }
0x75: {  	[tilespmem:s21+$0x18230] =	vst v0;
	v0 =	vmul.f32 v4, v2  }
0x76: {  	[tilespmem:s21+$0x18240] =	vst v3;
	v1 =	vmul.f32 v7, v1  }
0x77: {  	[tilespmem:s21+$0x18250] =	vst v0  }
0x78: {  	s14 =	simm.s32 $0x0;
	s24 =	simm.s32 $0x18200;
	[tilespmem:s21+$0x18260] =	vst v1;
	s21 =	rddreg [dreg:$0x7]  }
0x79: {  	[hbm4b:s21+s14] =	stream.linear.scatter [tilespmem:s24], [sflag:$0x13], $0x2000, $0x38;
	[tilespmem:$0x1E200] =	vst v63  }
0x7a: {  	_ =	swait.ge [sflag:s9], $0x2000  }
0x7b: {  	[sflag:s9] =	ssyncset.done $0x0  }
0x7c: {  	s24 =	rddreg [dreg:$0x8];
	[sflag:s9] =	ssyncadd.s32 $0xFFFFE000  }
0x7d: {  	[hbm4b:s24+s14] =	stream.linear.scatter [tilespmem:s25], [sflag:$0xD], $0x2000, $0x38;
	[tilespmem:$0x1E200] =	vst v63  }
0x7e: {  	_ =	swait.ge [sflag:s10], $0x2000  }
0x7f: {  	[sflag:s10] =	ssyncset.done $0x0  }
0x80: {  	s24 =	rddreg [dreg:$0x9];
	[sflag:s10] =	ssyncadd.s32 $0xFFFFE000  }
0x81: {  	[hbm4b:s24+s14] =	stream.linear.scatter [tilespmem:s26], [sflag:$0x10], $0x2000, $0x38;
	[tilespmem:$0x1E200] =	vst v63  }
0x82: {  	_ =	swait.ge [sflag:s11], $0x2000  }
0x83: {  	[sflag:s11] =	ssyncset.done $0x0  }
0x84: {  	[sflag:s11] =	ssyncadd.s32 $0xFFFFE000  }
0x85: {  	_ =	swait.ge [sflag:s12], $0x2000  }
0x86: {  	[sflag:s12] =	ssyncset.done $0x0  }
0x87: {  	[sflag:s12] =	ssyncadd.s32 $0xFFFFE000  }
0x88: {  	_ =	swait.ge [sflag:s13], $0x2000  }
0x89: {  	[sflag:s13] =	ssyncset.done $0x0  }
0x8a: {  	s21 =	simm.s32 $0xC0;
	s24 =	simm.s32 $0x200;
	[sflag:s13] =	ssyncadd.s32 $0xFFFFE000  }
0x8b: {  	[tilespmem:s24], [sflag:$0x1] =	stream.indirect.gather [hbm4b:s1+s22], $0x80, s21, s22, $0xb8;
	[tilespmem:$0x1E200] =	vst v63  }
0x8c: {  	s14 =	simm.s32 $0x6200;
	s24 =	simm.s32 $0x1C0  }
0x8d: {  	[tilespmem:s14], [sflag:$0x4] =	stream.indirect.gather [hbm4b:s1+s22], $0x80, s24, s22, $0xb8;
	[tilespmem:$0x1E200] =	vst v63  }
0x8e: {  	_ = 	snop  }
0x8f: {  	[tilespmem:s25], [sflag:$0x7] =	stream.indirect.gather [hbm4b:s2+s22], $0x80, s21, s22, $0xb8;
	[tilespmem:$0x1E200] =	vst v63  }
0x90: {  	_ = 	snop  }
0x91: {  	[tilespmem:s26], [sflag:$0xA] =	stream.indirect.gather [hbm4b:s2+s22], $0x80, s24, s22, $0xb8;
	[tilespmem:$0x1E200] =	vst v63  }
0x92: {  	s24 =	simm.s32 $0x2  }
0x93: {  	_ =	swait.ge [sflag:s24], $0x2000  }
0x94: {  	[sflag:s24] =	ssyncset.done $0x0  }
0x95: {  	[sflag:s24] =	ssyncadd.s32 $0xFFFFE000  }
0x96: {  	_ =	swait.ge [sflag:s15], $0x2000  }
0x97: {  	[sflag:s15] =	ssyncset.done $0x0  }
0x98: {  	s24 =	simm.s32 $0x0;
	[sflag:s15] =	ssyncadd.s32 $0xFFFFE000  }
0x99: {  	v0 =	vld [tilespmem:s24+$0x2270]  }
0x9a: {  	v1 =	vld [tilespmem:s24+$0x8270]  }
0x9b: {  	v2 =	vld [tilespmem:s24+$0x2200]  }
0x9c: {  	v3 =	vld [tilespmem:s24+$0x8200]  }
0x9d: {  	v4 =	vld [tilespmem:s24+$0x2210]  }
0x9e: {  	v5 =	vld [tilespmem:s24+$0x8210]  }
0x9f: {  	v6 =	vld [tilespmem:s24+$0x2220]  }
0xa0: {  	v7 =	vld [tilespmem:s24+$0x2230]  }
0xa1: {  	v0 =	vmul.f32 v1, v0;
	v1 =	vld [tilespmem:s24+$0x8220]  }
0xa2: {  	v8 =	vld [tilespmem:s24+$0x8230]  }
0xa3: {  	v9 =	vld [tilespmem:s24+$0x8240];
	v2 =	vmul.f32 v3, v2  }
0xa4: {  	[tilespmem:s24+$0x1A270] =	vst v0;
	v0 =	vmul.f32 v5, v4;
	v5 =	vld [tilespmem:s24+$0x2240]  }
0xa5: {  	v3 =	vld [tilespmem:s24+$0x8250];
	[tilespmem:s24+$0x1A200] =	vst v2  }
0xa6: {  	v2 =	vld [tilespmem:s24+$0x2250];
	[tilespmem:s24+$0x1A210] =	vst v0;
	v0 =	vmul.f32 v1, v6  }
0xa7: {  	v4 =	vld [tilespmem:s24+$0x8260];
	v6 =	vmul.f32 v8, v7  }
0xa8: {  	s21 =	simm.s32 $0x80;
	[tilespmem:s24+$0x1A220] =	vst v0;
	v0 =	vld [tilespmem:s24+$0x2260]  }
0xa9: {  	s14 =	simm.s32 $0x400;
	v5 =	vmul.f32 v9, v5;
	v1 =	vld [tilespmem:s21+$0x2270];
	[tilespmem:s24+$0x1A230] =	vst v6  }
.LBB2_4:
0xaa: {  	p0 =	sne.s32 s14, $0x7E00;
	v6 =	vld [tilespmem:s21+$0x8270]  }
0xab: {  	v7 =	vld [tilespmem:s21+$0x2200];
	[tilespmem:s24+$0x1A240] =	vst v5;
	v2 =	vmul.f32 v3, v2  }
0xac: {  	v3 =	vld [tilespmem:s21+$0x8200]  }
0xad: {  	v5 =	vld [tilespmem:s21+$0x2210];
	[tilespmem:s24+$0x1A250] =	vst v2;
	v0 =	vmul.f32 v4, v0  }
0xae: {  	v2 =	vld [tilespmem:s21+$0x8210]  }
0xaf: {  	v4 =	vld [tilespmem:s21+$0x2220];
	v1 =	vmul.f32 v6, v1;
	[tilespmem:s24+$0x1A260] =	vst v0;
	s24 =	smov.u32 s21  }
0xb0: {  	v0 =	vld [tilespmem:s24+$0x8220]  }
0xb1: {  	v3 =	vmul.f32 v3, v7;
	v6 =	vld [tilespmem:s24+$0x2230];
	[tilespmem:s24+$0x1A270] =	vst v1  }
0xb2: {  	v1 =	vld [tilespmem:s24+$0x8230]  }
0xb3: {  	[tilespmem:s24+$0x1A200] =	vst v3;
	v2 =	vmul.f32 v2, v5;
	v5 =	vld [tilespmem:s24+$0x2240]  }
0xb4: {  	v7 =	vld [tilespmem:s24+$0x8240]  }
.Ltmp1:
0xb5: {  	[tilespmem:s24+$0x1A210] =	vst v2;
	v0 =	vmul.f32 v0, v4;
	v2 =	vld [tilespmem:s24+$0x2250];
	(pc) =	sbr.rel @p0 .LBB2_4-.Ltmp1, $4  }
0xb6: {  	v3 =	vld [tilespmem:s24+$0x8250]  }
0xb7: {  	[tilespmem:s24+$0x1A220] =	vst v0;
	v6 =	vmul.f32 v1, v6;
	v0 =	vld [tilespmem:s24+$0x2260]  }
0xb8: {  	s21 =	sshra.s32 s14, $0x2;
	v4 =	vld [tilespmem:s24+$0x8260]  }
0xb9: {  	s14 =	sadd.s32 $0x200, s14;
	v1 =	vld [tilespmem:s21+$0x2270];
	[tilespmem:s24+$0x1A230] =	vst v6;
	v5 =	vmul.f32 v7, v5  }
0xba: {  	v6 =	vld [tilespmem:s21+$0x8270]  }
0xbb: {  	v7 =	vld [tilespmem:s21+$0x2200];
	[tilespmem:s24+$0x1A240] =	vst v5;
	v2 =	vmul.f32 v3, v2  }
0xbc: {  	v3 =	vld [tilespmem:s21+$0x8200]  }
0xbd: {  	v5 =	vld [tilespmem:s21+$0x2210];
	[tilespmem:s24+$0x1A250] =	vst v2;
	v0 =	vmul.f32 v4, v0  }
0xbe: {  	v2 =	vld [tilespmem:s21+$0x8210]  }
0xbf: {  	v4 =	vld [tilespmem:s21+$0x2220];
	[tilespmem:s24+$0x1A260] =	vst v0  }
0xc0: {  	v0 =	vmul.f32 v6, v1;
	v1 =	vld [tilespmem:s21+$0x8220]  }
0xc1: {  	v6 =	vld [tilespmem:s21+$0x2230]  }
0xc2: {  	v3 =	vmul.f32 v3, v7;
	[tilespmem:s21+$0x1A270] =	vst v0;
	v0 =	vld [tilespmem:s21+$0x8230]  }
0xc3: {  	v7 =	vld [tilespmem:s21+$0x8260]  }
0xc4: {  	[tilespmem:s21+$0x1A200] =	vst v3;
	v2 =	vmul.f32 v2, v5;
	v3 =	vld [tilespmem:s21+$0x2240]  }
0xc5: {  	v5 =	vld [tilespmem:s21+$0x8240]  }
0xc6: {  	[tilespmem:s21+$0x1A210] =	vst v2;
	v1 =	vmul.f32 v1, v4;
	v2 =	vld [tilespmem:s21+$0x2250]  }
0xc7: {  	v4 =	vld [tilespmem:s21+$0x8250]  }
0xc8: {  	[tilespmem:s21+$0x1A220] =	vst v1;
	v1 =	vld [tilespmem:s21+$0x2260];
	_ =	sdelay $0x1  }
0xc9: {  	v0 =	vmul.f32 v0, v6  }
0xca: {  	v3 =	vmul.f32 v5, v3  }
0xcb: {  	[tilespmem:s21+$0x1A230] =	vst v0;
	v0 =	vmul.f32 v4, v2  }
0xcc: {  	[tilespmem:s21+$0x1A240] =	vst v3;
	v1 =	vmul.f32 v7, v1  }
0xcd: {  	[tilespmem:s21+$0x1A250] =	vst v0  }
0xce: {  	s14 =	simm.s32 $0x0;
	s24 =	simm.s32 $0x1A200;
	[tilespmem:s21+$0x1A260] =	vst v1;
	s21 =	rddreg [dreg:$0xa]  }
0xcf: {  	[hbm4b:s21+s14] =	stream.linear.scatter [tilespmem:s24], [sflag:$0x14], $0x2000, $0x38;
	[tilespmem:$0x1E200] =	vst v63  }
0xd0: {  	_ =	swait.ge [sflag:s16], $0x2000  }
0xd1: {  	[sflag:s16] =	ssyncset.done $0x0  }
0xd2: {  	s24 =	simm.s32 $0xE200;
	s21 =	rddreg [dreg:$0xb];
	[sflag:s16] =	ssyncadd.s32 $0xFFFFE000  }
0xd3: {  	[hbm4b:s21+s14] =	stream.linear.scatter [tilespmem:s24], [sflag:$0xE], $0x2000, $0x38;
	[tilespmem:$0x1E200] =	vst v63  }
0xd4: {  	_ =	swait.ge [sflag:s17], $0x2000  }
0xd5: {  	[sflag:s17] =	ssyncset.done $0x0  }
0xd6: {  	s24 =	simm.s32 $0x14200;
	s21 =	rddreg [dreg:$0xc];
	[sflag:s17] =	ssyncadd.s32 $0xFFFFE000  }
0xd7: {  	[hbm4b:s21+s14] =	stream.linear.scatter [tilespmem:s24], [sflag:$0x11], $0x2000, $0x38;
	[tilespmem:$0x1E200] =	vst v63  }
0xd8: {  	_ =	swait.ge [sflag:s29], $0x2000  }
0xd9: {  	[sflag:s29] =	ssyncset.done $0x0  }
0xda: {  	[sflag:s29] =	ssyncadd.s32 $0xFFFFE000  }
0xdb: {  	_ =	swait.ge [sflag:s18], $0x2000  }
0xdc: {  	[sflag:s18] =	ssyncset.done $0x0  }
0xdd: {  	s24 =	simm.s32 $0x0;
	[sflag:s18] =	ssyncadd.s32 $0xFFFFE000  }
0xde: {  	v0 =	vld [tilespmem:s24+$0x4270]  }
0xdf: {  	v1 =	vld [tilespmem:s24+$0xA270]  }
0xe0: {  	v2 =	vld [tilespmem:s24+$0x4200]  }
0xe1: {  	v3 =	vld [tilespmem:s24+$0xA200]  }
0xe2: {  	v4 =	vld [tilespmem:s24+$0x4210]  }
0xe3: {  	v5 =	vld [tilespmem:s24+$0xA210]  }
0xe4: {  	v6 =	vld [tilespmem:s24+$0x4220]  }
0xe5: {  	v7 =	vld [tilespmem:s24+$0x4230]  }
0xe6: {  	v0 =	vmul.f32 v1, v0;
	v1 =	vld [tilespmem:s24+$0xA220]  }
0xe7: {  	v8 =	vld [tilespmem:s24+$0xA230]  }
0xe8: {  	v9 =	vld [tilespmem:s24+$0xA240];
	v2 =	vmul.f32 v3, v2  }
0xe9: {  	[tilespmem:s24+$0x1C270] =	vst v0;
	v0 =	vmul.f32 v5, v4;
	v5 =	vld [tilespmem:s24+$0x4240]  }
0xea: {  	v3 =	vld [tilespmem:s24+$0xA250];
	[tilespmem:s24+$0x1C200] =	vst v2  }
0xeb: {  	v2 =	vld [tilespmem:s24+$0x4250];
	[tilespmem:s24+$0x1C210] =	vst v0;
	v0 =	vmul.f32 v1, v6  }
0xec: {  	v4 =	vld [tilespmem:s24+$0xA260];
	v6 =	vmul.f32 v8, v7  }
0xed: {  	s21 =	simm.s32 $0x80;
	[tilespmem:s24+$0x1C220] =	vst v0;
	v0 =	vld [tilespmem:s24+$0x4260]  }
0xee: {  	s14 =	simm.s32 $0x400;
	v5 =	vmul.f32 v9, v5;
	v1 =	vld [tilespmem:s21+$0x4270];
	[tilespmem:s24+$0x1C230] =	vst v6  }
.LBB2_6:
0xef: {  	p0 =	sne.s32 s14, $0x7E00;
	v6 =	vld [tilespmem:s21+$0xA270]  }
0xf0: {  	v7 =	vld [tilespmem:s21+$0x4200];
	[tilespmem:s24+$0x1C240] =	vst v5;
	v2 =	vmul.f32 v3, v2  }
0xf1: {  	v3 =	vld [tilespmem:s21+$0xA200]  }
0xf2: {  	v5 =	vld [tilespmem:s21+$0x4210];
	[tilespmem:s24+$0x1C250] =	vst v2;
	v0 =	vmul.f32 v4, v0  }
0xf3: {  	v2 =	vld [tilespmem:s21+$0xA210]  }
0xf4: {  	v4 =	vld [tilespmem:s21+$0x4220];
	v1 =	vmul.f32 v6, v1;
	[tilespmem:s24+$0x1C260] =	vst v0;
	s24 =	smov.u32 s21  }
0xf5: {  	v0 =	vld [tilespmem:s24+$0xA220]  }
0xf6: {  	v3 =	vmul.f32 v3, v7;
	v6 =	vld [tilespmem:s24+$0x4230];
	[tilespmem:s24+$0x1C270] =	vst v1  }
0xf7: {  	v1 =	vld [tilespmem:s24+$0xA230]  }
0xf8: {  	[tilespmem:s24+$0x1C200] =	vst v3;
	v2 =	vmul.f32 v2, v5;
	v5 =	vld [tilespmem:s24+$0x4240]  }
0xf9: {  	v7 =	vld [tilespmem:s24+$0xA240]  }
.Ltmp2:
0xfa: {  	[tilespmem:s24+$0x1C210] =	vst v2;
	v0 =	vmul.f32 v0, v4;
	v2 =	vld [tilespmem:s24+$0x4250];
	(pc) =	sbr.rel @p0 .LBB2_6-.Ltmp2, $4  }
0xfb: {  	v3 =	vld [tilespmem:s24+$0xA250]  }
0xfc: {  	[tilespmem:s24+$0x1C220] =	vst v0;
	v6 =	vmul.f32 v1, v6;
	v0 =	vld [tilespmem:s24+$0x4260]  }
0xfd: {  	s21 =	sshra.s32 s14, $0x2;
	v4 =	vld [tilespmem:s24+$0xA260]  }
0xfe: {  	s14 =	sadd.s32 $0x200, s14;
	v1 =	vld [tilespmem:s21+$0x4270];
	[tilespmem:s24+$0x1C230] =	vst v6;
	v5 =	vmul.f32 v7, v5  }
0xff: {  	v6 =	vld [tilespmem:s21+$0xA270]  }
0x100: {  	v7 =	vld [tilespmem:s21+$0x4200];
	[tilespmem:s24+$0x1C240] =	vst v5;
	v2 =	vmul.f32 v3, v2  }
0x101: {  	v3 =	vld [tilespmem:s21+$0xA200]  }
0x102: {  	v5 =	vld [tilespmem:s21+$0x4210];
	[tilespmem:s24+$0x1C250] =	vst v2;
	v0 =	vmul.f32 v4, v0  }
0x103: {  	v2 =	vld [tilespmem:s21+$0xA210]  }
0x104: {  	v4 =	vld [tilespmem:s21+$0x4220];
	[tilespmem:s24+$0x1C260] =	vst v0  }
0x105: {  	v0 =	vmul.f32 v6, v1;
	v1 =	vld [tilespmem:s21+$0xA220]  }
0x106: {  	v6 =	vld [tilespmem:s21+$0x4230]  }
0x107: {  	v3 =	vmul.f32 v3, v7;
	[tilespmem:s21+$0x1C270] =	vst v0;
	v0 =	vld [tilespmem:s21+$0xA230]  }
0x108: {  	v7 =	vld [tilespmem:s21+$0xA260]  }
0x109: {  	[tilespmem:s21+$0x1C200] =	vst v3;
	v2 =	vmul.f32 v2, v5;
	v3 =	vld [tilespmem:s21+$0x4240]  }
0x10a: {  	v5 =	vld [tilespmem:s21+$0xA240]  }
0x10b: {  	[tilespmem:s21+$0x1C210] =	vst v2;
	v1 =	vmul.f32 v1, v4;
	v2 =	vld [tilespmem:s21+$0x4250]  }
0x10c: {  	v4 =	vld [tilespmem:s21+$0xA250]  }
0x10d: {  	[tilespmem:s21+$0x1C220] =	vst v1;
	v1 =	vld [tilespmem:s21+$0x4260];
	_ =	sdelay $0x1  }
0x10e: {  	v0 =	vmul.f32 v0, v6  }
0x10f: {  	v3 =	vmul.f32 v5, v3  }
0x110: {  	[tilespmem:s21+$0x1C230] =	vst v0;
	v0 =	vmul.f32 v4, v2  }
0x111: {  	[tilespmem:s21+$0x1C240] =	vst v3;
	v1 =	vmul.f32 v7, v1  }
0x112: {  	[tilespmem:s21+$0x1C250] =	vst v0  }
0x113: {  	s14 =	simm.s32 $0x0;
	s24 =	simm.s32 $0x1C200;
	[tilespmem:s21+$0x1C260] =	vst v1;
	s21 =	rddreg [dreg:$0xd]  }
0x114: {  	[hbm4b:s21+s14] =	stream.linear.scatter [tilespmem:s24], [sflag:$0x15], $0x2000, $0x38;
	[tilespmem:$0x1E200] =	vst v63  }
0x115: {  	_ =	swait.ge [sflag:s19], $0x2000  }
0x116: {  	[sflag:s19] =	ssyncset.done $0x0  }
0x117: {  	s24 =	simm.s32 $0x10200;
	s21 =	rddreg [dreg:$0xe];
	[sflag:s19] =	ssyncadd.s32 $0xFFFFE000  }
0x118: {  	[hbm4b:s21+s14] =	stream.linear.scatter [tilespmem:s24], [sflag:$0xF], $0x2000, $0x38;
	[tilespmem:$0x1E200] =	vst v63  }
0x119: {  	_ =	swait.ge [sflag:s31], $0x2000  }
0x11a: {  	[sflag:s31] =	ssyncset.done $0x0  }
0x11b: {  	s24 =	simm.s32 $0x16200;
	s21 =	rddreg [dreg:$0xf];
	[sflag:s31] =	ssyncadd.s32 $0xFFFFE000  }
0x11c: {  	[hbm4b:s21+s14] =	stream.linear.scatter [tilespmem:s24], [sflag:$0x12], $0x2000, $0x38;
	[tilespmem:$0x1E200] =	vst v63  }
0x11d: {  	_ =	swait.ge [sflag:s6], $0x2000  }
0x11e: {  	[sflag:s6] =	ssyncset.done $0x0  }
0x11f: {  	[sflag:s6] =	ssyncadd.s32 $0xFFFFE000  }
0x120: {  	_ =	swait.ge [sflag:s7], $0x2000  }
0x121: {  	[sflag:s7] =	ssyncset.done $0x0  }
0x122: {  	s24 =	simm.s32 $0x0;
	[sflag:s7] =	ssyncadd.s32 $0xFFFFE000  }
0x123: {  	v0 =	vld [tilespmem:s24+$0x270]  }
0x124: {  	v1 =	vld [tilespmem:s24+$0x6270]  }
0x125: {  	v2 =	vld [tilespmem:s24+$0x200]  }
0x126: {  	v3 =	vld [tilespmem:s24+$0x6200]  }
0x127: {  	v4 =	vld [tilespmem:s24+$0x210]  }
0x128: {  	v5 =	vld [tilespmem:s24+$0x6210]  }
0x129: {  	v6 =	vld [tilespmem:s24+$0x220]  }
0x12a: {  	v7 =	vld [tilespmem:s24+$0x230]  }
0x12b: {  	v0 =	vmul.f32 v1, v0;
	v1 =	vld [tilespmem:s24+$0x6220]  }
0x12c: {  	v8 =	vld [tilespmem:s24+$0x6230]  }
0x12d: {  	v9 =	vld [tilespmem:s24+$0x6240];
	v2 =	vmul.f32 v3, v2  }
0x12e: {  	[tilespmem:s24+$0x18270] =	vst v0;
	v0 =	vmul.f32 v5, v4;
	v5 =	vld [tilespmem:s24+$0x240]  }
0x12f: {  	v3 =	vld [tilespmem:s24+$0x6250];
	[tilespmem:s24+$0x18200] =	vst v2  }
0x130: {  	v2 =	vld [tilespmem:s24+$0x250];
	[tilespmem:s24+$0x18210] =	vst v0;
	v0 =	vmul.f32 v1, v6  }
0x131: {  	v4 =	vld [tilespmem:s24+$0x6260];
	v6 =	vmul.f32 v8, v7  }
0x132: {  	s21 =	simm.s32 $0x80;
	[tilespmem:s24+$0x18220] =	vst v0;
	v0 =	vld [tilespmem:s24+$0x260]  }
0x133: {  	s14 =	simm.s32 $0x400;
	v5 =	vmul.f32 v9, v5;
	v1 =	vld [tilespmem:s21+$0x270];
	[tilespmem:s24+$0x18230] =	vst v6  }
.LBB2_8:
0x134: {  	p0 =	sne.s32 s14, $0x7E00;
	v6 =	vld [tilespmem:s21+$0x6270]  }
0x135: {  	v7 =	vld [tilespmem:s21+$0x200];
	[tilespmem:s24+$0x18240] =	vst v5;
	v2 =	vmul.f32 v3, v2  }
0x136: {  	v3 =	vld [tilespmem:s21+$0x6200]  }
0x137: {  	v5 =	vld [tilespmem:s21+$0x210];
	[tilespmem:s24+$0x18250] =	vst v2;
	v0 =	vmul.f32 v4, v0  }
0x138: {  	v2 =	vld [tilespmem:s21+$0x6210]  }
0x139: {  	v4 =	vld [tilespmem:s21+$0x220];
	v1 =	vmul.f32 v6, v1;
	[tilespmem:s24+$0x18260] =	vst v0;
	s24 =	smov.u32 s21  }
0x13a: {  	v0 =	vld [tilespmem:s24+$0x6220]  }
0x13b: {  	v3 =	vmul.f32 v3, v7;
	v6 =	vld [tilespmem:s24+$0x230];
	[tilespmem:s24+$0x18270] =	vst v1  }
0x13c: {  	v1 =	vld [tilespmem:s24+$0x6230]  }
0x13d: {  	[tilespmem:s24+$0x18200] =	vst v3;
	v2 =	vmul.f32 v2, v5;
	v5 =	vld [tilespmem:s24+$0x240]  }
0x13e: {  	v7 =	vld [tilespmem:s24+$0x6240]  }
.Ltmp3:
0x13f: {  	[tilespmem:s24+$0x18210] =	vst v2;
	v0 =	vmul.f32 v0, v4;
	v2 =	vld [tilespmem:s24+$0x250];
	(pc) =	sbr.rel @p0 .LBB2_8-.Ltmp3, $4  }
0x140: {  	v3 =	vld [tilespmem:s24+$0x6250]  }
0x141: {  	[tilespmem:s24+$0x18220] =	vst v0;
	v6 =	vmul.f32 v1, v6;
	v0 =	vld [tilespmem:s24+$0x260]  }
0x142: {  	s21 =	sshra.s32 s14, $0x2;
	v4 =	vld [tilespmem:s24+$0x6260]  }
0x143: {  	s14 =	sadd.s32 $0x200, s14;
	v1 =	vld [tilespmem:s21+$0x270];
	[tilespmem:s24+$0x18230] =	vst v6;
	v5 =	vmul.f32 v7, v5  }
0x144: {  	v6 =	vld [tilespmem:s21+$0x6270]  }
0x145: {  	v7 =	vld [tilespmem:s21+$0x200];
	[tilespmem:s24+$0x18240] =	vst v5;
	v2 =	vmul.f32 v3, v2  }
0x146: {  	v51 =	vld [tilespmem:s21+$0x6200]  }
0x147: {  	v5 =	vld [tilespmem:s21+$0x210];
	[tilespmem:s24+$0x18250] =	vst v2;
	v0 =	vmul.f32 v4, v0  }
0x148: {  	v2 =	vld [tilespmem:s21+$0x6210]  }
0x149: {  	v52 =	vld [tilespmem:s21+$0x220];
	[tilespmem:s24+$0x18260] =	vst v0  }
0x14a: {  	v54 =	vld [tilespmem:s21+$0x6220]  }
0x14b: {  	v55 =	vld [tilespmem:s21+$0x230]  }
0x14c: {  	v56 =	vld [tilespmem:s21+$0x6230]  }
0x14d: {  	v57 =	vld [tilespmem:s21+$0x240]  }
0x14e: {  	v58 =	vld [tilespmem:s21+$0x6240]  }
0x14f: {  	v59 =	vld [tilespmem:s21+$0x250]  }
0x150: {  	v53 =	vmul.f32 v6, v1;
	v60 =	vld [tilespmem:s21+$0x6250]  }
0x151: {  	v61 =	vld [tilespmem:s21+$0x260];
	v3 =	vmul.f32 v51, v7  }
0x152: {  	v62 =	vld [tilespmem:s21+$0x6260];
	[tilespmem:s21+$0x18270] =	vst v53;
	v2 =	vmul.f32 v2, v5  }
0x153: {  	[tilespmem:s21+$0x18200] =	vst v3;
	v1 =	vmul.f32 v54, v52  }
0x154: {  	[tilespmem:s21+$0x18210] =	vst v2;
	v0 =	vmul.f32 v56, v55  }
0x155: {  	v3 =	vmul.f32 v58, v57;
	[tilespmem:s21+$0x18220] =	vst v1  }
0x156: {  	v63 =	vmul.f32 v60, v59;
	[tilespmem:s21+$0x18230] =	vst v0  }
0x157: {  	[tilespmem:s21+$0x18240] =	vst v3;
	v1 =	vmul.f32 v62, v61  }
0x158: {  	[tilespmem:s21+$0x18250] =	vst v63  }
0x159: {  	s14 =	rddreg [dreg:$0x10];
	s24 =	simm.s32 $0x18200;
	[tilespmem:s21+$0x18260] =	vst v1  }
0x15a: {  	[hbm4b:s14+s4] =	stream.linear.scatter [tilespmem:s24], [sflag:$0x13], $0x2000, $0x38;
	[tilespmem:$0x1E200] =	vst v63  }
0x15b: {  	_ =	swait.ge [sflag:s9], $0x2000  }
0x15c: {  	[sflag:s9] =	ssyncset.done $0x0  }
0x15d: {  	s24 =	rddreg [dreg:$0x11];
	[sflag:s9] =	ssyncadd.s32 $0xFFFFE000  }
0x15e: {  	[hbm4b:s24+s4] =	stream.linear.scatter [tilespmem:s25], [sflag:$0xD], $0x2000, $0x38;
	[tilespmem:$0x1E200] =	vst v63  }
0x15f: {  	_ =	swait.ge [sflag:s10], $0x2000  }
0x160: {  	[sflag:s10] =	ssyncset.done $0x0  }
0x161: {  	s21 =	rddreg [dreg:$0x12];
	[sflag:s10] =	ssyncadd.s32 $0xFFFFE000  }
0x162: {  	[hbm4b:s21+s4] =	stream.linear.scatter [tilespmem:s26], [sflag:$0x10], $0x2000, $0x38;
	[tilespmem:$0x1E200] =	vst v63  }
0x163: {  	_ =	swait.ge [sflag:s3], $0x2000  }
0x164: {  	[sflag:s3] =	ssyncset.done $0x0  }
0x165: {  	[sflag:s3] =	ssyncadd.s32 $0xFFFFE000  }
0x166: {  	_ =	swait.ge [sflag:s0], $0x2000  }
0x167: {  	[sflag:s0] =	ssyncset.done $0x0  }
0x168: {  	[sflag:s0] =	ssyncadd.s32 $0xFFFFE000  }
0x169: {  	_ =	swait.ge [sflag:s30], $0x2000  }
0x16a: {  	[sflag:s30] =	ssyncset.done $0x0  }
0x16b: {  	[sflag:s30] =	ssyncadd.s32 $0xFFFFE000  }
0x16c: {  	_ =	swait.ge [sflag:s28], $0x2000  }
0x16d: {  	[sflag:s28] =	ssyncset.done $0x0  }
0x16e: {  	[sflag:s28] =	ssyncadd.s32 $0xFFFFE000  }
0x16f: {  	_ =	swait.ge [sflag:s5], $0x2000  }
0x170: {  	[sflag:s5] =	ssyncset.done $0x0  }
0x171: {  	[sflag:s5] =	ssyncadd.s32 $0xFFFFE000  }
0x172: {  	_ =	swait.ge [sflag:s8], $0x2000  }
0x173: {  	[sflag:s8] =	ssyncset.done $0x0  }
0x174: {  	[sflag:s8] =	ssyncadd.s32 $0xFFFFE000  }
0x175: {  	_ =	swait.ge [sflag:s11], $0x2000  }
0x176: {  	[sflag:s11] =	ssyncset.done $0x0  }
0x177: {  	[sflag:s11] =	ssyncadd.s32 $0xFFFFE000  }
0x178: {  	_ =	swait.ge [sflag:s12], $0x2000  }
0x179: {  	[sflag:s12] =	ssyncset.done $0x0  }
0x17a: {  	[sflag:s12] =	ssyncadd.s32 $0xFFFFE000  }
0x17b: {  	_ =	swait.ge [sflag:s13], $0x2000  }
0x17c: {  	s23 =	sadd.s32 $0x1, s23;
	s24 =	rddreg [dreg:$0x13]  }
0x17d: {  	p0 =	sne.s32 s23, s24  }
.Ltmp4:
0x17e: {  	_ = 	snop;
	(pc) =	sbr.rel @p0 .LBB2_1-.Ltmp4, $3  }
0x17f: {  	_ =	sdelay $0x1  }
0x180: {  	[sflag:s13] =	ssyncset.done $0x0  }
0x181: {  	[sflag:s13] =	ssyncadd.s32 $0xFFFFE000  }
0x182: {  	_ =	sfence.sel $0x180000  }
0x183: {  	[bflag:$0x0] =	sbarrier.arrive $0xFFFF  }
0x184: {  	_ =	strace $0x9000004A  }
0x185: {  	s0 =	stileid.u32;
	[bflag:$0x2] =	sbarrier.arrive $0xFFFF  }
0x186: {  	p0 =	sne.s32 s0, $0x0;
	s0 =	rddreg [dreg:$0x4]  }
0x187: {  	s0 =	sadd.s32 @!p0 $0x100000, s0  }
0x188: {  	[sflag:s0] =	ssyncadd.tile.s32 @!p0 $0x1;
	_ =	shalt  }
.Lfunc_end2:
_tile_overlayer_lowered:
.L_overlay_start_2:
0x189: {  	(tag) =	ssettag $0x2  }
0x18a: {  	s0 =	rddreg [dreg:$0x0];
	s2 =	stileid.u32  }
0x18b: {  	s1 =	rddreg [dreg:$0x1];
	p0 =	sne.s32 s2, $0x0  }
0x18c: {  	s3 =	rddreg [dreg:$0x2];
	[bflag:$0x3] =	sbarrier.arrive $0xFFFF;
	s2 =	simm.s32 @!p0 $0x1C16  }
0x18d: {  	[timem:s3], [sflag:s2] =	dma.local @!p0 [hbm:s0], s1  }
0x18e: {  	s0 =	simm.s32 @!p0 $0x16  }
0x18f: {  	_ =	swait.ge @!p0 [sflag:s0], s1  }
0x190: {  	s1 =	ssub.s32 @!p0 $0x0, s1;
	[sflag:s0] =	ssyncset.done @!p0 $0x0  }
0x191: {  	[sflag:s0] =	ssyncadd.s32 @!p0 s1  }
0x192: {  	[bflag:$0x3] =	sbarrier.arrive $0xFFFF  }
0x193: {  	_ =	shalt  }

</sc_bundles>
